<compile_context>
chip_gen: v7x
topology: tpu7x:2x2x1
jax: 0.10.2.dev20260603
libtpu: 0.0.44.dev20260713+nightly
codegen_flags: <defaults>
</compile_context>

<pallas_src>
import functools

import jax
import jax.numpy as jnp
from jax import lax
from jax.experimental import pallas as pl
from jax.experimental.pallas import tpu as pltpu
from jax.experimental.pallas import tpu_sc as plsc

_NC = 2
_NS = 16
_NW = _NC * _NS
_L = 16
_NB = 4
_SUP = 6


def _build_table(x, W, b):
    N, D = x.shape
    R = W.shape[0]
    BN = 2000

    def body(x_ref, w_ref, b_ref, o_ref):
        z = jnp.dot(x_ref[...], w_ref[0], preferred_element_type=jnp.float32)
        z = z + b_ref[0]
        o_ref[0] = jnp.where(z > 0, z, jnp.exp(z) - 1.0)

    return pl.pallas_call(
        body,
        grid=(N // BN, R),
        in_specs=[
            pl.BlockSpec((BN, D), lambda i, r: (i, 0)),
            pl.BlockSpec((1, D, D), lambda i, r: (r, 0, 0)),
            pl.BlockSpec((1, 1, D), lambda i, r: (r, 0, 0)),
        ],
        out_specs=pl.BlockSpec((1, BN, D), lambda i, r: (r, i, 0)),
        out_shape=jax.ShapeDtypeStruct((R, N, D), jnp.float32),
    )(x, W, b.reshape(R, 1, D))


def _sc_aggregate(T, src, et, dst, zeros2, zeros1, N):
    RN, D = T.shape
    E = src.shape[0]
    EW = E // _NW
    K = 64
    FULL = EW // K
    TAIL = EW - FULL * K
    NP = zeros2.shape[0]
    ZR = NP // _NS
    NSUP = FULL // _SUP
    SE = _SUP * K
    assert FULL % _NB == 0 and FULL == NSUP * _SUP and NSUP % 2 == 0
    assert (2 * _SUP) % _NB == 0

    mesh = plsc.VectorSubcoreMesh(core_axis_name="c", subcore_axis_name="s")

    scratch = [
        [pltpu.VMEM((SE,), jnp.int32) for _ in range(2)],
        [pltpu.VMEM((SE,), jnp.int32) for _ in range(2)],
        [pltpu.VMEM((SE,), jnp.int32) for _ in range(2)],
        [pltpu.VMEM((K,), jnp.int32) for _ in range(_NB)],
        [pltpu.VMEM((K,), jnp.int32) for _ in range(_NB)],
        [pltpu.VMEM((K, D), jnp.float32) for _ in range(_NB)],
        pltpu.VMEM((K,), jnp.float32),
        pltpu.VMEM_SHARED((NP, D), jnp.float32),
        pltpu.VMEM_SHARED((NP,), jnp.float32),
        [pltpu.SemaphoreType.DMA for _ in range(2)],
        [pltpu.SemaphoreType.DMA for _ in range(_NB)],
        [pltpu.SemaphoreType.DMA for _ in range(_NB)],
        pltpu.SemaphoreType.DMA,
    ]
    if TAIL:
        scratch += [
            pltpu.VMEM((TAIL,), jnp.int32),
            pltpu.VMEM((TAIL,), jnp.int32),
            pltpu.VMEM((TAIL,), jnp.int32),
            pltpu.VMEM((TAIL,), jnp.int32),
            pltpu.VMEM((TAIL, D), jnp.float32),
            pltpu.VMEM((TAIL,), jnp.float32),
        ]

    @functools.partial(
        pl.kernel,
        out_type=(
            jax.ShapeDtypeStruct((_NC, NP, D), jnp.float32),
            jax.ShapeDtypeStruct((_NC, NP), jnp.float32),
        ),
        mesh=mesh,
        scratch_types=scratch,
    )
    def body(t_hbm, src_hbm, et_hbm, dst_hbm, zero2_hbm, zero1_hbm,
             out_hbm, outdeg_hbm,
             ssrc, setv, sdst, idxv, dstw, rows, onesv, agg_sh, deg_sh,
             stsem, gsem, ssem, msem, *tailbufs):
        c = lax.axis_index("c")
        s = lax.axis_index("s")
        wid = s * _NC + c
        base = wid * EW

        def start_staging(sg, g):
            off = base + g * SE
            pltpu.async_copy(src_hbm.at[pl.ds(off, SE)], ssrc[sg], stsem[sg])
            pltpu.async_copy(et_hbm.at[pl.ds(off, SE)], setv[sg], stsem[sg])
            pltpu.async_copy(dst_hbm.at[pl.ds(off, SE)], sdst[sg], stsem[sg])

        def wait_staging(sg, g):
            off = base + g * SE
            pltpu.make_async_copy(src_hbm.at[pl.ds(off, SE)], ssrc[sg],
                                  stsem[sg]).wait()
            pltpu.make_async_copy(et_hbm.at[pl.ds(off, SE)], setv[sg],
                                  stsem[sg]).wait()
            pltpu.make_async_copy(dst_hbm.at[pl.ds(off, SE)], sdst[sg],
                                  stsem[sg]).wait()

        def calc_idx(b, sg, j):
            for i in range(K // _L):
                sl = pl.ds(j * K + i * _L, _L)
                idxv[b][pl.ds(i * _L, _L)] = setv[sg][sl] * N + ssrc[sg][sl]

        def fill_dst(b, sg, j):
            for i in range(K // _L):
                sl = pl.ds(j * K + i * _L, _L)
                dstw[b][pl.ds(i * _L, _L)] = sdst[sg][sl]

        def start_gather(b):
            pltpu.async_copy(t_hbm.at[idxv[b]], rows[b], gsem[b])

        def wait_gather(b):
            pltpu.make_async_copy(t_hbm.at[idxv[b]], rows[b],
                                  gsem[b]).wait()

        def start_scatter(b):
            pltpu.async_copy(rows[b], agg_sh.at[dstw[b]], ssem[b], add=True)
            pltpu.async_copy(onesv, deg_sh.at[dstw[b]], ssem[b], add=True)

        def wait_scatter(b):
            pltpu.make_async_copy(rows[b], agg_sh.at[dstw[b]],
                                  ssem[b]).wait()
            pltpu.make_async_copy(onesv, deg_sh.at[dstw[b]],
                                  ssem[b]).wait()

        start_staging(0, 0)
        start_staging(1, 1)

        pltpu.sync_copy(zero2_hbm.at[pl.ds(s * ZR, ZR)],
                        agg_sh.at[pl.ds(s * ZR, ZR)])
        pltpu.sync_copy(zero1_hbm.at[pl.ds(s * ZR, ZR)],
                        deg_sh.at[pl.ds(s * ZR, ZR)])

        def onesfill(i, _):
            onesv[pl.ds(i * _L, _L)] = jnp.full((_L,), 1.0, jnp.float32)
            return 0
        lax.fori_loop(0, K // _L, onesfill, 0)

        wait_staging(0, 0)
        for b in (0, 1):
            calc_idx(b, 0, b)
            fill_dst(b, 0, b)
            start_gather(b)
        plsc.subcore_barrier()

        def pair(i, _):
            for su in range(2):
                g = 2 * i + su
                sg = su
                for j in range(_SUP):
                    cur = g * _SUP + j
                    q = (su * _SUP + j) % _NB
                    p = (q + 2) % _NB
                    j2 = j + 2
                    sg2 = sg if j2 < _SUP else 1 - sg
                    jw = j2 if j2 < _SUP else j2 - _SUP

                    wait_gather(q)
                    start_scatter(q)

                    @pl.when(cur >= 2)
                    def _():
                        wait_scatter(p)

                    @pl.when(cur + 2 < FULL)
                    def _():
                        if jw == 0:
                            wait_staging(sg2, g + 1)
                        calc_idx(p, sg2, jw)
                        fill_dst(p, sg2, jw)
                        start_gather(p)

                @pl.when(g + 2 < NSUP)
                def _():
                    start_staging(sg, g + 2)
            return 0
        lax.fori_loop(0, NSUP // 2, pair, 0)
        wait_scatter((FULL - 2) % _NB)
        wait_scatter((FULL - 1) % _NB)

        if TAIL:
            src_t, et_t, idx_t, dst_t, rows_t, ones_t = tailbufs
            tb = base + FULL * K
            pltpu.sync_copy(src_hbm.at[pl.ds(tb, TAIL)], src_t)
            pltpu.sync_copy(et_hbm.at[pl.ds(tb, TAIL)], et_t)
            pltpu.sync_copy(dst_hbm.at[pl.ds(tb, TAIL)], dst_t)

            def onet(i, _):
                sl = pl.ds(i * _L, _L)
                idx_t[sl] = et_t[sl] * N + src_t[sl]
                ones_t[sl] = jnp.full((_L,), 1.0, jnp.float32)
                return 0
            lax.fori_loop(0, TAIL // _L, onet, 0)
            pltpu.async_copy(t_hbm.at[idx_t], rows_t, msem)
            pltpu.make_async_copy(t_hbm.at[idx_t], rows_t, msem).wait()
            pltpu.sync_copy(rows_t, agg_sh.at[dst_t], add=True)
            pltpu.sync_copy(ones_t, deg_sh.at[dst_t], add=True)

        plsc.subcore_barrier()
        pltpu.sync_copy(agg_sh.at[pl.ds(s * ZR, ZR)],
                        out_hbm.at[c].at[pl.ds(s * ZR, ZR)])
        pltpu.sync_copy(deg_sh.at[pl.ds(s * ZR, ZR)],
                        outdeg_hbm.at[c].at[pl.ds(s * ZR, ZR)])

    return body(T, src, et, dst, zeros2, zeros1)


def _finalize(parts, pdeg3, N, D):
    NC, NP, _ = parts.shape
    BN = 2000

    def body(p_ref, d_ref, o_ref):
        ssum = p_ref[0] + p_ref[1]
        deg = jnp.maximum(d_ref[0] + d_ref[1], 1.0)
        w = ssum / deg
        o_ref[...] = jnp.where(w > 0, w, jnp.exp(w) - 1.0)

    return pl.pallas_call(
        body,
        grid=(N // BN,),
        in_specs=[
            pl.BlockSpec((NC, BN, D), lambda i: (0, i, 0)),
            pl.BlockSpec((NC, BN, 1), lambda i: (0, i, 0)),
        ],
        out_specs=pl.BlockSpec((BN, D), lambda i: (i, 0)),
        out_shape=jax.ShapeDtypeStruct((N, D), jnp.float32),
    )(parts, pdeg3)


def kernel(x, edge_index, edge_type, W, b):
    N, D = x.shape
    R = W.shape[0]
    T = _build_table(x, W, b).reshape(R * N, D)
    src = edge_index[0]
    dst = edge_index[1]
    NP = ((N + 128 * _NS - 1) // (128 * _NS)) * (128 * _NS)
    zeros2 = jnp.zeros((NP, D), jnp.float32)
    zeros1 = jnp.zeros((NP,), jnp.float32)
    parts, pdeg = _sc_aggregate(T, src, edge_type, dst, zeros2, zeros1, N)
    return _finalize(parts, pdeg[:, :, None], N, D)

# --- scband reference (transcript-rebuilt; emitter-appended) ---
"""Pipeline reference for scband-convolutional-message-passing-framework-60894046323231 (READ-ONLY COPY).

The authoritative reference and input builder live on the scoring server;
editing this copy changes nothing except your own understanding.
"""

import jax, jax.numpy as jnp
import numpy as np

N = 10000
E = 320000
D = 128
R = 4


def setup_inputs(seed: int = 0) -> dict:
    key = jax.random.key(seed)
    k1, k2, k3, k4, k5 = jax.random.split(key, 5)
    x = jax.random.normal(k1, (N, D), dtype=jnp.float32)
    edge_index = jax.random.randint(k2, (2, E), 0, N, dtype=jnp.int32)
    edge_type = jax.random.randint(k3, (E,), 0, R, dtype=jnp.int32)
    # Per-relation message weights (basis decomposition disabled: rel_num_bases=-1)
    W = 0.05 * jax.random.normal(k4, (R, D, D), dtype=jnp.float32)
    b = 0.05 * jax.random.normal(k5, (R, D), dtype=jnp.float32)
    return {"x": x, "edge_index": edge_index, "edge_type": edge_type, "W": W, "b": b}


def reference(x, edge_index, edge_type, W, b):
    # Relational message passing, one convolutional layer, one propagation.
    # Message module: per-relation linear transform of source node state + ELU.
    # Aggregation module: mean over incoming messages at destination (norm=True,
    # no attention, no gating), then ELU nonlinearity -> new node embedding.
    src = edge_index[0]
    dst = edge_index[1]
    n = x.shape[0]
    out_feat = W.shape[2]
    # Transform every node by every relation weight (N*R*D*D flops),
    # then gather the (src, relation) pair per edge (memory-bound gather).
    xW = jnp.einsum('ni,rio->nro', x, W)
    msgs = xW[src, edge_type] + b[edge_type]
    msgs = jax.nn.elu(msgs)
    # Scatter-add messages to destination nodes and normalize by in-degree.
    agg = jnp.zeros((n, out_feat), dtype=x.dtype).at[dst].add(msgs)
    deg = jnp.zeros((n,), dtype=x.dtype).at[dst].add(1.0)
    agg = agg / jnp.clip(deg, 1.0)[:, None]
    # Aggregation module output activation (residual=False).
    h = jax.nn.elu(agg)
    return h

if __name__ == "__main__":
    import jax
    _d = setup_inputs()
    print(jax.jit(kernel)(*tuple(_d.values())))

</pallas_src>

<mosaic_0001>
#map = affine_map<(d0, d1) -> (0, 0)>
#map1 = affine_map<(d0, d1) -> (0)>
#map2 = affine_map<(d0, d1) -> (0, 0, 0)>
module attributes {stable_mosaic.version = 14 : i64} {
  func.func @body(%arg0: i32, %arg1: i32, %arg2: memref<40000x128xf32, #tpu.memory_space<hbm>>, %arg3: memref<320000xi32, #tpu.memory_space<hbm>>, %arg4: memref<320000xi32, #tpu.memory_space<hbm>>, %arg5: memref<320000xi32, #tpu.memory_space<hbm>>, %arg6: memref<10240x128xf32, #tpu.memory_space<hbm>>, %arg7: memref<10240xf32, #tpu.memory_space<hbm>>, %arg8: memref<2x10240x128xf32, #tpu.memory_space<hbm>>, %arg9: memref<2x10240xf32, #tpu.memory_space<hbm>>, %arg10: memref<384xi32, #tpu.memory_space<vmem>>, %arg11: memref<384xi32, #tpu.memory_space<vmem>>, %arg12: memref<384xi32, #tpu.memory_space<vmem>>, %arg13: memref<384xi32, #tpu.memory_space<vmem>>, %arg14: memref<384xi32, #tpu.memory_space<vmem>>, %arg15: memref<384xi32, #tpu.memory_space<vmem>>, %arg16: memref<64xi32, #tpu.memory_space<vmem>>, %arg17: memref<64xi32, #tpu.memory_space<vmem>>, %arg18: memref<64xi32, #tpu.memory_space<vmem>>, %arg19: memref<64xi32, #tpu.memory_space<vmem>>, %arg20: memref<64xi32, #tpu.memory_space<vmem>>, %arg21: memref<64xi32, #tpu.memory_space<vmem>>, %arg22: memref<64xi32, #tpu.memory_space<vmem>>, %arg23: memref<64xi32, #tpu.memory_space<vmem>>, %arg24: memref<64x128xf32, #tpu.memory_space<vmem>>, %arg25: memref<64x128xf32, #tpu.memory_space<vmem>>, %arg26: memref<64x128xf32, #tpu.memory_space<vmem>>, %arg27: memref<64x128xf32, #tpu.memory_space<vmem>>, %arg28: memref<64xf32, #tpu.memory_space<vmem>>, %arg29: memref<10240x128xf32, #tpu.memory_space<vmem_shared>>, %arg30: memref<10240xf32, #tpu.memory_space<vmem_shared>>, %arg31: memref<!tpu.dma_semaphore, #tpu.memory_space<semaphore_mem>>, %arg32: memref<!tpu.dma_semaphore, #tpu.memory_space<semaphore_mem>>, %arg33: memref<!tpu.dma_semaphore, #tpu.memory_space<semaphore_mem>>, %arg34: memref<!tpu.dma_semaphore, #tpu.memory_space<semaphore_mem>>, %arg35: memref<!tpu.dma_semaphore, #tpu.memory_space<semaphore_mem>>, %arg36: memref<!tpu.dma_semaphore, #tpu.memory_space<semaphore_mem>>, %arg37: memref<!tpu.dma_semaphore, #tpu.memory_space<semaphore_mem>>, %arg38: memref<!tpu.dma_semaphore, #tpu.memory_space<semaphore_mem>>, %arg39: memref<!tpu.dma_semaphore, #tpu.memory_space<semaphore_mem>>, %arg40: memref<!tpu.dma_semaphore, #tpu.memory_space<semaphore_mem>>, %arg41: memref<!tpu.dma_semaphore, #tpu.memory_space<semaphore_mem>>, %arg42: memref<16xi32, #tpu.memory_space<vmem>>, %arg43: memref<16xi32, #tpu.memory_space<vmem>>, %arg44: memref<16xi32, #tpu.memory_space<vmem>>, %arg45: memref<16xi32, #tpu.memory_space<vmem>>, %arg46: memref<16x128xf32, #tpu.memory_space<vmem>>, %arg47: memref<16xf32, #tpu.memory_space<vmem>>) attributes {dimension_semantics = [#tpu.dimension_semantics<core_parallel>, #tpu.dimension_semantics<subcore_parallel>], iteration_bounds = array<i64: 2, 16>, scalar_prefetch = 0 : i64, scratch_operands = 38 : i64, tpu.core_type = #tpu.core_type<sc_vector_subcore>, window_params = [{transform_indices = #map}, {transform_indices = #map1}, {transform_indices = #map1}, {transform_indices = #map1}, {transform_indices = #map}, {transform_indices = #map1}, {transform_indices = #map2}, {transform_indices = #map}]} {
    %mul3A = arith.constant 2 : i32
    %mul3A_0 = arith.muli %arg1, %mul3A : i32
    %add3A = arith.addi %mul3A_0, %arg0 : i32
    %mul3A_1 = arith.constant 10000 : i32
    %mul3A_2 = arith.muli %add3A, %mul3A_1 : i32
    %add3A_3 = arith.constant 0 : i32
    %add3A_4 = arith.addi %mul3A_2, %add3A_3 : i32
    %dma_start3A = tpu.memref_slice %arg3[%add3A_4] : memref<320000xi32, #tpu.memory_space<hbm>> -> memref<384xi32, #tpu.memory_space<hbm>>
    %dma_start3A_5 = tpu.memref_slice %arg3[%add3A_4] : memref<320000xi32, #tpu.memory_space<hbm>> -> memref<384xi32, #tpu.memory_space<hbm>>
    tpu.enqueue_dma source(%dma_start3A_5 : memref<384xi32, #tpu.memory_space<hbm>>) target(%arg10 : memref<384xi32, #tpu.memory_space<vmem>>) target_semaphore(%arg31 : memref<!tpu.dma_semaphore, #tpu.memory_space<semaphore_mem>>)
    %dma_start3A_6 = tpu.memref_slice %arg4[%add3A_4] : memref<320000xi32, #tpu.memory_space<hbm>> -> memref<384xi32, #tpu.memory_space<hbm>>
    %dma_start3A_7 = tpu.memref_slice %arg4[%add3A_4] : memref<320000xi32, #tpu.memory_space<hbm>> -> memref<384xi32, #tpu.memory_space<hbm>>
    tpu.enqueue_dma source(%dma_start3A_7 : memref<384xi32, #tpu.memory_space<hbm>>) target(%arg12 : memref<384xi32, #tpu.memory_space<vmem>>) target_semaphore(%arg31 : memref<!tpu.dma_semaphore, #tpu.memory_space<semaphore_mem>>)
    %dma_start3A_8 = tpu.memref_slice %arg5[%add3A_4] : memref<320000xi32, #tpu.memory_space<hbm>> -> memref<384xi32, #tpu.memory_space<hbm>>
    %dma_start3A_9 = tpu.memref_slice %arg5[%add3A_4] : memref<320000xi32, #tpu.memory_space<hbm>> -> memref<384xi32, #tpu.memory_space<hbm>>
    tpu.enqueue_dma source(%dma_start3A_9 : memref<384xi32, #tpu.memory_space<hbm>>) target(%arg14 : memref<384xi32, #tpu.memory_space<vmem>>) target_semaphore(%arg31 : memref<!tpu.dma_semaphore, #tpu.memory_space<semaphore_mem>>)
    %add3A_10 = arith.constant 384 : i32
    %add3A_11 = arith.addi %mul3A_2, %add3A_10 : i32
    %dma_start3A_12 = tpu.memref_slice %arg3[%add3A_11] : memref<320000xi32, #tpu.memory_space<hbm>> -> memref<384xi32, #tpu.memory_space<hbm>>
    %dma_start3A_13 = tpu.memref_slice %arg3[%add3A_11] : memref<320000xi32, #tpu.memory_space<hbm>> -> memref<384xi32, #tpu.memory_space<hbm>>
    tpu.enqueue_dma source(%dma_start3A_13 : memref<384xi32, #tpu.memory_space<hbm>>) target(%arg11 : memref<384xi32, #tpu.memory_space<vmem>>) target_semaphore(%arg32 : memref<!tpu.dma_semaphore, #tpu.memory_space<semaphore_mem>>)
    %dma_start3A_14 = tpu.memref_slice %arg4[%add3A_11] : memref<320000xi32, #tpu.memory_space<hbm>> -> memref<384xi32, #tpu.memory_space<hbm>>
    %dma_start3A_15 = tpu.memref_slice %arg4[%add3A_11] : memref<320000xi32, #tpu.memory_space<hbm>> -> memref<384xi32, #tpu.memory_space<hbm>>
    tpu.enqueue_dma source(%dma_start3A_15 : memref<384xi32, #tpu.memory_space<hbm>>) target(%arg13 : memref<384xi32, #tpu.memory_space<vmem>>) target_semaphore(%arg32 : memref<!tpu.dma_semaphore, #tpu.memory_space<semaphore_mem>>)
    %dma_start3A_16 = tpu.memref_slice %arg5[%add3A_11] : memref<320000xi32, #tpu.memory_space<hbm>> -> memref<384xi32, #tpu.memory_space<hbm>>
    %dma_start3A_17 = tpu.memref_slice %arg5[%add3A_11] : memref<320000xi32, #tpu.memory_space<hbm>> -> memref<384xi32, #tpu.memory_space<hbm>>
    tpu.enqueue_dma source(%dma_start3A_17 : memref<384xi32, #tpu.memory_space<hbm>>) target(%arg15 : memref<384xi32, #tpu.memory_space<vmem>>) target_semaphore(%arg32 : memref<!tpu.dma_semaphore, #tpu.memory_space<semaphore_mem>>)
    %mul3A_18 = arith.constant 640 : i32
    %mul3A_19 = arith.muli %arg1, %mul3A_18 : i32
    %mul3A_20 = arith.constant 640 : i32
    %mul3A_21 = arith.muli %arg1, %mul3A_20 : i32
    "tpu.region"() ({
      %run_scoped3A = tpu.sem_alloc : memref<!tpu.dma_semaphore, #tpu.memory_space<semaphore_mem>>
      %dma_start3A_270 = arith.constant 0 : i32
      %dma_start3A_271 = tpu.memref_slice %arg29[%mul3A_21, %dma_start3A_270] : memref<10240x128xf32, #tpu.memory_space<vmem_shared>> -> memref<640x128xf32, #tpu.memory_space<vmem_shared>>
      %dma_start3A_272 = arith.constant 0 : i32
      %dma_start3A_273 = tpu.memref_slice %arg6[%mul3A_19, %dma_start3A_272] : memref<10240x128xf32, #tpu.memory_space<hbm>> -> memref<640x128xf32, #tpu.memory_space<hbm>>
      tpu.enqueue_dma source(%dma_start3A_273 : memref<640x128xf32, #tpu.memory_space<hbm>>) target(%dma_start3A_271 : memref<640x128xf32, #tpu.memory_space<vmem_shared>>) target_semaphore(%run_scoped3A : memref<!tpu.dma_semaphore, #tpu.memory_space<semaphore_mem>>)
      %dma_wait3A_274 = arith.constant 0 : i32
      %dma_wait3A_275 = tpu.memref_slice %arg29[%mul3A_21, %dma_wait3A_274] : memref<10240x128xf32, #tpu.memory_space<vmem_shared>> -> memref<640x128xf32, #tpu.memory_space<vmem_shared>>
      %dma_wait3A_276 = arith.constant 0 : i32
      %dma_wait3A_277 = tpu.memref_slice %arg6[%mul3A_19, %dma_wait3A_276] : memref<10240x128xf32, #tpu.memory_space<hbm>> -> memref<640x128xf32, #tpu.memory_space<hbm>>
      tpu.wait_dma2 semaphore(%run_scoped3A : memref<!tpu.dma_semaphore, #tpu.memory_space<semaphore_mem>>) src(%dma_wait3A_277 : memref<640x128xf32, #tpu.memory_space<hbm>>) dst(%dma_wait3A_275 : memref<640x128xf32, #tpu.memory_space<vmem_shared>>)
      tpu.yield
    }) : () -> ()
    %mul3A_22 = arith.constant 640 : i32
    %mul3A_23 = arith.muli %arg1, %mul3A_22 : i32
    %mul3A_24 = arith.constant 640 : i32
    %mul3A_25 = arith.muli %arg1, %mul3A_24 : i32
    "tpu.region"() ({
      %run_scoped3A = tpu.sem_alloc : memref<!tpu.dma_semaphore, #tpu.memory_space<semaphore_mem>>
      %dma_start3A_270 = tpu.memref_slice %arg30[%mul3A_25] : memref<10240xf32, #tpu.memory_space<vmem_shared>> -> memref<640xf32, #tpu.memory_space<vmem_shared>>
      %dma_start3A_271 = tpu.memref_slice %arg7[%mul3A_23] : memref<10240xf32, #tpu.memory_space<hbm>> -> memref<640xf32, #tpu.memory_space<hbm>>
      tpu.enqueue_dma source(%dma_start3A_271 : memref<640xf32, #tpu.memory_space<hbm>>) target(%dma_start3A_270 : memref<640xf32, #tpu.memory_space<vmem_shared>>) target_semaphore(%run_scoped3A : memref<!tpu.dma_semaphore, #tpu.memory_space<semaphore_mem>>)
      %dma_wait3A_272 = tpu.memref_slice %arg30[%mul3A_25] : memref<10240xf32, #tpu.memory_space<vmem_shared>> -> memref<640xf32, #tpu.memory_space<vmem_shared>>
      %dma_wait3A_273 = tpu.memref_slice %arg7[%mul3A_23] : memref<10240xf32, #tpu.memory_space<hbm>> -> memref<640xf32, #tpu.memory_space<hbm>>
      tpu.wait_dma2 semaphore(%run_scoped3A : memref<!tpu.dma_semaphore, #tpu.memory_space<semaphore_mem>>) src(%dma_wait3A_273 : memref<640xf32, #tpu.memory_space<hbm>>) dst(%dma_wait3A_272 : memref<640xf32, #tpu.memory_space<vmem_shared>>)
      tpu.yield
    }) : () -> ()
    %scan3A = arith.constant 0 : i32
    %scan3A_26 = arith.constant 0 : i32
    %scan3A_27 = arith.constant 4 : i32
    %scan3A_28 = arith.addi %scan3A_26, %scan3A_27 : i32
    %scan3A_29 = arith.constant 1 : i32
    %scan3A_30 = scf.for %scan3A_270 = %scan3A_26 to %scan3A_28 step %scan3A_29 iter_args(%scan3A_271 = %scan3A) -> (i32)  : i32 {
      %broadcast_in_dim3A_272 = arith.constant 1.000000e+00 : f32
      %broadcast_in_dim3A_273 = vector.broadcast %broadcast_in_dim3A_272 : f32 to vector<16xf32>
      %mul3A_274 = arith.constant 16 : i32
      %mul3A_275 = arith.muli %scan3A_270, %mul3A_274 : i32
      %swap3A_276 = arith.index_cast %mul3A_275 : i32 to index
      %swap3A_277 = tpu.vector_load %arg28[%swap3A_276] {strides = array<i32>} : memref<64xf32, #tpu.memory_space<vmem>>, vector<16xf32>,
      %swap3A_278 = vector.shape_cast %swap3A_277 : vector<16xf32> to vector<16xf32>
      %swap3A_279 = vector.shape_cast %broadcast_in_dim3A_273 : vector<16xf32> to vector<16xf32>
      tpu.vector_store %arg28[%swap3A_276], %swap3A_279 {strides = array<i32>} : memref<64xf32, #tpu.memory_space<vmem>>, vector<16xf32>,
      %scan3A_280 = arith.constant 0 : i32
      scf.yield %scan3A_280 : i32
    }
    %scan3A_31 = arith.constant 4 : i32
    %add3A_32 = arith.constant 0 : i32
    %add3A_33 = arith.addi %mul3A_2, %add3A_32 : i32
    %dma_wait3A = tpu.memref_slice %arg3[%add3A_33] : memref<320000xi32, #tpu.memory_space<hbm>> -> memref<384xi32, #tpu.memory_space<hbm>>
    %dma_wait3A_34 = tpu.memref_slice %arg3[%add3A_33] : memref<320000xi32, #tpu.memory_space<hbm>> -> memref<384xi32, #tpu.memory_space<hbm>>
    tpu.wait_dma2 semaphore(%arg31 : memref<!tpu.dma_semaphore, #tpu.memory_space<semaphore_mem>>) src(%dma_wait3A_34 : memref<384xi32, #tpu.memory_space<hbm>>) dst(%arg10 : memref<384xi32, #tpu.memory_space<vmem>>)
    %dma_wait3A_35 = tpu.memref_slice %arg4[%add3A_33] : memref<320000xi32, #tpu.memory_space<hbm>> -> memref<384xi32, #tpu.memory_space<hbm>>
    %dma_wait3A_36 = tpu.memref_slice %arg4[%add3A_33] : memref<320000xi32, #tpu.memory_space<hbm>> -> memref<384xi32, #tpu.memory_space<hbm>>
    tpu.wait_dma2 semaphore(%arg31 : memref<!tpu.dma_semaphore, #tpu.memory_space<semaphore_mem>>) src(%dma_wait3A_36 : memref<384xi32, #tpu.memory_space<hbm>>) dst(%arg12 : memref<384xi32, #tpu.memory_space<vmem>>)
    %dma_wait3A_37 = tpu.memref_slice %arg5[%add3A_33] : memref<320000xi32, #tpu.memory_space<hbm>> -> memref<384xi32, #tpu.memory_space<hbm>>
    %dma_wait3A_38 = tpu.memref_slice %arg5[%add3A_33] : memref<320000xi32, #tpu.memory_space<hbm>> -> memref<384xi32, #tpu.memory_space<hbm>>
    tpu.wait_dma2 semaphore(%arg31 : memref<!tpu.dma_semaphore, #tpu.memory_space<semaphore_mem>>) src(%dma_wait3A_38 : memref<384xi32, #tpu.memory_space<hbm>>) dst(%arg14 : memref<384xi32, #tpu.memory_space<vmem>>)
    %get3A = arith.constant 0 : index
    %get3A_39 = tpu.vector_load %arg12[%get3A] {strides = array<i32>} : memref<384xi32, #tpu.memory_space<vmem>>, vector<16xi32>,
    %get3A_40 = vector.shape_cast %get3A_39 : vector<16xi32> to vector<16xi32>
    %mul3A_41 = arith.constant 10000 : i32
    %mul3A_42 = vector.broadcast %mul3A_41 : i32 to vector<16xi32>
    %mul3A_43 = arith.muli %get3A_40, %mul3A_42 : vector<16xi32>
    %get3A_44 = arith.constant 0 : index
    %get3A_45 = tpu.vector_load %arg10[%get3A_44] {strides = array<i32>} : memref<384xi32, #tpu.memory_space<vmem>>, vector<16xi32>,
    %get3A_46 = vector.shape_cast %get3A_45 : vector<16xi32> to vector<16xi32>
    %add3A_47 = arith.addi %mul3A_43, %get3A_46 : vector<16xi32>
    %swap3A = arith.constant 0 : index
    %swap3A_48 = tpu.vector_load %arg16[%swap3A] {strides = array<i32>} : memref<64xi32, #tpu.memory_space<vmem>>, vector<16xi32>,
    %swap3A_49 = vector.shape_cast %swap3A_48 : vector<16xi32> to vector<16xi32>
    %swap3A_50 = vector.shape_cast %add3A_47 : vector<16xi32> to vector<16xi32>
    tpu.vector_store %arg16[%swap3A], %swap3A_50 {strides = array<i32>} : memref<64xi32, #tpu.memory_space<vmem>>, vector<16xi32>,
    %get3A_51 = arith.constant 16 : index
    %get3A_52 = tpu.vector_load %arg12[%get3A_51] {strides = array<i32>} : memref<384xi32, #tpu.memory_space<vmem>>, vector<16xi32>,
    %get3A_53 = vector.shape_cast %get3A_52 : vector<16xi32> to vector<16xi32>
    %mul3A_54 = arith.constant 10000 : i32
    %mul3A_55 = vector.broadcast %mul3A_54 : i32 to vector<16xi32>
    %mul3A_56 = arith.muli %get3A_53, %mul3A_55 : vector<16xi32>
    %get3A_57 = arith.constant 16 : index
    %get3A_58 = tpu.vector_load %arg10[%get3A_57] {strides = array<i32>} : memref<384xi32, #tpu.memory_space<vmem>>, vector<16xi32>,
    %get3A_59 = vector.shape_cast %get3A_58 : vector<16xi32> to vector<16xi32>
    %add3A_60 = arith.addi %mul3A_56, %get3A_59 : vector<16xi32>
    %swap3A_61 = arith.constant 16 : index
    %swap3A_62 = tpu.vector_load %arg16[%swap3A_61] {strides = array<i32>} : memref<64xi32, #tpu.memory_space<vmem>>, vector<16xi32>,
    %swap3A_63 = vector.shape_cast %swap3A_62 : vector<16xi32> to vector<16xi32>
    %swap3A_64 = vector.shape_cast %add3A_60 : vector<16xi32> to vector<16xi32>
    tpu.vector_store %arg16[%swap3A_61], %swap3A_64 {strides = array<i32>} : memref<64xi32, #tpu.memory_space<vmem>>, vector<16xi32>,
    %get3A_65 = arith.constant 32 : index
    %get3A_66 = tpu.vector_load %arg12[%get3A_65] {strides = array<i32>} : memref<384xi32, #tpu.memory_space<vmem>>, vector<16xi32>,
    %get3A_67 = vector.shape_cast %get3A_66 : vector<16xi32> to vector<16xi32>
    %mul3A_68 = arith.constant 10000 : i32
    %mul3A_69 = vector.broadcast %mul3A_68 : i32 to vector<16xi32>
    %mul3A_70 = arith.muli %get3A_67, %mul3A_69 : vector<16xi32>
    %get3A_71 = arith.constant 32 : index
    %get3A_72 = tpu.vector_load %arg10[%get3A_71] {strides = array<i32>} : memref<384xi32, #tpu.memory_space<vmem>>, vector<16xi32>,
    %get3A_73 = vector.shape_cast %get3A_72 : vector<16xi32> to vector<16xi32>
    %add3A_74 = arith.addi %mul3A_70, %get3A_73 : vector<16xi32>
    %swap3A_75 = arith.constant 32 : index
    %swap3A_76 = tpu.vector_load %arg16[%swap3A_75] {strides = array<i32>} : memref<64xi32, #tpu.memory_space<vmem>>, vector<16xi32>,
    %swap3A_77 = vector.shape_cast %swap3A_76 : vector<16xi32> to vector<16xi32>
    %swap3A_78 = vector.shape_cast %add3A_74 : vector<16xi32> to vector<16xi32>
    tpu.vector_store %arg16[%swap3A_75], %swap3A_78 {strides = array<i32>} : memref<64xi32, #tpu.memory_space<vmem>>, vector<16xi32>,
    %get3A_79 = arith.constant 48 : index
    %get3A_80 = tpu.vector_load %arg12[%get3A_79] {strides = array<i32>} : memref<384xi32, #tpu.memory_space<vmem>>, vector<16xi32>,
    %get3A_81 = vector.shape_cast %get3A_80 : vector<16xi32> to vector<16xi32>
    %mul3A_82 = arith.constant 10000 : i32
    %mul3A_83 = vector.broadcast %mul3A_82 : i32 to vector<16xi32>
    %mul3A_84 = arith.muli %get3A_81, %mul3A_83 : vector<16xi32>
    %get3A_85 = arith.constant 48 : index
    %get3A_86 = tpu.vector_load %arg10[%get3A_85] {strides = array<i32>} : memref<384xi32, #tpu.memory_space<vmem>>, vector<16xi32>,
    %get3A_87 = vector.shape_cast %get3A_86 : vector<16xi32> to vector<16xi32>
    %add3A_88 = arith.addi %mul3A_84, %get3A_87 : vector<16xi32>
    %swap3A_89 = arith.constant 48 : index
    %swap3A_90 = tpu.vector_load %arg16[%swap3A_89] {strides = array<i32>} : memref<64xi32, #tpu.memory_space<vmem>>, vector<16xi32>,
    %swap3A_91 = vector.shape_cast %swap3A_90 : vector<16xi32> to vector<16xi32>
    %swap3A_92 = vector.shape_cast %add3A_88 : vector<16xi32> to vector<16xi32>
    tpu.vector_store %arg16[%swap3A_89], %swap3A_92 {strides = array<i32>} : memref<64xi32, #tpu.memory_space<vmem>>, vector<16xi32>,
    %get3A_93 = arith.constant 0 : index
    %get3A_94 = tpu.vector_load %arg14[%get3A_93] {strides = array<i32>} : memref<384xi32, #tpu.memory_space<vmem>>, vector<16xi32>,
    %get3A_95 = vector.shape_cast %get3A_94 : vector<16xi32> to vector<16xi32>
    %swap3A_96 = arith.constant 0 : index
    %swap3A_97 = tpu.vector_load %arg20[%swap3A_96] {strides = array<i32>} : memref<64xi32, #tpu.memory_space<vmem>>, vector<16xi32>,
    %swap3A_98 = vector.shape_cast %swap3A_97 : vector<16xi32> to vector<16xi32>
    %swap3A_99 = vector.shape_cast %get3A_95 : vector<16xi32> to vector<16xi32>
    tpu.vector_store %arg20[%swap3A_96], %swap3A_99 {strides = array<i32>} : memref<64xi32, #tpu.memory_space<vmem>>, vector<16xi32>,
    %get3A_100 = arith.constant 16 : index
    %get3A_101 = tpu.vector_load %arg14[%get3A_100] {strides = array<i32>} : memref<384xi32, #tpu.memory_space<vmem>>, vector<16xi32>,
    %get3A_102 = vector.shape_cast %get3A_101 : vector<16xi32> to vector<16xi32>
    %swap3A_103 = arith.constant 16 : index
    %swap3A_104 = tpu.vector_load %arg20[%swap3A_103] {strides = array<i32>} : memref<64xi32, #tpu.memory_space<vmem>>, vector<16xi32>,
    %swap3A_105 = vector.shape_cast %swap3A_104 : vector<16xi32> to vector<16xi32>
    %swap3A_106 = vector.shape_cast %get3A_102 : vector<16xi32> to vector<16xi32>
    tpu.vector_store %arg20[%swap3A_103], %swap3A_106 {strides = array<i32>} : memref<64xi32, #tpu.memory_space<vmem>>, vector<16xi32>,
    %get3A_107 = arith.constant 32 : index
    %get3A_108 = tpu.vector_load %arg14[%get3A_107] {strides = array<i32>} : memref<384xi32, #tpu.memory_space<vmem>>, vector<16xi32>,
    %get3A_109 = vector.shape_cast %get3A_108 : vector<16xi32> to vector<16xi32>
    %swap3A_110 = arith.constant 32 : index
    %swap3A_111 = tpu.vector_load %arg20[%swap3A_110] {strides = array<i32>} : memref<64xi32, #tpu.memory_space<vmem>>, vector<16xi32>,
    %swap3A_112 = vector.shape_cast %swap3A_111 : vector<16xi32> to vector<16xi32>
    %swap3A_113 = vector.shape_cast %get3A_109 : vector<16xi32> to vector<16xi32>
    tpu.vector_store %arg20[%swap3A_110], %swap3A_113 {strides = array<i32>} : memref<64xi32, #tpu.memory_space<vmem>>, vector<16xi32>,
    %get3A_114 = arith.constant 48 : index
    %get3A_115 = tpu.vector_load %arg14[%get3A_114] {strides = array<i32>} : memref<384xi32, #tpu.memory_space<vmem>>, vector<16xi32>,
    %get3A_116 = vector.shape_cast %get3A_115 : vector<16xi32> to vector<16xi32>
    %swap3A_117 = arith.constant 48 : index
    %swap3A_118 = tpu.vector_load %arg20[%swap3A_117] {strides = array<i32>} : memref<64xi32, #tpu.memory_space<vmem>>, vector<16xi32>,
    %swap3A_119 = vector.shape_cast %swap3A_118 : vector<16xi32> to vector<16xi32>
    %swap3A_120 = vector.shape_cast %get3A_116 : vector<16xi32> to vector<16xi32>
    tpu.vector_store %arg20[%swap3A_117], %swap3A_120 {strides = array<i32>} : memref<64xi32, #tpu.memory_space<vmem>>, vector<16xi32>,
    %dma_start3A_121 = arith.constant 0 : i32
    %dma_start3A_122 = arith.constant 0 : i32
    %dma_start3A_123 = tpu.memref_slice %arg2[%dma_start3A_121, %dma_start3A_122] : memref<40000x128xf32, #tpu.memory_space<hbm>> -> memref<40000x128xf32, #tpu.memory_space<hbm>>
    tpu.enqueue_indirect_dma source(%dma_start3A_123 : memref<40000x128xf32, #tpu.memory_space<hbm>>) target(%arg24 : memref<64x128xf32, #tpu.memory_space<vmem>>) offsets(%arg16 : memref<64xi32, #tpu.memory_space<vmem>>) semaphore(%arg33 : memref<!tpu.dma_semaphore, #tpu.memory_space<semaphore_mem>>)
    %get3A_124 = arith.constant 64 : index
    %get3A_125 = tpu.vector_load %arg12[%get3A_124] {strides = array<i32>} : memref<384xi32, #tpu.memory_space<vmem>>, vector<16xi32>,
    %get3A_126 = vector.shape_cast %get3A_125 : vector<16xi32> to vector<16xi32>
    %mul3A_127 = arith.constant 10000 : i32
    %mul3A_128 = vector.broadcast %mul3A_127 : i32 to vector<16xi32>
    %mul3A_129 = arith.muli %get3A_126, %mul3A_128 : vector<16xi32>
    %get3A_130 = arith.constant 64 : index
    %get3A_131 = tpu.vector_load %arg10[%get3A_130] {strides = array<i32>} : memref<384xi32, #tpu.memory_space<vmem>>, vector<16xi32>,
    %get3A_132 = vector.shape_cast %get3A_131 : vector<16xi32> to vector<16xi32>
    %add3A_133 = arith.addi %mul3A_129, %get3A_132 : vector<16xi32>
    %swap3A_134 = arith.constant 0 : index
    %swap3A_135 = tpu.vector_load %arg17[%swap3A_134] {strides = array<i32>} : memref<64xi32, #tpu.memory_space<vmem>>, vector<16xi32>,
    %swap3A_136 = vector.shape_cast %swap3A_135 : vector<16xi32> to vector<16xi32>
    %swap3A_137 = vector.shape_cast %add3A_133 : vector<16xi32> to vector<16xi32>
    tpu.vector_store %arg17[%swap3A_134], %swap3A_137 {strides = array<i32>} : memref<64xi32, #tpu.memory_space<vmem>>, vector<16xi32>,
    %get3A_138 = arith.constant 80 : index
    %get3A_139 = tpu.vector_load %arg12[%get3A_138] {strides = array<i32>} : memref<384xi32, #tpu.memory_space<vmem>>, vector<16xi32>,
    %get3A_140 = vector.shape_cast %get3A_139 : vector<16xi32> to vector<16xi32>
    %mul3A_141 = arith.constant 10000 : i32
    %mul3A_142 = vector.broadcast %mul3A_141 : i32 to vector<16xi32>
    %mul3A_143 = arith.muli %get3A_140, %mul3A_142 : vector<16xi32>
    %get3A_144 = arith.constant 80 : index
    %get3A_145 = tpu.vector_load %arg10[%get3A_144] {strides = array<i32>} : memref<384xi32, #tpu.memory_space<vmem>>, vector<16xi32>,
    %get3A_146 = vector.shape_cast %get3A_145 : vector<16xi32> to vector<16xi32>
    %add3A_147 = arith.addi %mul3A_143, %get3A_146 : vector<16xi32>
    %swap3A_148 = arith.constant 16 : index
    %swap3A_149 = tpu.vector_load %arg17[%swap3A_148] {strides = array<i32>} : memref<64xi32, #tpu.memory_space<vmem>>, vector<16xi32>,
    %swap3A_150 = vector.shape_cast %swap3A_149 : vector<16xi32> to vector<16xi32>
    %swap3A_151 = vector.shape_cast %add3A_147 : vector<16xi32> to vector<16xi32>
    tpu.vector_store %arg17[%swap3A_148], %swap3A_151 {strides = array<i32>} : memref<64xi32, #tpu.memory_space<vmem>>, vector<16xi32>,
    %get3A_152 = arith.constant 96 : index
    %get3A_153 = tpu.vector_load %arg12[%get3A_152] {strides = array<i32>} : memref<384xi32, #tpu.memory_space<vmem>>, vector<16xi32>,
    %get3A_154 = vector.shape_cast %get3A_153 : vector<16xi32> to vector<16xi32>
    %mul3A_155 = arith.constant 10000 : i32
    %mul3A_156 = vector.broadcast %mul3A_155 : i32 to vector<16xi32>
    %mul3A_157 = arith.muli %get3A_154, %mul3A_156 : vector<16xi32>
    %get3A_158 = arith.constant 96 : index
    %get3A_159 = tpu.vector_load %arg10[%get3A_158] {strides = array<i32>} : memref<384xi32, #tpu.memory_space<vmem>>, vector<16xi32>,
    %get3A_160 = vector.shape_cast %get3A_159 : vector<16xi32> to vector<16xi32>
    %add3A_161 = arith.addi %mul3A_157, %get3A_160 : vector<16xi32>
    %swap3A_162 = arith.constant 32 : index
    %swap3A_163 = tpu.vector_load %arg17[%swap3A_162] {strides = array<i32>} : memref<64xi32, #tpu.memory_space<vmem>>, vector<16xi32>,
    %swap3A_164 = vector.shape_cast %swap3A_163 : vector<16xi32> to vector<16xi32>
    %swap3A_165 = vector.shape_cast %add3A_161 : vector<16xi32> to vector<16xi32>
    tpu.vector_store %arg17[%swap3A_162], %swap3A_165 {strides = array<i32>} : memref<64xi32, #tpu.memory_space<vmem>>, vector<16xi32>,
    %get3A_166 = arith.constant 112 : index
    %get3A_167 = tpu.vector_load %arg12[%get3A_166] {strides = array<i32>} : memref<384xi32, #tpu.memory_space<vmem>>, vector<16xi32>,
    %get3A_168 = vector.shape_cast %get3A_167 : vector<16xi32> to vector<16xi32>
    %mul3A_169 = arith.constant 10000 : i32
    %mul3A_170 = vector.broadcast %mul3A_169 : i32 to vector<16xi32>
    %mul3A_171 = arith.muli %get3A_168, %mul3A_170 : vector<16xi32>
    %get3A_172 = arith.constant 112 : index
    %get3A_173 = tpu.vector_load %arg10[%get3A_172] {strides = array<i32>} : memref<384xi32, #tpu.memory_space<vmem>>, vector<16xi32>,
    %get3A_174 = vector.shape_cast %get3A_173 : vector<16xi32> to vector<16xi32>
    %add3A_175 = arith.addi %mul3A_171, %get3A_174 : vector<16xi32>
    %swap3A_176 = arith.constant 48 : index
    %swap3A_177 = tpu.vector_load %arg17[%swap3A_176] {strides = array<i32>} : memref<64xi32, #tpu.memory_space<vmem>>, vector<16xi32>,
    %swap3A_178 = vector.shape_cast %swap3A_177 : vector<16xi32> to vector<16xi32>
    %swap3A_179 = vector.shape_cast %add3A_175 : vector<16xi32> to vector<16xi32>
    tpu.vector_store %arg17[%swap3A_176], %swap3A_179 {strides = array<i32>} : memref<64xi32, #tpu.memory_space<vmem>>, vector<16xi32>,
    %get3A_180 = arith.constant 64 : index
    %get3A_181 = tpu.vector_load %arg14[%get3A_180] {strides = array<i32>} : memref<384xi32, #tpu.memory_space<vmem>>, vector<16xi32>,
    %get3A_182 = vector.shape_cast %get3A_181 : vector<16xi32> to vector<16xi32>
    %swap3A_183 = arith.constant 0 : index
    %swap3A_184 = tpu.vector_load %arg21[%swap3A_183] {strides = array<i32>} : memref<64xi32, #tpu.memory_space<vmem>>, vector<16xi32>,
    %swap3A_185 = vector.shape_cast %swap3A_184 : vector<16xi32> to vector<16xi32>
    %swap3A_186 = vector.shape_cast %get3A_182 : vector<16xi32> to vector<16xi32>
    tpu.vector_store %arg21[%swap3A_183], %swap3A_186 {strides = array<i32>} : memref<64xi32, #tpu.memory_space<vmem>>, vector<16xi32>,
    %get3A_187 = arith.constant 80 : index
    %get3A_188 = tpu.vector_load %arg14[%get3A_187] {strides = array<i32>} : memref<384xi32, #tpu.memory_space<vmem>>, vector<16xi32>,
    %get3A_189 = vector.shape_cast %get3A_188 : vector<16xi32> to vector<16xi32>
    %swap3A_190 = arith.constant 16 : index
    %swap3A_191 = tpu.vector_load %arg21[%swap3A_190] {strides = array<i32>} : memref<64xi32, #tpu.memory_space<vmem>>, vector<16xi32>,
    %swap3A_192 = vector.shape_cast %swap3A_191 : vector<16xi32> to vector<16xi32>
    %swap3A_193 = vector.shape_cast %get3A_189 : vector<16xi32> to vector<16xi32>
    tpu.vector_store %arg21[%swap3A_190], %swap3A_193 {strides = array<i32>} : memref<64xi32, #tpu.memory_space<vmem>>, vector<16xi32>,
    %get3A_194 = arith.constant 96 : index
    %get3A_195 = tpu.vector_load %arg14[%get3A_194] {strides = array<i32>} : memref<384xi32, #tpu.memory_space<vmem>>, vector<16xi32>,
    %get3A_196 = vector.shape_cast %get3A_195 : vector<16xi32> to vector<16xi32>
    %swap3A_197 = arith.constant 32 : index
    %swap3A_198 = tpu.vector_load %arg21[%swap3A_197] {strides = array<i32>} : memref<64xi32, #tpu.memory_space<vmem>>, vector<16xi32>,
    %swap3A_199 = vector.shape_cast %swap3A_198 : vector<16xi32> to vector<16xi32>
    %swap3A_200 = vector.shape_cast %get3A_196 : vector<16xi32> to vector<16xi32>
    tpu.vector_store %arg21[%swap3A_197], %swap3A_200 {strides = array<i32>} : memref<64xi32, #tpu.memory_space<vmem>>, vector<16xi32>,
    %get3A_201 = arith.constant 112 : index
    %get3A_202 = tpu.vector_load %arg14[%get3A_201] {strides = array<i32>} : memref<384xi32, #tpu.memory_space<vmem>>, vector<16xi32>,
    %get3A_203 = vector.shape_cast %get3A_202 : vector<16xi32> to vector<16xi32>
    %swap3A_204 = arith.constant 48 : index
    %swap3A_205 = tpu.vector_load %arg21[%swap3A_204] {strides = array<i32>} : memref<64xi32, #tpu.memory_space<vmem>>, vector<16xi32>,
    %swap3A_206 = vector.shape_cast %swap3A_205 : vector<16xi32> to vector<16xi32>
    %swap3A_207 = vector.shape_cast %get3A_203 : vector<16xi32> to vector<16xi32>
    tpu.vector_store %arg21[%swap3A_204], %swap3A_207 {strides = array<i32>} : memref<64xi32, #tpu.memory_space<vmem>>, vector<16xi32>,
    %dma_start3A_208 = arith.constant 0 : i32
    %dma_start3A_209 = arith.constant 0 : i32
    %dma_start3A_210 = tpu.memref_slice %arg2[%dma_start3A_208, %dma_start3A_209] : memref<40000x128xf32, #tpu.memory_space<hbm>> -> memref<40000x128xf32, #tpu.memory_space<hbm>>
    tpu.enqueue_indirect_dma source(%dma_start3A_210 : memref<40000x128xf32, #tpu.memory_space<hbm>>) target(%arg25 : memref<64x128xf32, #tpu.memory_space<vmem>>) offsets(%arg17 : memref<64xi32, #tpu.memory_space<vmem>>) semaphore(%arg34 : memref<!tpu.dma_semaphore, #tpu.memory_space<semaphore_mem>>)
    %barrier3A = arith.constant 0 : index
    tpu.barrier barrier_id(%barrier3A)
    %scan3A_211 = arith.constant 0 : i32
    %scan3A_212 = arith.constant 0 : i32
    %scan3A_213 = arith.constant 13 : i32
    %scan3A_214 = arith.addi %scan3A_212, %scan3A_213 : i32
    %scan3A_215 = arith.constant 1 : i32
    %scan3A_216 = scf.for %scan3A_270 = %scan3A_212 to %scan3A_214 step %scan3A_215 iter_args(%scan3A_271 = %scan3A_211) -> (i32)  : i32 {
      %mul3A_272 = arith.constant 2 : i32
      %mul3A_273 = arith.muli %mul3A_272, %scan3A_270 : i32
      %add3A_274 = arith.constant 0 : i32
      %add3A_275 = arith.addi %mul3A_273, %add3A_274 : i32
      %mul3A_276 = arith.constant 6 : i32
      %mul3A_277 = arith.muli %add3A_275, %mul3A_276 : i32
      %add3A_278 = arith.constant 0 : i32
      %add3A_279 = arith.addi %mul3A_277, %add3A_278 : i32
      %dma_wait3A_280 = arith.constant 0 : i32
      %dma_wait3A_281 = arith.constant 0 : i32
      %dma_wait3A_282 = tpu.memref_slice %arg2[%dma_wait3A_280, %dma_wait3A_281] : memref<40000x128xf32, #tpu.memory_space<hbm>> -> memref<40000x128xf32, #tpu.memory_space<hbm>>
      tpu.wait_indirect_dma semaphore(%arg33 : memref<!tpu.dma_semaphore, #tpu.memory_space<semaphore_mem>>) src(%dma_wait3A_282 : memref<40000x128xf32, #tpu.memory_space<hbm>>) dst(%arg24 : memref<64x128xf32, #tpu.memory_space<vmem>>)
      %dma_start3A_283 = arith.constant 0 : i32
      %dma_start3A_284 = arith.constant 0 : i32
      %dma_start3A_285 = tpu.memref_slice %arg29[%dma_start3A_283, %dma_start3A_284] : memref<10240x128xf32, #tpu.memory_space<vmem_shared>> -> memref<10240x128xf32, #tpu.memory_space<vmem_shared>>
      tpu.enqueue_indirect_dma source(%arg24 : memref<64x128xf32, #tpu.memory_space<vmem>>) target(%dma_start3A_285 : memref<10240x128xf32, #tpu.memory_space<vmem_shared>>) offsets(%arg20 : memref<64xi32, #tpu.memory_space<vmem>>) semaphore(%arg37 : memref<!tpu.dma_semaphore, #tpu.memory_space<semaphore_mem>>) {add = true}
      %dma_start3A_286 = arith.constant 0 : i32
      %dma_start3A_287 = tpu.memref_slice %arg30[%dma_start3A_286] : memref<10240xf32, #tpu.memory_space<vmem_shared>> -> memref<10240xf32, #tpu.memory_space<vmem_shared>>
      tpu.enqueue_indirect_dma source(%arg28 : memref<64xf32, #tpu.memory_space<vmem>>) target(%dma_start3A_287 : memref<10240xf32, #tpu.memory_space<vmem_shared>>) offsets(%arg20 : memref<64xi32, #tpu.memory_space<vmem>>) semaphore(%arg37 : memref<!tpu.dma_semaphore, #tpu.memory_space<semaphore_mem>>) {add = true}
      %ge3A = arith.constant 2 : i32
      %ge3A_288 = arith.cmpi sge, %add3A_279, %ge3A : i32
      %convert_element_type3A = arith.extui %ge3A_288 : i1 to i32
      %cond3A = arith.constant 0 : i32
      %cond3A_289 = arith.cmpi ne, %convert_element_type3A, %cond3A : i32
      scf.if %cond3A_289 {
        %dma_wait3A_579 = arith.constant 0 : i32
        %dma_wait3A_580 = arith.constant 0 : i32
        %dma_wait3A_581 = tpu.memref_slice %arg29[%dma_wait3A_579, %dma_wait3A_580] : memref<10240x128xf32, #tpu.memory_space<vmem_shared>> -> memref<10240x128xf32, #tpu.memory_space<vmem_shared>>
        tpu.wait_indirect_dma semaphore(%arg39 : memref<!tpu.dma_semaphore, #tpu.memory_space<semaphore_mem>>) src(%arg26 : memref<64x128xf32, #tpu.memory_space<vmem>>) dst(%dma_wait3A_581 : memref<10240x128xf32, #tpu.memory_space<vmem_shared>>)
        %dma_wait3A_582 = arith.constant 0 : i32
        %dma_wait3A_583 = tpu.memref_slice %arg30[%dma_wait3A_582] : memref<10240xf32, #tpu.memory_space<vmem_shared>> -> memref<10240xf32, #tpu.memory_space<vmem_shared>>
        tpu.wait_indirect_dma semaphore(%arg39 : memref<!tpu.dma_semaphore, #tpu.memory_space<semaphore_mem>>) src(%arg28 : memref<64xf32, #tpu.memory_space<vmem>>) dst(%dma_wait3A_583 : memref<10240xf32, #tpu.memory_space<vmem_shared>>)
      } else {
      }
      %add3A_290 = arith.constant 2 : i32
      %add3A_291 = arith.addi %add3A_279, %add3A_290 : i32
      %lt3A = arith.constant 156 : i32
      %lt3A_292 = arith.cmpi slt, %add3A_291, %lt3A : i32
      %convert_element_type3A_293 = arith.extui %lt3A_292 : i1 to i32
      %cond3A_294 = arith.constant 0 : i32
      %cond3A_295 = arith.cmpi ne, %convert_element_type3A_293, %cond3A_294 : i32
      scf.if %cond3A_295 {
        %get3A_579 = arith.constant 128 : index
        %get3A_580 = tpu.vector_load %arg12[%get3A_579] {strides = array<i32>} : memref<384xi32, #tpu.memory_space<vmem>>, vector<16xi32>,
        %get3A_581 = vector.shape_cast %get3A_580 : vector<16xi32> to vector<16xi32>
        %mul3A_582 = arith.constant 10000 : i32
        %mul3A_583 = vector.broadcast %mul3A_582 : i32 to vector<16xi32>
        %mul3A_584 = arith.muli %get3A_581, %mul3A_583 : vector<16xi32>
        %get3A_585 = arith.constant 128 : index
        %get3A_586 = tpu.vector_load %arg10[%get3A_585] {strides = array<i32>} : memref<384xi32, #tpu.memory_space<vmem>>, vector<16xi32>,
        %get3A_587 = vector.shape_cast %get3A_586 : vector<16xi32> to vector<16xi32>
        %add3A_588 = arith.addi %mul3A_584, %get3A_587 : vector<16xi32>
        %swap3A_589 = arith.constant 0 : index
        %swap3A_590 = tpu.vector_load %arg18[%swap3A_589] {strides = array<i32>} : memref<64xi32, #tpu.memory_space<vmem>>, vector<16xi32>,
        %swap3A_591 = vector.shape_cast %swap3A_590 : vector<16xi32> to vector<16xi32>
        %swap3A_592 = vector.shape_cast %add3A_588 : vector<16xi32> to vector<16xi32>
        tpu.vector_store %arg18[%swap3A_589], %swap3A_592 {strides = array<i32>} : memref<64xi32, #tpu.memory_space<vmem>>, vector<16xi32>,
        %get3A_593 = arith.constant 144 : index
        %get3A_594 = tpu.vector_load %arg12[%get3A_593] {strides = array<i32>} : memref<384xi32, #tpu.memory_space<vmem>>, vector<16xi32>,
        %get3A_595 = vector.shape_cast %get3A_594 : vector<16xi32> to vector<16xi32>
        %mul3A_596 = arith.constant 10000 : i32
        %mul3A_597 = vector.broadcast %mul3A_596 : i32 to vector<16xi32>
        %mul3A_598 = arith.muli %get3A_595, %mul3A_597 : vector<16xi32>
        %get3A_599 = arith.constant 144 : index
        %get3A_600 = tpu.vector_load %arg10[%get3A_599] {strides = array<i32>} : memref<384xi32, #tpu.memory_space<vmem>>, vector<16xi32>,
        %get3A_601 = vector.shape_cast %get3A_600 : vector<16xi32> to vector<16xi32>
        %add3A_602 = arith.addi %mul3A_598, %get3A_601 : vector<16xi32>
        %swap3A_603 = arith.constant 16 : index
        %swap3A_604 = tpu.vector_load %arg18[%swap3A_603] {strides = array<i32>} : memref<64xi32, #tpu.memory_space<vmem>>, vector<16xi32>,
        %swap3A_605 = vector.shape_cast %swap3A_604 : vector<16xi32> to vector<16xi32>
        %swap3A_606 = vector.shape_cast %add3A_602 : vector<16xi32> to vector<16xi32>
        tpu.vector_store %arg18[%swap3A_603], %swap3A_606 {strides = array<i32>} : memref<64xi32, #tpu.memory_space<vmem>>, vector<16xi32>,
        %get3A_607 = arith.constant 160 : index
        %get3A_608 = tpu.vector_load %arg12[%get3A_607] {strides = array<i32>} : memref<384xi32, #tpu.memory_space<vmem>>, vector<16xi32>,
        %get3A_609 = vector.shape_cast %get3A_608 : vector<16xi32> to vector<16xi32>
        %mul3A_610 = arith.constant 10000 : i32
        %mul3A_611 = vector.broadcast %mul3A_610 : i32 to vector<16xi32>
        %mul3A_612 = arith.muli %get3A_609, %mul3A_611 : vector<16xi32>
        %get3A_613 = arith.constant 160 : index
        %get3A_614 = tpu.vector_load %arg10[%get3A_613] {strides = array<i32>} : memref<384xi32, #tpu.memory_space<vmem>>, vector<16xi32>,
        %get3A_615 = vector.shape_cast %get3A_614 : vector<16xi32> to vector<16xi32>
        %add3A_616 = arith.addi %mul3A_612, %get3A_615 : vector<16xi32>
        %swap3A_617 = arith.constant 32 : index
        %swap3A_618 = tpu.vector_load %arg18[%swap3A_617] {strides = array<i32>} : memref<64xi32, #tpu.memory_space<vmem>>, vector<16xi32>,
        %swap3A_619 = vector.shape_cast %swap3A_618 : vector<16xi32> to vector<16xi32>
        %swap3A_620 = vector.shape_cast %add3A_616 : vector<16xi32> to vector<16xi32>
        tpu.vector_store %arg18[%swap3A_617], %swap3A_620 {strides = array<i32>} : memref<64xi32, #tpu.memory_space<vmem>>, vector<16xi32>,
        %get3A_621 = arith.constant 176 : index
        %get3A_622 = tpu.vector_load %arg12[%get3A_621] {strides = array<i32>} : memref<384xi32, #tpu.memory_space<vmem>>, vector<16xi32>,
        %get3A_623 = vector.shape_cast %get3A_622 : vector<16xi32> to vector<16xi32>
        %mul3A_624 = arith.constant 10000 : i32
        %mul3A_625 = vector.broadcast %mul3A_624 : i32 to vector<16xi32>
        %mul3A_626 = arith.muli %get3A_623, %mul3A_625 : vector<16xi32>
        %get3A_627 = arith.constant 176 : index
        %get3A_628 = tpu.vector_load %arg10[%get3A_627] {strides = array<i32>} : memref<384xi32, #tpu.memory_space<vmem>>, vector<16xi32>,
        %get3A_629 = vector.shape_cast %get3A_628 : vector<16xi32> to vector<16xi32>
        %add3A_630 = arith.addi %mul3A_626, %get3A_629 : vector<16xi32>
        %swap3A_631 = arith.constant 48 : index
        %swap3A_632 = tpu.vector_load %arg18[%swap3A_631] {strides = array<i32>} : memref<64xi32, #tpu.memory_space<vmem>>, vector<16xi32>,
        %swap3A_633 = vector.shape_cast %swap3A_632 : vector<16xi32> to vector<16xi32>
        %swap3A_634 = vector.shape_cast %add3A_630 : vector<16xi32> to vector<16xi32>
        tpu.vector_store %arg18[%swap3A_631], %swap3A_634 {strides = array<i32>} : memref<64xi32, #tpu.memory_space<vmem>>, vector<16xi32>,
        %get3A_635 = arith.constant 128 : index
        %get3A_636 = tpu.vector_load %arg14[%get3A_635] {strides = array<i32>} : memref<384xi32, #tpu.memory_space<vmem>>, vector<16xi32>,
        %get3A_637 = vector.shape_cast %get3A_636 : vector<16xi32> to vector<16xi32>
        %swap3A_638 = arith.constant 0 : index
        %swap3A_639 = tpu.vector_load %arg22[%swap3A_638] {strides = array<i32>} : memref<64xi32, #tpu.memory_space<vmem>>, vector<16xi32>,
        %swap3A_640 = vector.shape_cast %swap3A_639 : vector<16xi32> to vector<16xi32>
        %swap3A_641 = vector.shape_cast %get3A_637 : vector<16xi32> to vector<16xi32>
        tpu.vector_store %arg22[%swap3A_638], %swap3A_641 {strides = array<i32>} : memref<64xi32, #tpu.memory_space<vmem>>, vector<16xi32>,
        %get3A_642 = arith.constant 144 : index
        %get3A_643 = tpu.vector_load %arg14[%get3A_642] {strides = array<i32>} : memref<384xi32, #tpu.memory_space<vmem>>, vector<16xi32>,
        %get3A_644 = vector.shape_cast %get3A_643 : vector<16xi32> to vector<16xi32>
        %swap3A_645 = arith.constant 16 : index
        %swap3A_646 = tpu.vector_load %arg22[%swap3A_645] {strides = array<i32>} : memref<64xi32, #tpu.memory_space<vmem>>, vector<16xi32>,
        %swap3A_647 = vector.shape_cast %swap3A_646 : vector<16xi32> to vector<16xi32>
        %swap3A_648 = vector.shape_cast %get3A_644 : vector<16xi32> to vector<16xi32>
        tpu.vector_store %arg22[%swap3A_645], %swap3A_648 {strides = array<i32>} : memref<64xi32, #tpu.memory_space<vmem>>, vector<16xi32>,
        %get3A_649 = arith.constant 160 : index
        %get3A_650 = tpu.vector_load %arg14[%get3A_649] {strides = array<i32>} : memref<384xi32, #tpu.memory_space<vmem>>, vector<16xi32>,
        %get3A_651 = vector.shape_cast %get3A_650 : vector<16xi32> to vector<16xi32>
        %swap3A_652 = arith.constant 32 : index
        %swap3A_653 = tpu.vector_load %arg22[%swap3A_652] {strides = array<i32>} : memref<64xi32, #tpu.memory_space<vmem>>, vector<16xi32>,
        %swap3A_654 = vector.shape_cast %swap3A_653 : vector<16xi32> to vector<16xi32>
        %swap3A_655 = vector.shape_cast %get3A_651 : vector<16xi32> to vector<16xi32>
        tpu.vector_store %arg22[%swap3A_652], %swap3A_655 {strides = array<i32>} : memref<64xi32, #tpu.memory_space<vmem>>, vector<16xi32>,
        %get3A_656 = arith.constant 176 : index
        %get3A_657 = tpu.vector_load %arg14[%get3A_656] {strides = array<i32>} : memref<384xi32, #tpu.memory_space<vmem>>, vector<16xi32>,
        %get3A_658 = vector.shape_cast %get3A_657 : vector<16xi32> to vector<16xi32>
        %swap3A_659 = arith.constant 48 : index
        %swap3A_660 = tpu.vector_load %arg22[%swap3A_659] {strides = array<i32>} : memref<64xi32, #tpu.memory_space<vmem>>, vector<16xi32>,
        %swap3A_661 = vector.shape_cast %swap3A_660 : vector<16xi32> to vector<16xi32>
        %swap3A_662 = vector.shape_cast %get3A_658 : vector<16xi32> to vector<16xi32>
        tpu.vector_store %arg22[%swap3A_659], %swap3A_662 {strides = array<i32>} : memref<64xi32, #tpu.memory_space<vmem>>, vector<16xi32>,
        %dma_start3A_663 = arith.constant 0 : i32
        %dma_start3A_664 = arith.constant 0 : i32
        %dma_start3A_665 = tpu.memref_slice %arg2[%dma_start3A_663, %dma_start3A_664] : memref<40000x128xf32, #tpu.memory_space<hbm>> -> memref<40000x128xf32, #tpu.memory_space<hbm>>
        tpu.enqueue_indirect_dma source(%dma_start3A_665 : memref<40000x128xf32, #tpu.memory_space<hbm>>) target(%arg26 : memref<64x128xf32, #tpu.memory_space<vmem>>) offsets(%arg18 : memref<64xi32, #tpu.memory_space<vmem>>) semaphore(%arg35 : memref<!tpu.dma_semaphore, #tpu.memory_space<semaphore_mem>>)
      } else {
      }
      %mul3A_296 = arith.constant 6 : i32
      %mul3A_297 = arith.muli %add3A_275, %mul3A_296 : i32
      %add3A_298 = arith.constant 1 : i32
      %add3A_299 = arith.addi %mul3A_297, %add3A_298 : i32
      %dma_wait3A_300 = arith.constant 0 : i32
      %dma_wait3A_301 = arith.constant 0 : i32
      %dma_wait3A_302 = tpu.memref_slice %arg2[%dma_wait3A_300, %dma_wait3A_301] : memref<40000x128xf32, #tpu.memory_space<hbm>> -> memref<40000x128xf32, #tpu.memory_space<hbm>>
      tpu.wait_indirect_dma semaphore(%arg34 : memref<!tpu.dma_semaphore, #tpu.memory_space<semaphore_mem>>) src(%dma_wait3A_302 : memref<40000x128xf32, #tpu.memory_space<hbm>>) dst(%arg25 : memref<64x128xf32, #tpu.memory_space<vmem>>)
      %dma_start3A_303 = arith.constant 0 : i32
      %dma_start3A_304 = arith.constant 0 : i32
      %dma_start3A_305 = tpu.memref_slice %arg29[%dma_start3A_303, %dma_start3A_304] : memref<10240x128xf32, #tpu.memory_space<vmem_shared>> -> memref<10240x128xf32, #tpu.memory_space<vmem_shared>>
      tpu.enqueue_indirect_dma source(%arg25 : memref<64x128xf32, #tpu.memory_space<vmem>>) target(%dma_start3A_305 : memref<10240x128xf32, #tpu.memory_space<vmem_shared>>) offsets(%arg21 : memref<64xi32, #tpu.memory_space<vmem>>) semaphore(%arg38 : memref<!tpu.dma_semaphore, #tpu.memory_space<semaphore_mem>>) {add = true}
      %dma_start3A_306 = arith.constant 0 : i32
      %dma_start3A_307 = tpu.memref_slice %arg30[%dma_start3A_306] : memref<10240xf32, #tpu.memory_space<vmem_shared>> -> memref<10240xf32, #tpu.memory_space<vmem_shared>>
      tpu.enqueue_indirect_dma source(%arg28 : memref<64xf32, #tpu.memory_space<vmem>>) target(%dma_start3A_307 : memref<10240xf32, #tpu.memory_space<vmem_shared>>) offsets(%arg21 : memref<64xi32, #tpu.memory_space<vmem>>) semaphore(%arg38 : memref<!tpu.dma_semaphore, #tpu.memory_space<semaphore_mem>>) {add = true}
      %ge3A_308 = arith.constant 2 : i32
      %ge3A_309 = arith.cmpi sge, %add3A_299, %ge3A_308 : i32
      %convert_element_type3A_310 = arith.extui %ge3A_309 : i1 to i32
      %cond3A_311 = arith.constant 0 : i32
      %cond3A_312 = arith.cmpi ne, %convert_element_type3A_310, %cond3A_311 : i32
      scf.if %cond3A_312 {
        %dma_wait3A_579 = arith.constant 0 : i32
        %dma_wait3A_580 = arith.constant 0 : i32
        %dma_wait3A_581 = tpu.memref_slice %arg29[%dma_wait3A_579, %dma_wait3A_580] : memref<10240x128xf32, #tpu.memory_space<vmem_shared>> -> memref<10240x128xf32, #tpu.memory_space<vmem_shared>>
        tpu.wait_indirect_dma semaphore(%arg40 : memref<!tpu.dma_semaphore, #tpu.memory_space<semaphore_mem>>) src(%arg27 : memref<64x128xf32, #tpu.memory_space<vmem>>) dst(%dma_wait3A_581 : memref<10240x128xf32, #tpu.memory_space<vmem_shared>>)
        %dma_wait3A_582 = arith.constant 0 : i32
        %dma_wait3A_583 = tpu.memref_slice %arg30[%dma_wait3A_582] : memref<10240xf32, #tpu.memory_space<vmem_shared>> -> memref<10240xf32, #tpu.memory_space<vmem_shared>>
        tpu.wait_indirect_dma semaphore(%arg40 : memref<!tpu.dma_semaphore, #tpu.memory_space<semaphore_mem>>) src(%arg28 : memref<64xf32, #tpu.memory_space<vmem>>) dst(%dma_wait3A_583 : memref<10240xf32, #tpu.memory_space<vmem_shared>>)
      } else {
      }
      %add3A_313 = arith.constant 2 : i32
      %add3A_314 = arith.addi %add3A_299, %add3A_313 : i32
      %lt3A_315 = arith.constant 156 : i32
      %lt3A_316 = arith.cmpi slt, %add3A_314, %lt3A_315 : i32
      %convert_element_type3A_317 = arith.extui %lt3A_316 : i1 to i32
      %cond3A_318 = arith.constant 0 : i32
      %cond3A_319 = arith.cmpi ne, %convert_element_type3A_317, %cond3A_318 : i32
      scf.if %cond3A_319 {
        %get3A_579 = arith.constant 192 : index
        %get3A_580 = tpu.vector_load %arg12[%get3A_579] {strides = array<i32>} : memref<384xi32, #tpu.memory_space<vmem>>, vector<16xi32>,
        %get3A_581 = vector.shape_cast %get3A_580 : vector<16xi32> to vector<16xi32>
        %mul3A_582 = arith.constant 10000 : i32
        %mul3A_583 = vector.broadcast %mul3A_582 : i32 to vector<16xi32>
        %mul3A_584 = arith.muli %get3A_581, %mul3A_583 : vector<16xi32>
        %get3A_585 = arith.constant 192 : index
        %get3A_586 = tpu.vector_load %arg10[%get3A_585] {strides = array<i32>} : memref<384xi32, #tpu.memory_space<vmem>>, vector<16xi32>,
        %get3A_587 = vector.shape_cast %get3A_586 : vector<16xi32> to vector<16xi32>
        %add3A_588 = arith.addi %mul3A_584, %get3A_587 : vector<16xi32>
        %swap3A_589 = arith.constant 0 : index
        %swap3A_590 = tpu.vector_load %arg19[%swap3A_589] {strides = array<i32>} : memref<64xi32, #tpu.memory_space<vmem>>, vector<16xi32>,
        %swap3A_591 = vector.shape_cast %swap3A_590 : vector<16xi32> to vector<16xi32>
        %swap3A_592 = vector.shape_cast %add3A_588 : vector<16xi32> to vector<16xi32>
        tpu.vector_store %arg19[%swap3A_589], %swap3A_592 {strides = array<i32>} : memref<64xi32, #tpu.memory_space<vmem>>, vector<16xi32>,
        %get3A_593 = arith.constant 208 : index
        %get3A_594 = tpu.vector_load %arg12[%get3A_593] {strides = array<i32>} : memref<384xi32, #tpu.memory_space<vmem>>, vector<16xi32>,
        %get3A_595 = vector.shape_cast %get3A_594 : vector<16xi32> to vector<16xi32>
        %mul3A_596 = arith.constant 10000 : i32
        %mul3A_597 = vector.broadcast %mul3A_596 : i32 to vector<16xi32>
        %mul3A_598 = arith.muli %get3A_595, %mul3A_597 : vector<16xi32>
        %get3A_599 = arith.constant 208 : index
        %get3A_600 = tpu.vector_load %arg10[%get3A_599] {strides = array<i32>} : memref<384xi32, #tpu.memory_space<vmem>>, vector<16xi32>,
        %get3A_601 = vector.shape_cast %get3A_600 : vector<16xi32> to vector<16xi32>
        %add3A_602 = arith.addi %mul3A_598, %get3A_601 : vector<16xi32>
        %swap3A_603 = arith.constant 16 : index
        %swap3A_604 = tpu.vector_load %arg19[%swap3A_603] {strides = array<i32>} : memref<64xi32, #tpu.memory_space<vmem>>, vector<16xi32>,
        %swap3A_605 = vector.shape_cast %swap3A_604 : vector<16xi32> to vector<16xi32>
        %swap3A_606 = vector.shape_cast %add3A_602 : vector<16xi32> to vector<16xi32>
        tpu.vector_store %arg19[%swap3A_603], %swap3A_606 {strides = array<i32>} : memref<64xi32, #tpu.memory_space<vmem>>, vector<16xi32>,
        %get3A_607 = arith.constant 224 : index
        %get3A_608 = tpu.vector_load %arg12[%get3A_607] {strides = array<i32>} : memref<384xi32, #tpu.memory_space<vmem>>, vector<16xi32>,
        %get3A_609 = vector.shape_cast %get3A_608 : vector<16xi32> to vector<16xi32>
        %mul3A_610 = arith.constant 10000 : i32
        %mul3A_611 = vector.broadcast %mul3A_610 : i32 to vector<16xi32>
        %mul3A_612 = arith.muli %get3A_609, %mul3A_611 : vector<16xi32>
        %get3A_613 = arith.constant 224 : index
        %get3A_614 = tpu.vector_load %arg10[%get3A_613] {strides = array<i32>} : memref<384xi32, #tpu.memory_space<vmem>>, vector<16xi32>,
        %get3A_615 = vector.shape_cast %get3A_614 : vector<16xi32> to vector<16xi32>
        %add3A_616 = arith.addi %mul3A_612, %get3A_615 : vector<16xi32>
        %swap3A_617 = arith.constant 32 : index
        %swap3A_618 = tpu.vector_load %arg19[%swap3A_617] {strides = array<i32>} : memref<64xi32, #tpu.memory_space<vmem>>, vector<16xi32>,
        %swap3A_619 = vector.shape_cast %swap3A_618 : vector<16xi32> to vector<16xi32>
        %swap3A_620 = vector.shape_cast %add3A_616 : vector<16xi32> to vector<16xi32>
        tpu.vector_store %arg19[%swap3A_617], %swap3A_620 {strides = array<i32>} : memref<64xi32, #tpu.memory_space<vmem>>, vector<16xi32>,
        %get3A_621 = arith.constant 240 : index
        %get3A_622 = tpu.vector_load %arg12[%get3A_621] {strides = array<i32>} : memref<384xi32, #tpu.memory_space<vmem>>, vector<16xi32>,
        %get3A_623 = vector.shape_cast %get3A_622 : vector<16xi32> to vector<16xi32>
        %mul3A_624 = arith.constant 10000 : i32
        %mul3A_625 = vector.broadcast %mul3A_624 : i32 to vector<16xi32>
        %mul3A_626 = arith.muli %get3A_623, %mul3A_625 : vector<16xi32>
        %get3A_627 = arith.constant 240 : index
        %get3A_628 = tpu.vector_load %arg10[%get3A_627] {strides = array<i32>} : memref<384xi32, #tpu.memory_space<vmem>>, vector<16xi32>,
        %get3A_629 = vector.shape_cast %get3A_628 : vector<16xi32> to vector<16xi32>
        %add3A_630 = arith.addi %mul3A_626, %get3A_629 : vector<16xi32>
        %swap3A_631 = arith.constant 48 : index
        %swap3A_632 = tpu.vector_load %arg19[%swap3A_631] {strides = array<i32>} : memref<64xi32, #tpu.memory_space<vmem>>, vector<16xi32>,
        %swap3A_633 = vector.shape_cast %swap3A_632 : vector<16xi32> to vector<16xi32>
        %swap3A_634 = vector.shape_cast %add3A_630 : vector<16xi32> to vector<16xi32>
        tpu.vector_store %arg19[%swap3A_631], %swap3A_634 {strides = array<i32>} : memref<64xi32, #tpu.memory_space<vmem>>, vector<16xi32>,
        %get3A_635 = arith.constant 192 : index
        %get3A_636 = tpu.vector_load %arg14[%get3A_635] {strides = array<i32>} : memref<384xi32, #tpu.memory_space<vmem>>, vector<16xi32>,
        %get3A_637 = vector.shape_cast %get3A_636 : vector<16xi32> to vector<16xi32>
        %swap3A_638 = arith.constant 0 : index
        %swap3A_639 = tpu.vector_load %arg23[%swap3A_638] {strides = array<i32>} : memref<64xi32, #tpu.memory_space<vmem>>, vector<16xi32>,
        %swap3A_640 = vector.shape_cast %swap3A_639 : vector<16xi32> to vector<16xi32>
        %swap3A_641 = vector.shape_cast %get3A_637 : vector<16xi32> to vector<16xi32>
        tpu.vector_store %arg23[%swap3A_638], %swap3A_641 {strides = array<i32>} : memref<64xi32, #tpu.memory_space<vmem>>, vector<16xi32>,
        %get3A_642 = arith.constant 208 : index
        %get3A_643 = tpu.vector_load %arg14[%get3A_642] {strides = array<i32>} : memref<384xi32, #tpu.memory_space<vmem>>, vector<16xi32>,
        %get3A_644 = vector.shape_cast %get3A_643 : vector<16xi32> to vector<16xi32>
        %swap3A_645 = arith.constant 16 : index
        %swap3A_646 = tpu.vector_load %arg23[%swap3A_645] {strides = array<i32>} : memref<64xi32, #tpu.memory_space<vmem>>, vector<16xi32>,
        %swap3A_647 = vector.shape_cast %swap3A_646 : vector<16xi32> to vector<16xi32>
        %swap3A_648 = vector.shape_cast %get3A_644 : vector<16xi32> to vector<16xi32>
        tpu.vector_store %arg23[%swap3A_645], %swap3A_648 {strides = array<i32>} : memref<64xi32, #tpu.memory_space<vmem>>, vector<16xi32>,
        %get3A_649 = arith.constant 224 : index
        %get3A_650 = tpu.vector_load %arg14[%get3A_649] {strides = array<i32>} : memref<384xi32, #tpu.memory_space<vmem>>, vector<16xi32>,
        %get3A_651 = vector.shape_cast %get3A_650 : vector<16xi32> to vector<16xi32>
        %swap3A_652 = arith.constant 32 : index
        %swap3A_653 = tpu.vector_load %arg23[%swap3A_652] {strides = array<i32>} : memref<64xi32, #tpu.memory_space<vmem>>, vector<16xi32>,
        %swap3A_654 = vector.shape_cast %swap3A_653 : vector<16xi32> to vector<16xi32>
        %swap3A_655 = vector.shape_cast %get3A_651 : vector<16xi32> to vector<16xi32>
        tpu.vector_store %arg23[%swap3A_652], %swap3A_655 {strides = array<i32>} : memref<64xi32, #tpu.memory_space<vmem>>, vector<16xi32>,
        %get3A_656 = arith.constant 240 : index
        %get3A_657 = tpu.vector_load %arg14[%get3A_656] {strides = array<i32>} : memref<384xi32, #tpu.memory_space<vmem>>, vector<16xi32>,
        %get3A_658 = vector.shape_cast %get3A_657 : vector<16xi32> to vector<16xi32>
        %swap3A_659 = arith.constant 48 : index
        %swap3A_660 = tpu.vector_load %arg23[%swap3A_659] {strides = array<i32>} : memref<64xi32, #tpu.memory_space<vmem>>, vector<16xi32>,
        %swap3A_661 = vector.shape_cast %swap3A_660 : vector<16xi32> to vector<16xi32>
        %swap3A_662 = vector.shape_cast %get3A_658 : vector<16xi32> to vector<16xi32>
        tpu.vector_store %arg23[%swap3A_659], %swap3A_662 {strides = array<i32>} : memref<64xi32, #tpu.memory_space<vmem>>, vector<16xi32>,
        %dma_start3A_663 = arith.constant 0 : i32
        %dma_start3A_664 = arith.constant 0 : i32
        %dma_start3A_665 = tpu.memref_slice %arg2[%dma_start3A_663, %dma_start3A_664] : memref<40000x128xf32, #tpu.memory_space<hbm>> -> memref<40000x128xf32, #tpu.memory_space<hbm>>
        tpu.enqueue_indirect_dma source(%dma_start3A_665 : memref<40000x128xf32, #tpu.memory_space<hbm>>) target(%arg27 : memref<64x128xf32, #tpu.memory_space<vmem>>) offsets(%arg19 : memref<64xi32, #tpu.memory_space<vmem>>) semaphore(%arg36 : memref<!tpu.dma_semaphore, #tpu.memory_space<semaphore_mem>>)
      } else {
      }
      %mul3A_320 = arith.constant 6 : i32
      %mul3A_321 = arith.muli %add3A_275, %mul3A_320 : i32
      %add3A_322 = arith.constant 2 : i32
      %add3A_323 = arith.addi %mul3A_321, %add3A_322 : i32
      %dma_wait3A_324 = arith.constant 0 : i32
      %dma_wait3A_325 = arith.constant 0 : i32
      %dma_wait3A_326 = tpu.memref_slice %arg2[%dma_wait3A_324, %dma_wait3A_325] : memref<40000x128xf32, #tpu.memory_space<hbm>> -> memref<40000x128xf32, #tpu.memory_space<hbm>>
      tpu.wait_indirect_dma semaphore(%arg35 : memref<!tpu.dma_semaphore, #tpu.memory_space<semaphore_mem>>) src(%dma_wait3A_326 : memref<40000x128xf32, #tpu.memory_space<hbm>>) dst(%arg26 : memref<64x128xf32, #tpu.memory_space<vmem>>)
      %dma_start3A_327 = arith.constant 0 : i32
      %dma_start3A_328 = arith.constant 0 : i32
      %dma_start3A_329 = tpu.memref_slice %arg29[%dma_start3A_327, %dma_start3A_328] : memref<10240x128xf32, #tpu.memory_space<vmem_shared>> -> memref<10240x128xf32, #tpu.memory_space<vmem_shared>>
      tpu.enqueue_indirect_dma source(%arg26 : memref<64x128xf32, #tpu.memory_space<vmem>>) target(%dma_start3A_329 : memref<10240x128xf32, #tpu.memory_space<vmem_shared>>) offsets(%arg22 : memref<64xi32, #tpu.memory_space<vmem>>) semaphore(%arg39 : memref<!tpu.dma_semaphore, #tpu.memory_space<semaphore_mem>>) {add = true}
      %dma_start3A_330 = arith.constant 0 : i32
      %dma_start3A_331 = tpu.memref_slice %arg30[%dma_start3A_330] : memref<10240xf32, #tpu.memory_space<vmem_shared>> -> memref<10240xf32, #tpu.memory_space<vmem_shared>>
      tpu.enqueue_indirect_dma source(%arg28 : memref<64xf32, #tpu.memory_space<vmem>>) target(%dma_start3A_331 : memref<10240xf32, #tpu.memory_space<vmem_shared>>) offsets(%arg22 : memref<64xi32, #tpu.memory_space<vmem>>) semaphore(%arg39 : memref<!tpu.dma_semaphore, #tpu.memory_space<semaphore_mem>>) {add = true}
      %ge3A_332 = arith.constant 2 : i32
      %ge3A_333 = arith.cmpi sge, %add3A_323, %ge3A_332 : i32
      %convert_element_type3A_334 = arith.extui %ge3A_333 : i1 to i32
      %cond3A_335 = arith.constant 0 : i32
      %cond3A_336 = arith.cmpi ne, %convert_element_type3A_334, %cond3A_335 : i32
      scf.if %cond3A_336 {
        %dma_wait3A_579 = arith.constant 0 : i32
        %dma_wait3A_580 = arith.constant 0 : i32
        %dma_wait3A_581 = tpu.memref_slice %arg29[%dma_wait3A_579, %dma_wait3A_580] : memref<10240x128xf32, #tpu.memory_space<vmem_shared>> -> memref<10240x128xf32, #tpu.memory_space<vmem_shared>>
        tpu.wait_indirect_dma semaphore(%arg37 : memref<!tpu.dma_semaphore, #tpu.memory_space<semaphore_mem>>) src(%arg24 : memref<64x128xf32, #tpu.memory_space<vmem>>) dst(%dma_wait3A_581 : memref<10240x128xf32, #tpu.memory_space<vmem_shared>>)
        %dma_wait3A_582 = arith.constant 0 : i32
        %dma_wait3A_583 = tpu.memref_slice %arg30[%dma_wait3A_582] : memref<10240xf32, #tpu.memory_space<vmem_shared>> -> memref<10240xf32, #tpu.memory_space<vmem_shared>>
        tpu.wait_indirect_dma semaphore(%arg37 : memref<!tpu.dma_semaphore, #tpu.memory_space<semaphore_mem>>) src(%arg28 : memref<64xf32, #tpu.memory_space<vmem>>) dst(%dma_wait3A_583 : memref<10240xf32, #tpu.memory_space<vmem_shared>>)
      } else {
      }
      %add3A_337 = arith.constant 2 : i32
      %add3A_338 = arith.addi %add3A_323, %add3A_337 : i32
      %lt3A_339 = arith.constant 156 : i32
      %lt3A_340 = arith.cmpi slt, %add3A_338, %lt3A_339 : i32
      %convert_element_type3A_341 = arith.extui %lt3A_340 : i1 to i32
      %cond3A_342 = arith.constant 0 : i32
      %cond3A_343 = arith.cmpi ne, %convert_element_type3A_341, %cond3A_342 : i32
      scf.if %cond3A_343 {
        %get3A_579 = arith.constant 256 : index
        %get3A_580 = tpu.vector_load %arg12[%get3A_579] {strides = array<i32>} : memref<384xi32, #tpu.memory_space<vmem>>, vector<16xi32>,
        %get3A_581 = vector.shape_cast %get3A_580 : vector<16xi32> to vector<16xi32>
        %mul3A_582 = arith.constant 10000 : i32
        %mul3A_583 = vector.broadcast %mul3A_582 : i32 to vector<16xi32>
        %mul3A_584 = arith.muli %get3A_581, %mul3A_583 : vector<16xi32>
        %get3A_585 = arith.constant 256 : index
        %get3A_586 = tpu.vector_load %arg10[%get3A_585] {strides = array<i32>} : memref<384xi32, #tpu.memory_space<vmem>>, vector<16xi32>,
        %get3A_587 = vector.shape_cast %get3A_586 : vector<16xi32> to vector<16xi32>
        %add3A_588 = arith.addi %mul3A_584, %get3A_587 : vector<16xi32>
        %swap3A_589 = arith.constant 0 : index
        %swap3A_590 = tpu.vector_load %arg16[%swap3A_589] {strides = array<i32>} : memref<64xi32, #tpu.memory_space<vmem>>, vector<16xi32>,
        %swap3A_591 = vector.shape_cast %swap3A_590 : vector<16xi32> to vector<16xi32>
        %swap3A_592 = vector.shape_cast %add3A_588 : vector<16xi32> to vector<16xi32>
        tpu.vector_store %arg16[%swap3A_589], %swap3A_592 {strides = array<i32>} : memref<64xi32, #tpu.memory_space<vmem>>, vector<16xi32>,
        %get3A_593 = arith.constant 272 : index
        %get3A_594 = tpu.vector_load %arg12[%get3A_593] {strides = array<i32>} : memref<384xi32, #tpu.memory_space<vmem>>, vector<16xi32>,
        %get3A_595 = vector.shape_cast %get3A_594 : vector<16xi32> to vector<16xi32>
        %mul3A_596 = arith.constant 10000 : i32
        %mul3A_597 = vector.broadcast %mul3A_596 : i32 to vector<16xi32>
        %mul3A_598 = arith.muli %get3A_595, %mul3A_597 : vector<16xi32>
        %get3A_599 = arith.constant 272 : index
        %get3A_600 = tpu.vector_load %arg10[%get3A_599] {strides = array<i32>} : memref<384xi32, #tpu.memory_space<vmem>>, vector<16xi32>,
        %get3A_601 = vector.shape_cast %get3A_600 : vector<16xi32> to vector<16xi32>
        %add3A_602 = arith.addi %mul3A_598, %get3A_601 : vector<16xi32>
        %swap3A_603 = arith.constant 16 : index
        %swap3A_604 = tpu.vector_load %arg16[%swap3A_603] {strides = array<i32>} : memref<64xi32, #tpu.memory_space<vmem>>, vector<16xi32>,
        %swap3A_605 = vector.shape_cast %swap3A_604 : vector<16xi32> to vector<16xi32>
        %swap3A_606 = vector.shape_cast %add3A_602 : vector<16xi32> to vector<16xi32>
        tpu.vector_store %arg16[%swap3A_603], %swap3A_606 {strides = array<i32>} : memref<64xi32, #tpu.memory_space<vmem>>, vector<16xi32>,
        %get3A_607 = arith.constant 288 : index
        %get3A_608 = tpu.vector_load %arg12[%get3A_607] {strides = array<i32>} : memref<384xi32, #tpu.memory_space<vmem>>, vector<16xi32>,
        %get3A_609 = vector.shape_cast %get3A_608 : vector<16xi32> to vector<16xi32>
        %mul3A_610 = arith.constant 10000 : i32
        %mul3A_611 = vector.broadcast %mul3A_610 : i32 to vector<16xi32>
        %mul3A_612 = arith.muli %get3A_609, %mul3A_611 : vector<16xi32>
        %get3A_613 = arith.constant 288 : index
        %get3A_614 = tpu.vector_load %arg10[%get3A_613] {strides = array<i32>} : memref<384xi32, #tpu.memory_space<vmem>>, vector<16xi32>,
        %get3A_615 = vector.shape_cast %get3A_614 : vector<16xi32> to vector<16xi32>
        %add3A_616 = arith.addi %mul3A_612, %get3A_615 : vector<16xi32>
        %swap3A_617 = arith.constant 32 : index
        %swap3A_618 = tpu.vector_load %arg16[%swap3A_617] {strides = array<i32>} : memref<64xi32, #tpu.memory_space<vmem>>, vector<16xi32>,
        %swap3A_619 = vector.shape_cast %swap3A_618 : vector<16xi32> to vector<16xi32>
        %swap3A_620 = vector.shape_cast %add3A_616 : vector<16xi32> to vector<16xi32>
        tpu.vector_store %arg16[%swap3A_617], %swap3A_620 {strides = array<i32>} : memref<64xi32, #tpu.memory_space<vmem>>, vector<16xi32>,
        %get3A_621 = arith.constant 304 : index
        %get3A_622 = tpu.vector_load %arg12[%get3A_621] {strides = array<i32>} : memref<384xi32, #tpu.memory_space<vmem>>, vector<16xi32>,
        %get3A_623 = vector.shape_cast %get3A_622 : vector<16xi32> to vector<16xi32>
        %mul3A_624 = arith.constant 10000 : i32
        %mul3A_625 = vector.broadcast %mul3A_624 : i32 to vector<16xi32>
        %mul3A_626 = arith.muli %get3A_623, %mul3A_625 : vector<16xi32>
        %get3A_627 = arith.constant 304 : index
        %get3A_628 = tpu.vector_load %arg10[%get3A_627] {strides = array<i32>} : memref<384xi32, #tpu.memory_space<vmem>>, vector<16xi32>,
        %get3A_629 = vector.shape_cast %get3A_628 : vector<16xi32> to vector<16xi32>
        %add3A_630 = arith.addi %mul3A_626, %get3A_629 : vector<16xi32>
        %swap3A_631 = arith.constant 48 : index
        %swap3A_632 = tpu.vector_load %arg16[%swap3A_631] {strides = array<i32>} : memref<64xi32, #tpu.memory_space<vmem>>, vector<16xi32>,
        %swap3A_633 = vector.shape_cast %swap3A_632 : vector<16xi32> to vector<16xi32>
        %swap3A_634 = vector.shape_cast %add3A_630 : vector<16xi32> to vector<16xi32>
        tpu.vector_store %arg16[%swap3A_631], %swap3A_634 {strides = array<i32>} : memref<64xi32, #tpu.memory_space<vmem>>, vector<16xi32>,
        %get3A_635 = arith.constant 256 : index
        %get3A_636 = tpu.vector_load %arg14[%get3A_635] {strides = array<i32>} : memref<384xi32, #tpu.memory_space<vmem>>, vector<16xi32>,
        %get3A_637 = vector.shape_cast %get3A_636 : vector<16xi32> to vector<16xi32>
        %swap3A_638 = arith.constant 0 : index
        %swap3A_639 = tpu.vector_load %arg20[%swap3A_638] {strides = array<i32>} : memref<64xi32, #tpu.memory_space<vmem>>, vector<16xi32>,
        %swap3A_640 = vector.shape_cast %swap3A_639 : vector<16xi32> to vector<16xi32>
        %swap3A_641 = vector.shape_cast %get3A_637 : vector<16xi32> to vector<16xi32>
        tpu.vector_store %arg20[%swap3A_638], %swap3A_641 {strides = array<i32>} : memref<64xi32, #tpu.memory_space<vmem>>, vector<16xi32>,
        %get3A_642 = arith.constant 272 : index
        %get3A_643 = tpu.vector_load %arg14[%get3A_642] {strides = array<i32>} : memref<384xi32, #tpu.memory_space<vmem>>, vector<16xi32>,
        %get3A_644 = vector.shape_cast %get3A_643 : vector<16xi32> to vector<16xi32>
        %swap3A_645 = arith.constant 16 : index
        %swap3A_646 = tpu.vector_load %arg20[%swap3A_645] {strides = array<i32>} : memref<64xi32, #tpu.memory_space<vmem>>, vector<16xi32>,
        %swap3A_647 = vector.shape_cast %swap3A_646 : vector<16xi32> to vector<16xi32>
        %swap3A_648 = vector.shape_cast %get3A_644 : vector<16xi32> to vector<16xi32>
        tpu.vector_store %arg20[%swap3A_645], %swap3A_648 {strides = array<i32>} : memref<64xi32, #tpu.memory_space<vmem>>, vector<16xi32>,
        %get3A_649 = arith.constant 288 : index
        %get3A_650 = tpu.vector_load %arg14[%get3A_649] {strides = array<i32>} : memref<384xi32, #tpu.memory_space<vmem>>, vector<16xi32>,
        %get3A_651 = vector.shape_cast %get3A_650 : vector<16xi32> to vector<16xi32>
        %swap3A_652 = arith.constant 32 : index
        %swap3A_653 = tpu.vector_load %arg20[%swap3A_652] {strides = array<i32>} : memref<64xi32, #tpu.memory_space<vmem>>, vector<16xi32>,
        %swap3A_654 = vector.shape_cast %swap3A_653 : vector<16xi32> to vector<16xi32>
        %swap3A_655 = vector.shape_cast %get3A_651 : vector<16xi32> to vector<16xi32>
        tpu.vector_store %arg20[%swap3A_652], %swap3A_655 {strides = array<i32>} : memref<64xi32, #tpu.memory_space<vmem>>, vector<16xi32>,
        %get3A_656 = arith.constant 304 : index
        %get3A_657 = tpu.vector_load %arg14[%get3A_656] {strides = array<i32>} : memref<384xi32, #tpu.memory_space<vmem>>, vector<16xi32>,
        %get3A_658 = vector.shape_cast %get3A_657 : vector<16xi32> to vector<16xi32>
        %swap3A_659 = arith.constant 48 : index
        %swap3A_660 = tpu.vector_load %arg20[%swap3A_659] {strides = array<i32>} : memref<64xi32, #tpu.memory_space<vmem>>, vector<16xi32>,
        %swap3A_661 = vector.shape_cast %swap3A_660 : vector<16xi32> to vector<16xi32>
        %swap3A_662 = vector.shape_cast %get3A_658 : vector<16xi32> to vector<16xi32>
        tpu.vector_store %arg20[%swap3A_659], %swap3A_662 {strides = array<i32>} : memref<64xi32, #tpu.memory_space<vmem>>, vector<16xi32>,
        %dma_start3A_663 = arith.constant 0 : i32
        %dma_start3A_664 = arith.constant 0 : i32
        %dma_start3A_665 = tpu.memref_slice %arg2[%dma_start3A_663, %dma_start3A_664] : memref<40000x128xf32, #tpu.memory_space<hbm>> -> memref<40000x128xf32, #tpu.memory_space<hbm>>
        tpu.enqueue_indirect_dma source(%dma_start3A_665 : memref<40000x128xf32, #tpu.memory_space<hbm>>) target(%arg24 : memref<64x128xf32, #tpu.memory_space<vmem>>) offsets(%arg16 : memref<64xi32, #tpu.memory_space<vmem>>) semaphore(%arg33 : memref<!tpu.dma_semaphore, #tpu.memory_space<semaphore_mem>>)
      } else {
      }
      %mul3A_344 = arith.constant 6 : i32
      %mul3A_345 = arith.muli %add3A_275, %mul3A_344 : i32
      %add3A_346 = arith.constant 3 : i32
      %add3A_347 = arith.addi %mul3A_345, %add3A_346 : i32
      %dma_wait3A_348 = arith.constant 0 : i32
      %dma_wait3A_349 = arith.constant 0 : i32
      %dma_wait3A_350 = tpu.memref_slice %arg2[%dma_wait3A_348, %dma_wait3A_349] : memref<40000x128xf32, #tpu.memory_space<hbm>> -> memref<40000x128xf32, #tpu.memory_space<hbm>>
      tpu.wait_indirect_dma semaphore(%arg36 : memref<!tpu.dma_semaphore, #tpu.memory_space<semaphore_mem>>) src(%dma_wait3A_350 : memref<40000x128xf32, #tpu.memory_space<hbm>>) dst(%arg27 : memref<64x128xf32, #tpu.memory_space<vmem>>)
      %dma_start3A_351 = arith.constant 0 : i32
      %dma_start3A_352 = arith.constant 0 : i32
      %dma_start3A_353 = tpu.memref_slice %arg29[%dma_start3A_351, %dma_start3A_352] : memref<10240x128xf32, #tpu.memory_space<vmem_shared>> -> memref<10240x128xf32, #tpu.memory_space<vmem_shared>>
      tpu.enqueue_indirect_dma source(%arg27 : memref<64x128xf32, #tpu.memory_space<vmem>>) target(%dma_start3A_353 : memref<10240x128xf32, #tpu.memory_space<vmem_shared>>) offsets(%arg23 : memref<64xi32, #tpu.memory_space<vmem>>) semaphore(%arg40 : memref<!tpu.dma_semaphore, #tpu.memory_space<semaphore_mem>>) {add = true}
      %dma_start3A_354 = arith.constant 0 : i32
      %dma_start3A_355 = tpu.memref_slice %arg30[%dma_start3A_354] : memref<10240xf32, #tpu.memory_space<vmem_shared>> -> memref<10240xf32, #tpu.memory_space<vmem_shared>>
      tpu.enqueue_indirect_dma source(%arg28 : memref<64xf32, #tpu.memory_space<vmem>>) target(%dma_start3A_355 : memref<10240xf32, #tpu.memory_space<vmem_shared>>) offsets(%arg23 : memref<64xi32, #tpu.memory_space<vmem>>) semaphore(%arg40 : memref<!tpu.dma_semaphore, #tpu.memory_space<semaphore_mem>>) {add = true}
      %ge3A_356 = arith.constant 2 : i32
      %ge3A_357 = arith.cmpi sge, %add3A_347, %ge3A_356 : i32
      %convert_element_type3A_358 = arith.extui %ge3A_357 : i1 to i32
      %cond3A_359 = arith.constant 0 : i32
      %cond3A_360 = arith.cmpi ne, %convert_element_type3A_358, %cond3A_359 : i32
      scf.if %cond3A_360 {
        %dma_wait3A_579 = arith.constant 0 : i32
        %dma_wait3A_580 = arith.constant 0 : i32
        %dma_wait3A_581 = tpu.memref_slice %arg29[%dma_wait3A_579, %dma_wait3A_580] : memref<10240x128xf32, #tpu.memory_space<vmem_shared>> -> memref<10240x128xf32, #tpu.memory_space<vmem_shared>>
        tpu.wait_indirect_dma semaphore(%arg38 : memref<!tpu.dma_semaphore, #tpu.memory_space<semaphore_mem>>) src(%arg25 : memref<64x128xf32, #tpu.memory_space<vmem>>) dst(%dma_wait3A_581 : memref<10240x128xf32, #tpu.memory_space<vmem_shared>>)
        %dma_wait3A_582 = arith.constant 0 : i32
        %dma_wait3A_583 = tpu.memref_slice %arg30[%dma_wait3A_582] : memref<10240xf32, #tpu.memory_space<vmem_shared>> -> memref<10240xf32, #tpu.memory_space<vmem_shared>>
        tpu.wait_indirect_dma semaphore(%arg38 : memref<!tpu.dma_semaphore, #tpu.memory_space<semaphore_mem>>) src(%arg28 : memref<64xf32, #tpu.memory_space<vmem>>) dst(%dma_wait3A_583 : memref<10240xf32, #tpu.memory_space<vmem_shared>>)
      } else {
      }
      %add3A_361 = arith.constant 2 : i32
      %add3A_362 = arith.addi %add3A_347, %add3A_361 : i32
      %lt3A_363 = arith.constant 156 : i32
      %lt3A_364 = arith.cmpi slt, %add3A_362, %lt3A_363 : i32
      %convert_element_type3A_365 = arith.extui %lt3A_364 : i1 to i32
      %cond3A_366 = arith.constant 0 : i32
      %cond3A_367 = arith.cmpi ne, %convert_element_type3A_365, %cond3A_366 : i32
      scf.if %cond3A_367 {
        %get3A_579 = arith.constant 320 : index
        %get3A_580 = tpu.vector_load %arg12[%get3A_579] {strides = array<i32>} : memref<384xi32, #tpu.memory_space<vmem>>, vector<16xi32>,
        %get3A_581 = vector.shape_cast %get3A_580 : vector<16xi32> to vector<16xi32>
        %mul3A_582 = arith.constant 10000 : i32
        %mul3A_583 = vector.broadcast %mul3A_582 : i32 to vector<16xi32>
        %mul3A_584 = arith.muli %get3A_581, %mul3A_583 : vector<16xi32>
        %get3A_585 = arith.constant 320 : index
        %get3A_586 = tpu.vector_load %arg10[%get3A_585] {strides = array<i32>} : memref<384xi32, #tpu.memory_space<vmem>>, vector<16xi32>,
        %get3A_587 = vector.shape_cast %get3A_586 : vector<16xi32> to vector<16xi32>
        %add3A_588 = arith.addi %mul3A_584, %get3A_587 : vector<16xi32>
        %swap3A_589 = arith.constant 0 : index
        %swap3A_590 = tpu.vector_load %arg17[%swap3A_589] {strides = array<i32>} : memref<64xi32, #tpu.memory_space<vmem>>, vector<16xi32>,
        %swap3A_591 = vector.shape_cast %swap3A_590 : vector<16xi32> to vector<16xi32>
        %swap3A_592 = vector.shape_cast %add3A_588 : vector<16xi32> to vector<16xi32>
        tpu.vector_store %arg17[%swap3A_589], %swap3A_592 {strides = array<i32>} : memref<64xi32, #tpu.memory_space<vmem>>, vector<16xi32>,
        %get3A_593 = arith.constant 336 : index
        %get3A_594 = tpu.vector_load %arg12[%get3A_593] {strides = array<i32>} : memref<384xi32, #tpu.memory_space<vmem>>, vector<16xi32>,
        %get3A_595 = vector.shape_cast %get3A_594 : vector<16xi32> to vector<16xi32>
        %mul3A_596 = arith.constant 10000 : i32
        %mul3A_597 = vector.broadcast %mul3A_596 : i32 to vector<16xi32>
        %mul3A_598 = arith.muli %get3A_595, %mul3A_597 : vector<16xi32>
        %get3A_599 = arith.constant 336 : index
        %get3A_600 = tpu.vector_load %arg10[%get3A_599] {strides = array<i32>} : memref<384xi32, #tpu.memory_space<vmem>>, vector<16xi32>,
        %get3A_601 = vector.shape_cast %get3A_600 : vector<16xi32> to vector<16xi32>
        %add3A_602 = arith.addi %mul3A_598, %get3A_601 : vector<16xi32>
        %swap3A_603 = arith.constant 16 : index
        %swap3A_604 = tpu.vector_load %arg17[%swap3A_603] {strides = array<i32>} : memref<64xi32, #tpu.memory_space<vmem>>, vector<16xi32>,
        %swap3A_605 = vector.shape_cast %swap3A_604 : vector<16xi32> to vector<16xi32>
        %swap3A_606 = vector.shape_cast %add3A_602 : vector<16xi32> to vector<16xi32>
        tpu.vector_store %arg17[%swap3A_603], %swap3A_606 {strides = array<i32>} : memref<64xi32, #tpu.memory_space<vmem>>, vector<16xi32>,
        %get3A_607 = arith.constant 352 : index
        %get3A_608 = tpu.vector_load %arg12[%get3A_607] {strides = array<i32>} : memref<384xi32, #tpu.memory_space<vmem>>, vector<16xi32>,
        %get3A_609 = vector.shape_cast %get3A_608 : vector<16xi32> to vector<16xi32>
        %mul3A_610 = arith.constant 10000 : i32
        %mul3A_611 = vector.broadcast %mul3A_610 : i32 to vector<16xi32>
        %mul3A_612 = arith.muli %get3A_609, %mul3A_611 : vector<16xi32>
        %get3A_613 = arith.constant 352 : index
        %get3A_614 = tpu.vector_load %arg10[%get3A_613] {strides = array<i32>} : memref<384xi32, #tpu.memory_space<vmem>>, vector<16xi32>,
        %get3A_615 = vector.shape_cast %get3A_614 : vector<16xi32> to vector<16xi32>
        %add3A_616 = arith.addi %mul3A_612, %get3A_615 : vector<16xi32>
        %swap3A_617 = arith.constant 32 : index
        %swap3A_618 = tpu.vector_load %arg17[%swap3A_617] {strides = array<i32>} : memref<64xi32, #tpu.memory_space<vmem>>, vector<16xi32>,
        %swap3A_619 = vector.shape_cast %swap3A_618 : vector<16xi32> to vector<16xi32>
        %swap3A_620 = vector.shape_cast %add3A_616 : vector<16xi32> to vector<16xi32>
        tpu.vector_store %arg17[%swap3A_617], %swap3A_620 {strides = array<i32>} : memref<64xi32, #tpu.memory_space<vmem>>, vector<16xi32>,
        %get3A_621 = arith.constant 368 : index
        %get3A_622 = tpu.vector_load %arg12[%get3A_621] {strides = array<i32>} : memref<384xi32, #tpu.memory_space<vmem>>, vector<16xi32>,
        %get3A_623 = vector.shape_cast %get3A_622 : vector<16xi32> to vector<16xi32>
        %mul3A_624 = arith.constant 10000 : i32
        %mul3A_625 = vector.broadcast %mul3A_624 : i32 to vector<16xi32>
        %mul3A_626 = arith.muli %get3A_623, %mul3A_625 : vector<16xi32>
        %get3A_627 = arith.constant 368 : index
        %get3A_628 = tpu.vector_load %arg10[%get3A_627] {strides = array<i32>} : memref<384xi32, #tpu.memory_space<vmem>>, vector<16xi32>,
        %get3A_629 = vector.shape_cast %get3A_628 : vector<16xi32> to vector<16xi32>
        %add3A_630 = arith.addi %mul3A_626, %get3A_629 : vector<16xi32>
        %swap3A_631 = arith.constant 48 : index
        %swap3A_632 = tpu.vector_load %arg17[%swap3A_631] {strides = array<i32>} : memref<64xi32, #tpu.memory_space<vmem>>, vector<16xi32>,
        %swap3A_633 = vector.shape_cast %swap3A_632 : vector<16xi32> to vector<16xi32>
        %swap3A_634 = vector.shape_cast %add3A_630 : vector<16xi32> to vector<16xi32>
        tpu.vector_store %arg17[%swap3A_631], %swap3A_634 {strides = array<i32>} : memref<64xi32, #tpu.memory_space<vmem>>, vector<16xi32>,
        %get3A_635 = arith.constant 320 : index
        %get3A_636 = tpu.vector_load %arg14[%get3A_635] {strides = array<i32>} : memref<384xi32, #tpu.memory_space<vmem>>, vector<16xi32>,
        %get3A_637 = vector.shape_cast %get3A_636 : vector<16xi32> to vector<16xi32>
        %swap3A_638 = arith.constant 0 : index
        %swap3A_639 = tpu.vector_load %arg21[%swap3A_638] {strides = array<i32>} : memref<64xi32, #tpu.memory_space<vmem>>, vector<16xi32>,
        %swap3A_640 = vector.shape_cast %swap3A_639 : vector<16xi32> to vector<16xi32>
        %swap3A_641 = vector.shape_cast %get3A_637 : vector<16xi32> to vector<16xi32>
        tpu.vector_store %arg21[%swap3A_638], %swap3A_641 {strides = array<i32>} : memref<64xi32, #tpu.memory_space<vmem>>, vector<16xi32>,
        %get3A_642 = arith.constant 336 : index
        %get3A_643 = tpu.vector_load %arg14[%get3A_642] {strides = array<i32>} : memref<384xi32, #tpu.memory_space<vmem>>, vector<16xi32>,
        %get3A_644 = vector.shape_cast %get3A_643 : vector<16xi32> to vector<16xi32>
        %swap3A_645 = arith.constant 16 : index
        %swap3A_646 = tpu.vector_load %arg21[%swap3A_645] {strides = array<i32>} : memref<64xi32, #tpu.memory_space<vmem>>, vector<16xi32>,
        %swap3A_647 = vector.shape_cast %swap3A_646 : vector<16xi32> to vector<16xi32>
        %swap3A_648 = vector.shape_cast %get3A_644 : vector<16xi32> to vector<16xi32>
        tpu.vector_store %arg21[%swap3A_645], %swap3A_648 {strides = array<i32>} : memref<64xi32, #tpu.memory_space<vmem>>, vector<16xi32>,
        %get3A_649 = arith.constant 352 : index
        %get3A_650 = tpu.vector_load %arg14[%get3A_649] {strides = array<i32>} : memref<384xi32, #tpu.memory_space<vmem>>, vector<16xi32>,
        %get3A_651 = vector.shape_cast %get3A_650 : vector<16xi32> to vector<16xi32>
        %swap3A_652 = arith.constant 32 : index
        %swap3A_653 = tpu.vector_load %arg21[%swap3A_652] {strides = array<i32>} : memref<64xi32, #tpu.memory_space<vmem>>, vector<16xi32>,
        %swap3A_654 = vector.shape_cast %swap3A_653 : vector<16xi32> to vector<16xi32>
        %swap3A_655 = vector.shape_cast %get3A_651 : vector<16xi32> to vector<16xi32>
        tpu.vector_store %arg21[%swap3A_652], %swap3A_655 {strides = array<i32>} : memref<64xi32, #tpu.memory_space<vmem>>, vector<16xi32>,
        %get3A_656 = arith.constant 368 : index
        %get3A_657 = tpu.vector_load %arg14[%get3A_656] {strides = array<i32>} : memref<384xi32, #tpu.memory_space<vmem>>, vector<16xi32>,
        %get3A_658 = vector.shape_cast %get3A_657 : vector<16xi32> to vector<16xi32>
        %swap3A_659 = arith.constant 48 : index
        %swap3A_660 = tpu.vector_load %arg21[%swap3A_659] {strides = array<i32>} : memref<64xi32, #tpu.memory_space<vmem>>, vector<16xi32>,
        %swap3A_661 = vector.shape_cast %swap3A_660 : vector<16xi32> to vector<16xi32>
        %swap3A_662 = vector.shape_cast %get3A_658 : vector<16xi32> to vector<16xi32>
        tpu.vector_store %arg21[%swap3A_659], %swap3A_662 {strides = array<i32>} : memref<64xi32, #tpu.memory_space<vmem>>, vector<16xi32>,
        %dma_start3A_663 = arith.constant 0 : i32
        %dma_start3A_664 = arith.constant 0 : i32
        %dma_start3A_665 = tpu.memref_slice %arg2[%dma_start3A_663, %dma_start3A_664] : memref<40000x128xf32, #tpu.memory_space<hbm>> -> memref<40000x128xf32, #tpu.memory_space<hbm>>
        tpu.enqueue_indirect_dma source(%dma_start3A_665 : memref<40000x128xf32, #tpu.memory_space<hbm>>) target(%arg25 : memref<64x128xf32, #tpu.memory_space<vmem>>) offsets(%arg17 : memref<64xi32, #tpu.memory_space<vmem>>) semaphore(%arg34 : memref<!tpu.dma_semaphore, #tpu.memory_space<semaphore_mem>>)
      } else {
      }
      %mul3A_368 = arith.constant 6 : i32
      %mul3A_369 = arith.muli %add3A_275, %mul3A_368 : i32
      %add3A_370 = arith.constant 4 : i32
      %add3A_371 = arith.addi %mul3A_369, %add3A_370 : i32
      %dma_wait3A_372 = arith.constant 0 : i32
      %dma_wait3A_373 = arith.constant 0 : i32
      %dma_wait3A_374 = tpu.memref_slice %arg2[%dma_wait3A_372, %dma_wait3A_373] : memref<40000x128xf32, #tpu.memory_space<hbm>> -> memref<40000x128xf32, #tpu.memory_space<hbm>>
      tpu.wait_indirect_dma semaphore(%arg33 : memref<!tpu.dma_semaphore, #tpu.memory_space<semaphore_mem>>) src(%dma_wait3A_374 : memref<40000x128xf32, #tpu.memory_space<hbm>>) dst(%arg24 : memref<64x128xf32, #tpu.memory_space<vmem>>)
      %dma_start3A_375 = arith.constant 0 : i32
      %dma_start3A_376 = arith.constant 0 : i32
      %dma_start3A_377 = tpu.memref_slice %arg29[%dma_start3A_375, %dma_start3A_376] : memref<10240x128xf32, #tpu.memory_space<vmem_shared>> -> memref<10240x128xf32, #tpu.memory_space<vmem_shared>>
      tpu.enqueue_indirect_dma source(%arg24 : memref<64x128xf32, #tpu.memory_space<vmem>>) target(%dma_start3A_377 : memref<10240x128xf32, #tpu.memory_space<vmem_shared>>) offsets(%arg20 : memref<64xi32, #tpu.memory_space<vmem>>) semaphore(%arg37 : memref<!tpu.dma_semaphore, #tpu.memory_space<semaphore_mem>>) {add = true}
      %dma_start3A_378 = arith.constant 0 : i32
      %dma_start3A_379 = tpu.memref_slice %arg30[%dma_start3A_378] : memref<10240xf32, #tpu.memory_space<vmem_shared>> -> memref<10240xf32, #tpu.memory_space<vmem_shared>>
      tpu.enqueue_indirect_dma source(%arg28 : memref<64xf32, #tpu.memory_space<vmem>>) target(%dma_start3A_379 : memref<10240xf32, #tpu.memory_space<vmem_shared>>) offsets(%arg20 : memref<64xi32, #tpu.memory_space<vmem>>) semaphore(%arg37 : memref<!tpu.dma_semaphore, #tpu.memory_space<semaphore_mem>>) {add = true}
      %ge3A_380 = arith.constant 2 : i32
      %ge3A_381 = arith.cmpi sge, %add3A_371, %ge3A_380 : i32
      %convert_element_type3A_382 = arith.extui %ge3A_381 : i1 to i32
      %cond3A_383 = arith.constant 0 : i32
      %cond3A_384 = arith.cmpi ne, %convert_element_type3A_382, %cond3A_383 : i32
      scf.if %cond3A_384 {
        %dma_wait3A_579 = arith.constant 0 : i32
        %dma_wait3A_580 = arith.constant 0 : i32
        %dma_wait3A_581 = tpu.memref_slice %arg29[%dma_wait3A_579, %dma_wait3A_580] : memref<10240x128xf32, #tpu.memory_space<vmem_shared>> -> memref<10240x128xf32, #tpu.memory_space<vmem_shared>>
        tpu.wait_indirect_dma semaphore(%arg39 : memref<!tpu.dma_semaphore, #tpu.memory_space<semaphore_mem>>) src(%arg26 : memref<64x128xf32, #tpu.memory_space<vmem>>) dst(%dma_wait3A_581 : memref<10240x128xf32, #tpu.memory_space<vmem_shared>>)
        %dma_wait3A_582 = arith.constant 0 : i32
        %dma_wait3A_583 = tpu.memref_slice %arg30[%dma_wait3A_582] : memref<10240xf32, #tpu.memory_space<vmem_shared>> -> memref<10240xf32, #tpu.memory_space<vmem_shared>>
        tpu.wait_indirect_dma semaphore(%arg39 : memref<!tpu.dma_semaphore, #tpu.memory_space<semaphore_mem>>) src(%arg28 : memref<64xf32, #tpu.memory_space<vmem>>) dst(%dma_wait3A_583 : memref<10240xf32, #tpu.memory_space<vmem_shared>>)
      } else {
      }
      %add3A_385 = arith.constant 2 : i32
      %add3A_386 = arith.addi %add3A_371, %add3A_385 : i32
      %lt3A_387 = arith.constant 156 : i32
      %lt3A_388 = arith.cmpi slt, %add3A_386, %lt3A_387 : i32
      %convert_element_type3A_389 = arith.extui %lt3A_388 : i1 to i32
      %cond3A_390 = arith.constant 0 : i32
      %cond3A_391 = arith.cmpi ne, %convert_element_type3A_389, %cond3A_390 : i32
      scf.if %cond3A_391 {
        %add3A_579 = arith.constant 1 : i32
        %add3A_580 = arith.addi %add3A_275, %add3A_579 : i32
        %mul3A_581 = arith.constant 384 : i32
        %mul3A_582 = arith.muli %add3A_580, %mul3A_581 : i32
        %add3A_583 = arith.addi %mul3A_2, %mul3A_582 : i32
        %dma_wait3A_584 = tpu.memref_slice %arg3[%add3A_583] : memref<320000xi32, #tpu.memory_space<hbm>> -> memref<384xi32, #tpu.memory_space<hbm>>
        %dma_wait3A_585 = tpu.memref_slice %arg3[%add3A_583] : memref<320000xi32, #tpu.memory_space<hbm>> -> memref<384xi32, #tpu.memory_space<hbm>>
        tpu.wait_dma2 semaphore(%arg32 : memref<!tpu.dma_semaphore, #tpu.memory_space<semaphore_mem>>) src(%dma_wait3A_585 : memref<384xi32, #tpu.memory_space<hbm>>) dst(%arg11 : memref<384xi32, #tpu.memory_space<vmem>>)
        %dma_wait3A_586 = tpu.memref_slice %arg4[%add3A_583] : memref<320000xi32, #tpu.memory_space<hbm>> -> memref<384xi32, #tpu.memory_space<hbm>>
        %dma_wait3A_587 = tpu.memref_slice %arg4[%add3A_583] : memref<320000xi32, #tpu.memory_space<hbm>> -> memref<384xi32, #tpu.memory_space<hbm>>
        tpu.wait_dma2 semaphore(%arg32 : memref<!tpu.dma_semaphore, #tpu.memory_space<semaphore_mem>>) src(%dma_wait3A_587 : memref<384xi32, #tpu.memory_space<hbm>>) dst(%arg13 : memref<384xi32, #tpu.memory_space<vmem>>)
        %dma_wait3A_588 = tpu.memref_slice %arg5[%add3A_583] : memref<320000xi32, #tpu.memory_space<hbm>> -> memref<384xi32, #tpu.memory_space<hbm>>
        %dma_wait3A_589 = tpu.memref_slice %arg5[%add3A_583] : memref<320000xi32, #tpu.memory_space<hbm>> -> memref<384xi32, #tpu.memory_space<hbm>>
        tpu.wait_dma2 semaphore(%arg32 : memref<!tpu.dma_semaphore, #tpu.memory_space<semaphore_mem>>) src(%dma_wait3A_589 : memref<384xi32, #tpu.memory_space<hbm>>) dst(%arg15 : memref<384xi32, #tpu.memory_space<vmem>>)
        %get3A_590 = arith.constant 0 : index
        %get3A_591 = tpu.vector_load %arg13[%get3A_590] {strides = array<i32>} : memref<384xi32, #tpu.memory_space<vmem>>, vector<16xi32>,
        %get3A_592 = vector.shape_cast %get3A_591 : vector<16xi32> to vector<16xi32>
        %mul3A_593 = arith.constant 10000 : i32
        %mul3A_594 = vector.broadcast %mul3A_593 : i32 to vector<16xi32>
        %mul3A_595 = arith.muli %get3A_592, %mul3A_594 : vector<16xi32>
        %get3A_596 = arith.constant 0 : index
        %get3A_597 = tpu.vector_load %arg11[%get3A_596] {strides = array<i32>} : memref<384xi32, #tpu.memory_space<vmem>>, vector<16xi32>,
        %get3A_598 = vector.shape_cast %get3A_597 : vector<16xi32> to vector<16xi32>
        %add3A_599 = arith.addi %mul3A_595, %get3A_598 : vector<16xi32>
        %swap3A_600 = arith.constant 0 : index
        %swap3A_601 = tpu.vector_load %arg18[%swap3A_600] {strides = array<i32>} : memref<64xi32, #tpu.memory_space<vmem>>, vector<16xi32>,
        %swap3A_602 = vector.shape_cast %swap3A_601 : vector<16xi32> to vector<16xi32>
        %swap3A_603 = vector.shape_cast %add3A_599 : vector<16xi32> to vector<16xi32>
        tpu.vector_store %arg18[%swap3A_600], %swap3A_603 {strides = array<i32>} : memref<64xi32, #tpu.memory_space<vmem>>, vector<16xi32>,
        %get3A_604 = arith.constant 16 : index
        %get3A_605 = tpu.vector_load %arg13[%get3A_604] {strides = array<i32>} : memref<384xi32, #tpu.memory_space<vmem>>, vector<16xi32>,
        %get3A_606 = vector.shape_cast %get3A_605 : vector<16xi32> to vector<16xi32>
        %mul3A_607 = arith.constant 10000 : i32
        %mul3A_608 = vector.broadcast %mul3A_607 : i32 to vector<16xi32>
        %mul3A_609 = arith.muli %get3A_606, %mul3A_608 : vector<16xi32>
        %get3A_610 = arith.constant 16 : index
        %get3A_611 = tpu.vector_load %arg11[%get3A_610] {strides = array<i32>} : memref<384xi32, #tpu.memory_space<vmem>>, vector<16xi32>,
        %get3A_612 = vector.shape_cast %get3A_611 : vector<16xi32> to vector<16xi32>
        %add3A_613 = arith.addi %mul3A_609, %get3A_612 : vector<16xi32>
        %swap3A_614 = arith.constant 16 : index
        %swap3A_615 = tpu.vector_load %arg18[%swap3A_614] {strides = array<i32>} : memref<64xi32, #tpu.memory_space<vmem>>, vector<16xi32>,
        %swap3A_616 = vector.shape_cast %swap3A_615 : vector<16xi32> to vector<16xi32>
        %swap3A_617 = vector.shape_cast %add3A_613 : vector<16xi32> to vector<16xi32>
        tpu.vector_store %arg18[%swap3A_614], %swap3A_617 {strides = array<i32>} : memref<64xi32, #tpu.memory_space<vmem>>, vector<16xi32>,
        %get3A_618 = arith.constant 32 : index
        %get3A_619 = tpu.vector_load %arg13[%get3A_618] {strides = array<i32>} : memref<384xi32, #tpu.memory_space<vmem>>, vector<16xi32>,
        %get3A_620 = vector.shape_cast %get3A_619 : vector<16xi32> to vector<16xi32>
        %mul3A_621 = arith.constant 10000 : i32
        %mul3A_622 = vector.broadcast %mul3A_621 : i32 to vector<16xi32>
        %mul3A_623 = arith.muli %get3A_620, %mul3A_622 : vector<16xi32>
        %get3A_624 = arith.constant 32 : index
        %get3A_625 = tpu.vector_load %arg11[%get3A_624] {strides = array<i32>} : memref<384xi32, #tpu.memory_space<vmem>>, vector<16xi32>,
        %get3A_626 = vector.shape_cast %get3A_625 : vector<16xi32> to vector<16xi32>
        %add3A_627 = arith.addi %mul3A_623, %get3A_626 : vector<16xi32>
        %swap3A_628 = arith.constant 32 : index
        %swap3A_629 = tpu.vector_load %arg18[%swap3A_628] {strides = array<i32>} : memref<64xi32, #tpu.memory_space<vmem>>, vector<16xi32>,
        %swap3A_630 = vector.shape_cast %swap3A_629 : vector<16xi32> to vector<16xi32>
        %swap3A_631 = vector.shape_cast %add3A_627 : vector<16xi32> to vector<16xi32>
        tpu.vector_store %arg18[%swap3A_628], %swap3A_631 {strides = array<i32>} : memref<64xi32, #tpu.memory_space<vmem>>, vector<16xi32>,
        %get3A_632 = arith.constant 48 : index
        %get3A_633 = tpu.vector_load %arg13[%get3A_632] {strides = array<i32>} : memref<384xi32, #tpu.memory_space<vmem>>, vector<16xi32>,
        %get3A_634 = vector.shape_cast %get3A_633 : vector<16xi32> to vector<16xi32>
        %mul3A_635 = arith.constant 10000 : i32
        %mul3A_636 = vector.broadcast %mul3A_635 : i32 to vector<16xi32>
        %mul3A_637 = arith.muli %get3A_634, %mul3A_636 : vector<16xi32>
        %get3A_638 = arith.constant 48 : index
        %get3A_639 = tpu.vector_load %arg11[%get3A_638] {strides = array<i32>} : memref<384xi32, #tpu.memory_space<vmem>>, vector<16xi32>,
        %get3A_640 = vector.shape_cast %get3A_639 : vector<16xi32> to vector<16xi32>
        %add3A_641 = arith.addi %mul3A_637, %get3A_640 : vector<16xi32>
        %swap3A_642 = arith.constant 48 : index
        %swap3A_643 = tpu.vector_load %arg18[%swap3A_642] {strides = array<i32>} : memref<64xi32, #tpu.memory_space<vmem>>, vector<16xi32>,
        %swap3A_644 = vector.shape_cast %swap3A_643 : vector<16xi32> to vector<16xi32>
        %swap3A_645 = vector.shape_cast %add3A_641 : vector<16xi32> to vector<16xi32>
        tpu.vector_store %arg18[%swap3A_642], %swap3A_645 {strides = array<i32>} : memref<64xi32, #tpu.memory_space<vmem>>, vector<16xi32>,
        %get3A_646 = arith.constant 0 : index
        %get3A_647 = tpu.vector_load %arg15[%get3A_646] {strides = array<i32>} : memref<384xi32, #tpu.memory_space<vmem>>, vector<16xi32>,
        %get3A_648 = vector.shape_cast %get3A_647 : vector<16xi32> to vector<16xi32>
        %swap3A_649 = arith.constant 0 : index
        %swap3A_650 = tpu.vector_load %arg22[%swap3A_649] {strides = array<i32>} : memref<64xi32, #tpu.memory_space<vmem>>, vector<16xi32>,
        %swap3A_651 = vector.shape_cast %swap3A_650 : vector<16xi32> to vector<16xi32>
        %swap3A_652 = vector.shape_cast %get3A_648 : vector<16xi32> to vector<16xi32>
        tpu.vector_store %arg22[%swap3A_649], %swap3A_652 {strides = array<i32>} : memref<64xi32, #tpu.memory_space<vmem>>, vector<16xi32>,
        %get3A_653 = arith.constant 16 : index
        %get3A_654 = tpu.vector_load %arg15[%get3A_653] {strides = array<i32>} : memref<384xi32, #tpu.memory_space<vmem>>, vector<16xi32>,
        %get3A_655 = vector.shape_cast %get3A_654 : vector<16xi32> to vector<16xi32>
        %swap3A_656 = arith.constant 16 : index
        %swap3A_657 = tpu.vector_load %arg22[%swap3A_656] {strides = array<i32>} : memref<64xi32, #tpu.memory_space<vmem>>, vector<16xi32>,
        %swap3A_658 = vector.shape_cast %swap3A_657 : vector<16xi32> to vector<16xi32>
        %swap3A_659 = vector.shape_cast %get3A_655 : vector<16xi32> to vector<16xi32>
        tpu.vector_store %arg22[%swap3A_656], %swap3A_659 {strides = array<i32>} : memref<64xi32, #tpu.memory_space<vmem>>, vector<16xi32>,
        %get3A_660 = arith.constant 32 : index
        %get3A_661 = tpu.vector_load %arg15[%get3A_660] {strides = array<i32>} : memref<384xi32, #tpu.memory_space<vmem>>, vector<16xi32>,
        %get3A_662 = vector.shape_cast %get3A_661 : vector<16xi32> to vector<16xi32>
        %swap3A_663 = arith.constant 32 : index
        %swap3A_664 = tpu.vector_load %arg22[%swap3A_663] {strides = array<i32>} : memref<64xi32, #tpu.memory_space<vmem>>, vector<16xi32>,
        %swap3A_665 = vector.shape_cast %swap3A_664 : vector<16xi32> to vector<16xi32>
        %swap3A_666 = vector.shape_cast %get3A_662 : vector<16xi32> to vector<16xi32>
        tpu.vector_store %arg22[%swap3A_663], %swap3A_666 {strides = array<i32>} : memref<64xi32, #tpu.memory_space<vmem>>, vector<16xi32>,
        %get3A_667 = arith.constant 48 : index
        %get3A_668 = tpu.vector_load %arg15[%get3A_667] {strides = array<i32>} : memref<384xi32, #tpu.memory_space<vmem>>, vector<16xi32>,
        %get3A_669 = vector.shape_cast %get3A_668 : vector<16xi32> to vector<16xi32>
        %swap3A_670 = arith.constant 48 : index
        %swap3A_671 = tpu.vector_load %arg22[%swap3A_670] {strides = array<i32>} : memref<64xi32, #tpu.memory_space<vmem>>, vector<16xi32>,
        %swap3A_672 = vector.shape_cast %swap3A_671 : vector<16xi32> to vector<16xi32>
        %swap3A_673 = vector.shape_cast %get3A_669 : vector<16xi32> to vector<16xi32>
        tpu.vector_store %arg22[%swap3A_670], %swap3A_673 {strides = array<i32>} : memref<64xi32, #tpu.memory_space<vmem>>, vector<16xi32>,
        %dma_start3A_674 = arith.constant 0 : i32
        %dma_start3A_675 = arith.constant 0 : i32
        %dma_start3A_676 = tpu.memref_slice %arg2[%dma_start3A_674, %dma_start3A_675] : memref<40000x128xf32, #tpu.memory_space<hbm>> -> memref<40000x128xf32, #tpu.memory_space<hbm>>
        tpu.enqueue_indirect_dma source(%dma_start3A_676 : memref<40000x128xf32, #tpu.memory_space<hbm>>) target(%arg26 : memref<64x128xf32, #tpu.memory_space<vmem>>) offsets(%arg18 : memref<64xi32, #tpu.memory_space<vmem>>) semaphore(%arg35 : memref<!tpu.dma_semaphore, #tpu.memory_space<semaphore_mem>>)
      } else {
      }
      %mul3A_392 = arith.constant 6 : i32
      %mul3A_393 = arith.muli %add3A_275, %mul3A_392 : i32
      %add3A_394 = arith.constant 5 : i32
      %add3A_395 = arith.addi %mul3A_393, %add3A_394 : i32
      %dma_wait3A_396 = arith.constant 0 : i32
      %dma_wait3A_397 = arith.constant 0 : i32
      %dma_wait3A_398 = tpu.memref_slice %arg2[%dma_wait3A_396, %dma_wait3A_397] : memref<40000x128xf32, #tpu.memory_space<hbm>> -> memref<40000x128xf32, #tpu.memory_space<hbm>>
      tpu.wait_indirect_dma semaphore(%arg34 : memref<!tpu.dma_semaphore, #tpu.memory_space<semaphore_mem>>) src(%dma_wait3A_398 : memref<40000x128xf32, #tpu.memory_space<hbm>>) dst(%arg25 : memref<64x128xf32, #tpu.memory_space<vmem>>)
      %dma_start3A_399 = arith.constant 0 : i32
      %dma_start3A_400 = arith.constant 0 : i32
      %dma_start3A_401 = tpu.memref_slice %arg29[%dma_start3A_399, %dma_start3A_400] : memref<10240x128xf32, #tpu.memory_space<vmem_shared>> -> memref<10240x128xf32, #tpu.memory_space<vmem_shared>>
      tpu.enqueue_indirect_dma source(%arg25 : memref<64x128xf32, #tpu.memory_space<vmem>>) target(%dma_start3A_401 : memref<10240x128xf32, #tpu.memory_space<vmem_shared>>) offsets(%arg21 : memref<64xi32, #tpu.memory_space<vmem>>) semaphore(%arg38 : memref<!tpu.dma_semaphore, #tpu.memory_space<semaphore_mem>>) {add = true}
      %dma_start3A_402 = arith.constant 0 : i32
      %dma_start3A_403 = tpu.memref_slice %arg30[%dma_start3A_402] : memref<10240xf32, #tpu.memory_space<vmem_shared>> -> memref<10240xf32, #tpu.memory_space<vmem_shared>>
      tpu.enqueue_indirect_dma source(%arg28 : memref<64xf32, #tpu.memory_space<vmem>>) target(%dma_start3A_403 : memref<10240xf32, #tpu.memory_space<vmem_shared>>) offsets(%arg21 : memref<64xi32, #tpu.memory_space<vmem>>) semaphore(%arg38 : memref<!tpu.dma_semaphore, #tpu.memory_space<semaphore_mem>>) {add = true}
      %ge3A_404 = arith.constant 2 : i32
      %ge3A_405 = arith.cmpi sge, %add3A_395, %ge3A_404 : i32
      %convert_element_type3A_406 = arith.extui %ge3A_405 : i1 to i32
      %cond3A_407 = arith.constant 0 : i32
      %cond3A_408 = arith.cmpi ne, %convert_element_type3A_406, %cond3A_407 : i32
      scf.if %cond3A_408 {
        %dma_wait3A_579 = arith.constant 0 : i32
        %dma_wait3A_580 = arith.constant 0 : i32
        %dma_wait3A_581 = tpu.memref_slice %arg29[%dma_wait3A_579, %dma_wait3A_580] : memref<10240x128xf32, #tpu.memory_space<vmem_shared>> -> memref<10240x128xf32, #tpu.memory_space<vmem_shared>>
        tpu.wait_indirect_dma semaphore(%arg40 : memref<!tpu.dma_semaphore, #tpu.memory_space<semaphore_mem>>) src(%arg27 : memref<64x128xf32, #tpu.memory_space<vmem>>) dst(%dma_wait3A_581 : memref<10240x128xf32, #tpu.memory_space<vmem_shared>>)
        %dma_wait3A_582 = arith.constant 0 : i32
        %dma_wait3A_583 = tpu.memref_slice %arg30[%dma_wait3A_582] : memref<10240xf32, #tpu.memory_space<vmem_shared>> -> memref<10240xf32, #tpu.memory_space<vmem_shared>>
        tpu.wait_indirect_dma semaphore(%arg40 : memref<!tpu.dma_semaphore, #tpu.memory_space<semaphore_mem>>) src(%arg28 : memref<64xf32, #tpu.memory_space<vmem>>) dst(%dma_wait3A_583 : memref<10240xf32, #tpu.memory_space<vmem_shared>>)
      } else {
      }
      %add3A_409 = arith.constant 2 : i32
      %add3A_410 = arith.addi %add3A_395, %add3A_409 : i32
      %lt3A_411 = arith.constant 156 : i32
      %lt3A_412 = arith.cmpi slt, %add3A_410, %lt3A_411 : i32
      %convert_element_type3A_413 = arith.extui %lt3A_412 : i1 to i32
      %cond3A_414 = arith.constant 0 : i32
      %cond3A_415 = arith.cmpi ne, %convert_element_type3A_413, %cond3A_414 : i32
      scf.if %cond3A_415 {
        %get3A_579 = arith.constant 64 : index
        %get3A_580 = tpu.vector_load %arg13[%get3A_579] {strides = array<i32>} : memref<384xi32, #tpu.memory_space<vmem>>, vector<16xi32>,
        %get3A_581 = vector.shape_cast %get3A_580 : vector<16xi32> to vector<16xi32>
        %mul3A_582 = arith.constant 10000 : i32
        %mul3A_583 = vector.broadcast %mul3A_582 : i32 to vector<16xi32>
        %mul3A_584 = arith.muli %get3A_581, %mul3A_583 : vector<16xi32>
        %get3A_585 = arith.constant 64 : index
        %get3A_586 = tpu.vector_load %arg11[%get3A_585] {strides = array<i32>} : memref<384xi32, #tpu.memory_space<vmem>>, vector<16xi32>,
        %get3A_587 = vector.shape_cast %get3A_586 : vector<16xi32> to vector<16xi32>
        %add3A_588 = arith.addi %mul3A_584, %get3A_587 : vector<16xi32>
        %swap3A_589 = arith.constant 0 : index
        %swap3A_590 = tpu.vector_load %arg19[%swap3A_589] {strides = array<i32>} : memref<64xi32, #tpu.memory_space<vmem>>, vector<16xi32>,
        %swap3A_591 = vector.shape_cast %swap3A_590 : vector<16xi32> to vector<16xi32>
        %swap3A_592 = vector.shape_cast %add3A_588 : vector<16xi32> to vector<16xi32>
        tpu.vector_store %arg19[%swap3A_589], %swap3A_592 {strides = array<i32>} : memref<64xi32, #tpu.memory_space<vmem>>, vector<16xi32>,
        %get3A_593 = arith.constant 80 : index
        %get3A_594 = tpu.vector_load %arg13[%get3A_593] {strides = array<i32>} : memref<384xi32, #tpu.memory_space<vmem>>, vector<16xi32>,
        %get3A_595 = vector.shape_cast %get3A_594 : vector<16xi32> to vector<16xi32>
        %mul3A_596 = arith.constant 10000 : i32
        %mul3A_597 = vector.broadcast %mul3A_596 : i32 to vector<16xi32>
        %mul3A_598 = arith.muli %get3A_595, %mul3A_597 : vector<16xi32>
        %get3A_599 = arith.constant 80 : index
        %get3A_600 = tpu.vector_load %arg11[%get3A_599] {strides = array<i32>} : memref<384xi32, #tpu.memory_space<vmem>>, vector<16xi32>,
        %get3A_601 = vector.shape_cast %get3A_600 : vector<16xi32> to vector<16xi32>
        %add3A_602 = arith.addi %mul3A_598, %get3A_601 : vector<16xi32>
        %swap3A_603 = arith.constant 16 : index
        %swap3A_604 = tpu.vector_load %arg19[%swap3A_603] {strides = array<i32>} : memref<64xi32, #tpu.memory_space<vmem>>, vector<16xi32>,
        %swap3A_605 = vector.shape_cast %swap3A_604 : vector<16xi32> to vector<16xi32>
        %swap3A_606 = vector.shape_cast %add3A_602 : vector<16xi32> to vector<16xi32>
        tpu.vector_store %arg19[%swap3A_603], %swap3A_606 {strides = array<i32>} : memref<64xi32, #tpu.memory_space<vmem>>, vector<16xi32>,
        %get3A_607 = arith.constant 96 : index
        %get3A_608 = tpu.vector_load %arg13[%get3A_607] {strides = array<i32>} : memref<384xi32, #tpu.memory_space<vmem>>, vector<16xi32>,
        %get3A_609 = vector.shape_cast %get3A_608 : vector<16xi32> to vector<16xi32>
        %mul3A_610 = arith.constant 10000 : i32
        %mul3A_611 = vector.broadcast %mul3A_610 : i32 to vector<16xi32>
        %mul3A_612 = arith.muli %get3A_609, %mul3A_611 : vector<16xi32>
        %get3A_613 = arith.constant 96 : index
        %get3A_614 = tpu.vector_load %arg11[%get3A_613] {strides = array<i32>} : memref<384xi32, #tpu.memory_space<vmem>>, vector<16xi32>,
        %get3A_615 = vector.shape_cast %get3A_614 : vector<16xi32> to vector<16xi32>
        %add3A_616 = arith.addi %mul3A_612, %get3A_615 : vector<16xi32>
        %swap3A_617 = arith.constant 32 : index
        %swap3A_618 = tpu.vector_load %arg19[%swap3A_617] {strides = array<i32>} : memref<64xi32, #tpu.memory_space<vmem>>, vector<16xi32>,
        %swap3A_619 = vector.shape_cast %swap3A_618 : vector<16xi32> to vector<16xi32>
        %swap3A_620 = vector.shape_cast %add3A_616 : vector<16xi32> to vector<16xi32>
        tpu.vector_store %arg19[%swap3A_617], %swap3A_620 {strides = array<i32>} : memref<64xi32, #tpu.memory_space<vmem>>, vector<16xi32>,
        %get3A_621 = arith.constant 112 : index
        %get3A_622 = tpu.vector_load %arg13[%get3A_621] {strides = array<i32>} : memref<384xi32, #tpu.memory_space<vmem>>, vector<16xi32>,
        %get3A_623 = vector.shape_cast %get3A_622 : vector<16xi32> to vector<16xi32>
        %mul3A_624 = arith.constant 10000 : i32
        %mul3A_625 = vector.broadcast %mul3A_624 : i32 to vector<16xi32>
        %mul3A_626 = arith.muli %get3A_623, %mul3A_625 : vector<16xi32>
        %get3A_627 = arith.constant 112 : index
        %get3A_628 = tpu.vector_load %arg11[%get3A_627] {strides = array<i32>} : memref<384xi32, #tpu.memory_space<vmem>>, vector<16xi32>,
        %get3A_629 = vector.shape_cast %get3A_628 : vector<16xi32> to vector<16xi32>
        %add3A_630 = arith.addi %mul3A_626, %get3A_629 : vector<16xi32>
        %swap3A_631 = arith.constant 48 : index
        %swap3A_632 = tpu.vector_load %arg19[%swap3A_631] {strides = array<i32>} : memref<64xi32, #tpu.memory_space<vmem>>, vector<16xi32>,
        %swap3A_633 = vector.shape_cast %swap3A_632 : vector<16xi32> to vector<16xi32>
        %swap3A_634 = vector.shape_cast %add3A_630 : vector<16xi32> to vector<16xi32>
        tpu.vector_store %arg19[%swap3A_631], %swap3A_634 {strides = array<i32>} : memref<64xi32, #tpu.memory_space<vmem>>, vector<16xi32>,
        %get3A_635 = arith.constant 64 : index
        %get3A_636 = tpu.vector_load %arg15[%get3A_635] {strides = array<i32>} : memref<384xi32, #tpu.memory_space<vmem>>, vector<16xi32>,
        %get3A_637 = vector.shape_cast %get3A_636 : vector<16xi32> to vector<16xi32>
        %swap3A_638 = arith.constant 0 : index
        %swap3A_639 = tpu.vector_load %arg23[%swap3A_638] {strides = array<i32>} : memref<64xi32, #tpu.memory_space<vmem>>, vector<16xi32>,
        %swap3A_640 = vector.shape_cast %swap3A_639 : vector<16xi32> to vector<16xi32>
        %swap3A_641 = vector.shape_cast %get3A_637 : vector<16xi32> to vector<16xi32>
        tpu.vector_store %arg23[%swap3A_638], %swap3A_641 {strides = array<i32>} : memref<64xi32, #tpu.memory_space<vmem>>, vector<16xi32>,
        %get3A_642 = arith.constant 80 : index
        %get3A_643 = tpu.vector_load %arg15[%get3A_642] {strides = array<i32>} : memref<384xi32, #tpu.memory_space<vmem>>, vector<16xi32>,
        %get3A_644 = vector.shape_cast %get3A_643 : vector<16xi32> to vector<16xi32>
        %swap3A_645 = arith.constant 16 : index
        %swap3A_646 = tpu.vector_load %arg23[%swap3A_645] {strides = array<i32>} : memref<64xi32, #tpu.memory_space<vmem>>, vector<16xi32>,
        %swap3A_647 = vector.shape_cast %swap3A_646 : vector<16xi32> to vector<16xi32>
        %swap3A_648 = vector.shape_cast %get3A_644 : vector<16xi32> to vector<16xi32>
        tpu.vector_store %arg23[%swap3A_645], %swap3A_648 {strides = array<i32>} : memref<64xi32, #tpu.memory_space<vmem>>, vector<16xi32>,
        %get3A_649 = arith.constant 96 : index
        %get3A_650 = tpu.vector_load %arg15[%get3A_649] {strides = array<i32>} : memref<384xi32, #tpu.memory_space<vmem>>, vector<16xi32>,
        %get3A_651 = vector.shape_cast %get3A_650 : vector<16xi32> to vector<16xi32>
        %swap3A_652 = arith.constant 32 : index
        %swap3A_653 = tpu.vector_load %arg23[%swap3A_652] {strides = array<i32>} : memref<64xi32, #tpu.memory_space<vmem>>, vector<16xi32>,
        %swap3A_654 = vector.shape_cast %swap3A_653 : vector<16xi32> to vector<16xi32>
        %swap3A_655 = vector.shape_cast %get3A_651 : vector<16xi32> to vector<16xi32>
        tpu.vector_store %arg23[%swap3A_652], %swap3A_655 {strides = array<i32>} : memref<64xi32, #tpu.memory_space<vmem>>, vector<16xi32>,
        %get3A_656 = arith.constant 112 : index
        %get3A_657 = tpu.vector_load %arg15[%get3A_656] {strides = array<i32>} : memref<384xi32, #tpu.memory_space<vmem>>, vector<16xi32>,
        %get3A_658 = vector.shape_cast %get3A_657 : vector<16xi32> to vector<16xi32>
        %swap3A_659 = arith.constant 48 : index
        %swap3A_660 = tpu.vector_load %arg23[%swap3A_659] {strides = array<i32>} : memref<64xi32, #tpu.memory_space<vmem>>, vector<16xi32>,
        %swap3A_661 = vector.shape_cast %swap3A_660 : vector<16xi32> to vector<16xi32>
        %swap3A_662 = vector.shape_cast %get3A_658 : vector<16xi32> to vector<16xi32>
        tpu.vector_store %arg23[%swap3A_659], %swap3A_662 {strides = array<i32>} : memref<64xi32, #tpu.memory_space<vmem>>, vector<16xi32>,
        %dma_start3A_663 = arith.constant 0 : i32
        %dma_start3A_664 = arith.constant 0 : i32
        %dma_start3A_665 = tpu.memref_slice %arg2[%dma_start3A_663, %dma_start3A_664] : memref<40000x128xf32, #tpu.memory_space<hbm>> -> memref<40000x128xf32, #tpu.memory_space<hbm>>
        tpu.enqueue_indirect_dma source(%dma_start3A_665 : memref<40000x128xf32, #tpu.memory_space<hbm>>) target(%arg27 : memref<64x128xf32, #tpu.memory_space<vmem>>) offsets(%arg19 : memref<64xi32, #tpu.memory_space<vmem>>) semaphore(%arg36 : memref<!tpu.dma_semaphore, #tpu.memory_space<semaphore_mem>>)
      } else {
      }
      %add3A_416 = arith.constant 2 : i32
      %add3A_417 = arith.addi %add3A_275, %add3A_416 : i32
      %lt3A_418 = arith.constant 26 : i32
      %lt3A_419 = arith.cmpi slt, %add3A_417, %lt3A_418 : i32
      %convert_element_type3A_420 = arith.extui %lt3A_419 : i1 to i32
      %cond3A_421 = arith.constant 0 : i32
      %cond3A_422 = arith.cmpi ne, %convert_element_type3A_420, %cond3A_421 : i32
      scf.if %cond3A_422 {
        %add3A_579 = arith.constant 2 : i32
        %add3A_580 = arith.addi %add3A_275, %add3A_579 : i32
        %mul3A_581 = arith.constant 384 : i32
        %mul3A_582 = arith.muli %add3A_580, %mul3A_581 : i32
        %add3A_583 = arith.addi %mul3A_2, %mul3A_582 : i32
        %dma_start3A_584 = tpu.memref_slice %arg3[%add3A_583] : memref<320000xi32, #tpu.memory_space<hbm>> -> memref<384xi32, #tpu.memory_space<hbm>>
        %dma_start3A_585 = tpu.memref_slice %arg3[%add3A_583] : memref<320000xi32, #tpu.memory_space<hbm>> -> memref<384xi32, #tpu.memory_space<hbm>>
        tpu.enqueue_dma source(%dma_start3A_585 : memref<384xi32, #tpu.memory_space<hbm>>) target(%arg10 : memref<384xi32, #tpu.memory_space<vmem>>) target_semaphore(%arg31 : memref<!tpu.dma_semaphore, #tpu.memory_space<semaphore_mem>>)
        %dma_start3A_586 = tpu.memref_slice %arg4[%add3A_583] : memref<320000xi32, #tpu.memory_space<hbm>> -> memref<384xi32, #tpu.memory_space<hbm>>
        %dma_start3A_587 = tpu.memref_slice %arg4[%add3A_583] : memref<320000xi32, #tpu.memory_space<hbm>> -> memref<384xi32, #tpu.memory_space<hbm>>
        tpu.enqueue_dma source(%dma_start3A_587 : memref<384xi32, #tpu.memory_space<hbm>>) target(%arg12 : memref<384xi32, #tpu.memory_space<vmem>>) target_semaphore(%arg31 : memref<!tpu.dma_semaphore, #tpu.memory_space<semaphore_mem>>)
        %dma_start3A_588 = tpu.memref_slice %arg5[%add3A_583] : memref<320000xi32, #tpu.memory_space<hbm>> -> memref<384xi32, #tpu.memory_space<hbm>>
        %dma_start3A_589 = tpu.memref_slice %arg5[%add3A_583] : memref<320000xi32, #tpu.memory_space<hbm>> -> memref<384xi32, #tpu.memory_space<hbm>>
        tpu.enqueue_dma source(%dma_start3A_589 : memref<384xi32, #tpu.memory_space<hbm>>) target(%arg14 : memref<384xi32, #tpu.memory_space<vmem>>) target_semaphore(%arg31 : memref<!tpu.dma_semaphore, #tpu.memory_space<semaphore_mem>>)
      } else {
      }
      %mul3A_423 = arith.constant 2 : i32
      %mul3A_424 = arith.muli %mul3A_423, %scan3A_270 : i32
      %add3A_425 = arith.constant 1 : i32
      %add3A_426 = arith.addi %mul3A_424, %add3A_425 : i32
      %mul3A_427 = arith.constant 6 : i32
      %mul3A_428 = arith.muli %add3A_426, %mul3A_427 : i32
      %add3A_429 = arith.constant 0 : i32
      %add3A_430 = arith.addi %mul3A_428, %add3A_429 : i32
      %dma_wait3A_431 = arith.constant 0 : i32
      %dma_wait3A_432 = arith.constant 0 : i32
      %dma_wait3A_433 = tpu.memref_slice %arg2[%dma_wait3A_431, %dma_wait3A_432] : memref<40000x128xf32, #tpu.memory_space<hbm>> -> memref<40000x128xf32, #tpu.memory_space<hbm>>
      tpu.wait_indirect_dma semaphore(%arg35 : memref<!tpu.dma_semaphore, #tpu.memory_space<semaphore_mem>>) src(%dma_wait3A_433 : memref<40000x128xf32, #tpu.memory_space<hbm>>) dst(%arg26 : memref<64x128xf32, #tpu.memory_space<vmem>>)
      %dma_start3A_434 = arith.constant 0 : i32
      %dma_start3A_435 = arith.constant 0 : i32
      %dma_start3A_436 = tpu.memref_slice %arg29[%dma_start3A_434, %dma_start3A_435] : memref<10240x128xf32, #tpu.memory_space<vmem_shared>> -> memref<10240x128xf32, #tpu.memory_space<vmem_shared>>
      tpu.enqueue_indirect_dma source(%arg26 : memref<64x128xf32, #tpu.memory_space<vmem>>) target(%dma_start3A_436 : memref<10240x128xf32, #tpu.memory_space<vmem_shared>>) offsets(%arg22 : memref<64xi32, #tpu.memory_space<vmem>>) semaphore(%arg39 : memref<!tpu.dma_semaphore, #tpu.memory_space<semaphore_mem>>) {add = true}
      %dma_start3A_437 = arith.constant 0 : i32
      %dma_start3A_438 = tpu.memref_slice %arg30[%dma_start3A_437] : memref<10240xf32, #tpu.memory_space<vmem_shared>> -> memref<10240xf32, #tpu.memory_space<vmem_shared>>
      tpu.enqueue_indirect_dma source(%arg28 : memref<64xf32, #tpu.memory_space<vmem>>) target(%dma_start3A_438 : memref<10240xf32, #tpu.memory_space<vmem_shared>>) offsets(%arg22 : memref<64xi32, #tpu.memory_space<vmem>>) semaphore(%arg39 : memref<!tpu.dma_semaphore, #tpu.memory_space<semaphore_mem>>) {add = true}
      %ge3A_439 = arith.constant 2 : i32
      %ge3A_440 = arith.cmpi sge, %add3A_430, %ge3A_439 : i32
      %convert_element_type3A_441 = arith.extui %ge3A_440 : i1 to i32
      %cond3A_442 = arith.constant 0 : i32
      %cond3A_443 = arith.cmpi ne, %convert_element_type3A_441, %cond3A_442 : i32
      scf.if %cond3A_443 {
        %dma_wait3A_579 = arith.constant 0 : i32
        %dma_wait3A_580 = arith.constant 0 : i32
        %dma_wait3A_581 = tpu.memref_slice %arg29[%dma_wait3A_579, %dma_wait3A_580] : memref<10240x128xf32, #tpu.memory_space<vmem_shared>> -> memref<10240x128xf32, #tpu.memory_space<vmem_shared>>
        tpu.wait_indirect_dma semaphore(%arg37 : memref<!tpu.dma_semaphore, #tpu.memory_space<semaphore_mem>>) src(%arg24 : memref<64x128xf32, #tpu.memory_space<vmem>>) dst(%dma_wait3A_581 : memref<10240x128xf32, #tpu.memory_space<vmem_shared>>)
        %dma_wait3A_582 = arith.constant 0 : i32
        %dma_wait3A_583 = tpu.memref_slice %arg30[%dma_wait3A_582] : memref<10240xf32, #tpu.memory_space<vmem_shared>> -> memref<10240xf32, #tpu.memory_space<vmem_shared>>
        tpu.wait_indirect_dma semaphore(%arg37 : memref<!tpu.dma_semaphore, #tpu.memory_space<semaphore_mem>>) src(%arg28 : memref<64xf32, #tpu.memory_space<vmem>>) dst(%dma_wait3A_583 : memref<10240xf32, #tpu.memory_space<vmem_shared>>)
      } else {
      }
      %add3A_444 = arith.constant 2 : i32
      %add3A_445 = arith.addi %add3A_430, %add3A_444 : i32
      %lt3A_446 = arith.constant 156 : i32
      %lt3A_447 = arith.cmpi slt, %add3A_445, %lt3A_446 : i32
      %convert_element_type3A_448 = arith.extui %lt3A_447 : i1 to i32
      %cond3A_449 = arith.constant 0 : i32
      %cond3A_450 = arith.cmpi ne, %convert_element_type3A_448, %cond3A_449 : i32
      scf.if %cond3A_450 {
        %get3A_579 = arith.constant 128 : index
        %get3A_580 = tpu.vector_load %arg13[%get3A_579] {strides = array<i32>} : memref<384xi32, #tpu.memory_space<vmem>>, vector<16xi32>,
        %get3A_581 = vector.shape_cast %get3A_580 : vector<16xi32> to vector<16xi32>
        %mul3A_582 = arith.constant 10000 : i32
        %mul3A_583 = vector.broadcast %mul3A_582 : i32 to vector<16xi32>
        %mul3A_584 = arith.muli %get3A_581, %mul3A_583 : vector<16xi32>
        %get3A_585 = arith.constant 128 : index
        %get3A_586 = tpu.vector_load %arg11[%get3A_585] {strides = array<i32>} : memref<384xi32, #tpu.memory_space<vmem>>, vector<16xi32>,
        %get3A_587 = vector.shape_cast %get3A_586 : vector<16xi32> to vector<16xi32>
        %add3A_588 = arith.addi %mul3A_584, %get3A_587 : vector<16xi32>
        %swap3A_589 = arith.constant 0 : index
        %swap3A_590 = tpu.vector_load %arg16[%swap3A_589] {strides = array<i32>} : memref<64xi32, #tpu.memory_space<vmem>>, vector<16xi32>,
        %swap3A_591 = vector.shape_cast %swap3A_590 : vector<16xi32> to vector<16xi32>
        %swap3A_592 = vector.shape_cast %add3A_588 : vector<16xi32> to vector<16xi32>
        tpu.vector_store %arg16[%swap3A_589], %swap3A_592 {strides = array<i32>} : memref<64xi32, #tpu.memory_space<vmem>>, vector<16xi32>,
        %get3A_593 = arith.constant 144 : index
        %get3A_594 = tpu.vector_load %arg13[%get3A_593] {strides = array<i32>} : memref<384xi32, #tpu.memory_space<vmem>>, vector<16xi32>,
        %get3A_595 = vector.shape_cast %get3A_594 : vector<16xi32> to vector<16xi32>
        %mul3A_596 = arith.constant 10000 : i32
        %mul3A_597 = vector.broadcast %mul3A_596 : i32 to vector<16xi32>
        %mul3A_598 = arith.muli %get3A_595, %mul3A_597 : vector<16xi32>
        %get3A_599 = arith.constant 144 : index
        %get3A_600 = tpu.vector_load %arg11[%get3A_599] {strides = array<i32>} : memref<384xi32, #tpu.memory_space<vmem>>, vector<16xi32>,
        %get3A_601 = vector.shape_cast %get3A_600 : vector<16xi32> to vector<16xi32>
        %add3A_602 = arith.addi %mul3A_598, %get3A_601 : vector<16xi32>
        %swap3A_603 = arith.constant 16 : index
        %swap3A_604 = tpu.vector_load %arg16[%swap3A_603] {strides = array<i32>} : memref<64xi32, #tpu.memory_space<vmem>>, vector<16xi32>,
        %swap3A_605 = vector.shape_cast %swap3A_604 : vector<16xi32> to vector<16xi32>
        %swap3A_606 = vector.shape_cast %add3A_602 : vector<16xi32> to vector<16xi32>
        tpu.vector_store %arg16[%swap3A_603], %swap3A_606 {strides = array<i32>} : memref<64xi32, #tpu.memory_space<vmem>>, vector<16xi32>,
        %get3A_607 = arith.constant 160 : index
        %get3A_608 = tpu.vector_load %arg13[%get3A_607] {strides = array<i32>} : memref<384xi32, #tpu.memory_space<vmem>>, vector<16xi32>,
        %get3A_609 = vector.shape_cast %get3A_608 : vector<16xi32> to vector<16xi32>
        %mul3A_610 = arith.constant 10000 : i32
        %mul3A_611 = vector.broadcast %mul3A_610 : i32 to vector<16xi32>
        %mul3A_612 = arith.muli %get3A_609, %mul3A_611 : vector<16xi32>
        %get3A_613 = arith.constant 160 : index
        %get3A_614 = tpu.vector_load %arg11[%get3A_613] {strides = array<i32>} : memref<384xi32, #tpu.memory_space<vmem>>, vector<16xi32>,
        %get3A_615 = vector.shape_cast %get3A_614 : vector<16xi32> to vector<16xi32>
        %add3A_616 = arith.addi %mul3A_612, %get3A_615 : vector<16xi32>
        %swap3A_617 = arith.constant 32 : index
        %swap3A_618 = tpu.vector_load %arg16[%swap3A_617] {strides = array<i32>} : memref<64xi32, #tpu.memory_space<vmem>>, vector<16xi32>,
        %swap3A_619 = vector.shape_cast %swap3A_618 : vector<16xi32> to vector<16xi32>
        %swap3A_620 = vector.shape_cast %add3A_616 : vector<16xi32> to vector<16xi32>
        tpu.vector_store %arg16[%swap3A_617], %swap3A_620 {strides = array<i32>} : memref<64xi32, #tpu.memory_space<vmem>>, vector<16xi32>,
        %get3A_621 = arith.constant 176 : index
        %get3A_622 = tpu.vector_load %arg13[%get3A_621] {strides = array<i32>} : memref<384xi32, #tpu.memory_space<vmem>>, vector<16xi32>,
        %get3A_623 = vector.shape_cast %get3A_622 : vector<16xi32> to vector<16xi32>
        %mul3A_624 = arith.constant 10000 : i32
        %mul3A_625 = vector.broadcast %mul3A_624 : i32 to vector<16xi32>
        %mul3A_626 = arith.muli %get3A_623, %mul3A_625 : vector<16xi32>
        %get3A_627 = arith.constant 176 : index
        %get3A_628 = tpu.vector_load %arg11[%get3A_627] {strides = array<i32>} : memref<384xi32, #tpu.memory_space<vmem>>, vector<16xi32>,
        %get3A_629 = vector.shape_cast %get3A_628 : vector<16xi32> to vector<16xi32>
        %add3A_630 = arith.addi %mul3A_626, %get3A_629 : vector<16xi32>
        %swap3A_631 = arith.constant 48 : index
        %swap3A_632 = tpu.vector_load %arg16[%swap3A_631] {strides = array<i32>} : memref<64xi32, #tpu.memory_space<vmem>>, vector<16xi32>,
        %swap3A_633 = vector.shape_cast %swap3A_632 : vector<16xi32> to vector<16xi32>
        %swap3A_634 = vector.shape_cast %add3A_630 : vector<16xi32> to vector<16xi32>
        tpu.vector_store %arg16[%swap3A_631], %swap3A_634 {strides = array<i32>} : memref<64xi32, #tpu.memory_space<vmem>>, vector<16xi32>,
        %get3A_635 = arith.constant 128 : index
        %get3A_636 = tpu.vector_load %arg15[%get3A_635] {strides = array<i32>} : memref<384xi32, #tpu.memory_space<vmem>>, vector<16xi32>,
        %get3A_637 = vector.shape_cast %get3A_636 : vector<16xi32> to vector<16xi32>
        %swap3A_638 = arith.constant 0 : index
        %swap3A_639 = tpu.vector_load %arg20[%swap3A_638] {strides = array<i32>} : memref<64xi32, #tpu.memory_space<vmem>>, vector<16xi32>,
        %swap3A_640 = vector.shape_cast %swap3A_639 : vector<16xi32> to vector<16xi32>
        %swap3A_641 = vector.shape_cast %get3A_637 : vector<16xi32> to vector<16xi32>
        tpu.vector_store %arg20[%swap3A_638], %swap3A_641 {strides = array<i32>} : memref<64xi32, #tpu.memory_space<vmem>>, vector<16xi32>,
        %get3A_642 = arith.constant 144 : index
        %get3A_643 = tpu.vector_load %arg15[%get3A_642] {strides = array<i32>} : memref<384xi32, #tpu.memory_space<vmem>>, vector<16xi32>,
        %get3A_644 = vector.shape_cast %get3A_643 : vector<16xi32> to vector<16xi32>
        %swap3A_645 = arith.constant 16 : index
        %swap3A_646 = tpu.vector_load %arg20[%swap3A_645] {strides = array<i32>} : memref<64xi32, #tpu.memory_space<vmem>>, vector<16xi32>,
        %swap3A_647 = vector.shape_cast %swap3A_646 : vector<16xi32> to vector<16xi32>
        %swap3A_648 = vector.shape_cast %get3A_644 : vector<16xi32> to vector<16xi32>
        tpu.vector_store %arg20[%swap3A_645], %swap3A_648 {strides = array<i32>} : memref<64xi32, #tpu.memory_space<vmem>>, vector<16xi32>,
        %get3A_649 = arith.constant 160 : index
        %get3A_650 = tpu.vector_load %arg15[%get3A_649] {strides = array<i32>} : memref<384xi32, #tpu.memory_space<vmem>>, vector<16xi32>,
        %get3A_651 = vector.shape_cast %get3A_650 : vector<16xi32> to vector<16xi32>
        %swap3A_652 = arith.constant 32 : index
        %swap3A_653 = tpu.vector_load %arg20[%swap3A_652] {strides = array<i32>} : memref<64xi32, #tpu.memory_space<vmem>>, vector<16xi32>,
        %swap3A_654 = vector.shape_cast %swap3A_653 : vector<16xi32> to vector<16xi32>
        %swap3A_655 = vector.shape_cast %get3A_651 : vector<16xi32> to vector<16xi32>
        tpu.vector_store %arg20[%swap3A_652], %swap3A_655 {strides = array<i32>} : memref<64xi32, #tpu.memory_space<vmem>>, vector<16xi32>,
        %get3A_656 = arith.constant 176 : index
        %get3A_657 = tpu.vector_load %arg15[%get3A_656] {strides = array<i32>} : memref<384xi32, #tpu.memory_space<vmem>>, vector<16xi32>,
        %get3A_658 = vector.shape_cast %get3A_657 : vector<16xi32> to vector<16xi32>
        %swap3A_659 = arith.constant 48 : index
        %swap3A_660 = tpu.vector_load %arg20[%swap3A_659] {strides = array<i32>} : memref<64xi32, #tpu.memory_space<vmem>>, vector<16xi32>,
        %swap3A_661 = vector.shape_cast %swap3A_660 : vector<16xi32> to vector<16xi32>
        %swap3A_662 = vector.shape_cast %get3A_658 : vector<16xi32> to vector<16xi32>
        tpu.vector_store %arg20[%swap3A_659], %swap3A_662 {strides = array<i32>} : memref<64xi32, #tpu.memory_space<vmem>>, vector<16xi32>,
        %dma_start3A_663 = arith.constant 0 : i32
        %dma_start3A_664 = arith.constant 0 : i32
        %dma_start3A_665 = tpu.memref_slice %arg2[%dma_start3A_663, %dma_start3A_664] : memref<40000x128xf32, #tpu.memory_space<hbm>> -> memref<40000x128xf32, #tpu.memory_space<hbm>>
        tpu.enqueue_indirect_dma source(%dma_start3A_665 : memref<40000x128xf32, #tpu.memory_space<hbm>>) target(%arg24 : memref<64x128xf32, #tpu.memory_space<vmem>>) offsets(%arg16 : memref<64xi32, #tpu.memory_space<vmem>>) semaphore(%arg33 : memref<!tpu.dma_semaphore, #tpu.memory_space<semaphore_mem>>)
      } else {
      }
      %mul3A_451 = arith.constant 6 : i32
      %mul3A_452 = arith.muli %add3A_426, %mul3A_451 : i32
      %add3A_453 = arith.constant 1 : i32
      %add3A_454 = arith.addi %mul3A_452, %add3A_453 : i32
      %dma_wait3A_455 = arith.constant 0 : i32
      %dma_wait3A_456 = arith.constant 0 : i32
      %dma_wait3A_457 = tpu.memref_slice %arg2[%dma_wait3A_455, %dma_wait3A_456] : memref<40000x128xf32, #tpu.memory_space<hbm>> -> memref<40000x128xf32, #tpu.memory_space<hbm>>
      tpu.wait_indirect_dma semaphore(%arg36 : memref<!tpu.dma_semaphore, #tpu.memory_space<semaphore_mem>>) src(%dma_wait3A_457 : memref<40000x128xf32, #tpu.memory_space<hbm>>) dst(%arg27 : memref<64x128xf32, #tpu.memory_space<vmem>>)
      %dma_start3A_458 = arith.constant 0 : i32
      %dma_start3A_459 = arith.constant 0 : i32
      %dma_start3A_460 = tpu.memref_slice %arg29[%dma_start3A_458, %dma_start3A_459] : memref<10240x128xf32, #tpu.memory_space<vmem_shared>> -> memref<10240x128xf32, #tpu.memory_space<vmem_shared>>
      tpu.enqueue_indirect_dma source(%arg27 : memref<64x128xf32, #tpu.memory_space<vmem>>) target(%dma_start3A_460 : memref<10240x128xf32, #tpu.memory_space<vmem_shared>>) offsets(%arg23 : memref<64xi32, #tpu.memory_space<vmem>>) semaphore(%arg40 : memref<!tpu.dma_semaphore, #tpu.memory_space<semaphore_mem>>) {add = true}
      %dma_start3A_461 = arith.constant 0 : i32
      %dma_start3A_462 = tpu.memref_slice %arg30[%dma_start3A_461] : memref<10240xf32, #tpu.memory_space<vmem_shared>> -> memref<10240xf32, #tpu.memory_space<vmem_shared>>
      tpu.enqueue_indirect_dma source(%arg28 : memref<64xf32, #tpu.memory_space<vmem>>) target(%dma_start3A_462 : memref<10240xf32, #tpu.memory_space<vmem_shared>>) offsets(%arg23 : memref<64xi32, #tpu.memory_space<vmem>>) semaphore(%arg40 : memref<!tpu.dma_semaphore, #tpu.memory_space<semaphore_mem>>) {add = true}
      %ge3A_463 = arith.constant 2 : i32
      %ge3A_464 = arith.cmpi sge, %add3A_454, %ge3A_463 : i32
      %convert_element_type3A_465 = arith.extui %ge3A_464 : i1 to i32
      %cond3A_466 = arith.constant 0 : i32
      %cond3A_467 = arith.cmpi ne, %convert_element_type3A_465, %cond3A_466 : i32
      scf.if %cond3A_467 {
        %dma_wait3A_579 = arith.constant 0 : i32
        %dma_wait3A_580 = arith.constant 0 : i32
        %dma_wait3A_581 = tpu.memref_slice %arg29[%dma_wait3A_579, %dma_wait3A_580] : memref<10240x128xf32, #tpu.memory_space<vmem_shared>> -> memref<10240x128xf32, #tpu.memory_space<vmem_shared>>
        tpu.wait_indirect_dma semaphore(%arg38 : memref<!tpu.dma_semaphore, #tpu.memory_space<semaphore_mem>>) src(%arg25 : memref<64x128xf32, #tpu.memory_space<vmem>>) dst(%dma_wait3A_581 : memref<10240x128xf32, #tpu.memory_space<vmem_shared>>)
        %dma_wait3A_582 = arith.constant 0 : i32
        %dma_wait3A_583 = tpu.memref_slice %arg30[%dma_wait3A_582] : memref<10240xf32, #tpu.memory_space<vmem_shared>> -> memref<10240xf32, #tpu.memory_space<vmem_shared>>
        tpu.wait_indirect_dma semaphore(%arg38 : memref<!tpu.dma_semaphore, #tpu.memory_space<semaphore_mem>>) src(%arg28 : memref<64xf32, #tpu.memory_space<vmem>>) dst(%dma_wait3A_583 : memref<10240xf32, #tpu.memory_space<vmem_shared>>)
      } else {
      }
      %add3A_468 = arith.constant 2 : i32
      %add3A_469 = arith.addi %add3A_454, %add3A_468 : i32
      %lt3A_470 = arith.constant 156 : i32
      %lt3A_471 = arith.cmpi slt, %add3A_469, %lt3A_470 : i32
      %convert_element_type3A_472 = arith.extui %lt3A_471 : i1 to i32
      %cond3A_473 = arith.constant 0 : i32
      %cond3A_474 = arith.cmpi ne, %convert_element_type3A_472, %cond3A_473 : i32
      scf.if %cond3A_474 {
        %get3A_579 = arith.constant 192 : index
        %get3A_580 = tpu.vector_load %arg13[%get3A_579] {strides = array<i32>} : memref<384xi32, #tpu.memory_space<vmem>>, vector<16xi32>,
        %get3A_581 = vector.shape_cast %get3A_580 : vector<16xi32> to vector<16xi32>
        %mul3A_582 = arith.constant 10000 : i32
        %mul3A_583 = vector.broadcast %mul3A_582 : i32 to vector<16xi32>
        %mul3A_584 = arith.muli %get3A_581, %mul3A_583 : vector<16xi32>
        %get3A_585 = arith.constant 192 : index
        %get3A_586 = tpu.vector_load %arg11[%get3A_585] {strides = array<i32>} : memref<384xi32, #tpu.memory_space<vmem>>, vector<16xi32>,
        %get3A_587 = vector.shape_cast %get3A_586 : vector<16xi32> to vector<16xi32>
        %add3A_588 = arith.addi %mul3A_584, %get3A_587 : vector<16xi32>
        %swap3A_589 = arith.constant 0 : index
        %swap3A_590 = tpu.vector_load %arg17[%swap3A_589] {strides = array<i32>} : memref<64xi32, #tpu.memory_space<vmem>>, vector<16xi32>,
        %swap3A_591 = vector.shape_cast %swap3A_590 : vector<16xi32> to vector<16xi32>
        %swap3A_592 = vector.shape_cast %add3A_588 : vector<16xi32> to vector<16xi32>
        tpu.vector_store %arg17[%swap3A_589], %swap3A_592 {strides = array<i32>} : memref<64xi32, #tpu.memory_space<vmem>>, vector<16xi32>,
        %get3A_593 = arith.constant 208 : index
        %get3A_594 = tpu.vector_load %arg13[%get3A_593] {strides = array<i32>} : memref<384xi32, #tpu.memory_space<vmem>>, vector<16xi32>,
        %get3A_595 = vector.shape_cast %get3A_594 : vector<16xi32> to vector<16xi32>
        %mul3A_596 = arith.constant 10000 : i32
        %mul3A_597 = vector.broadcast %mul3A_596 : i32 to vector<16xi32>
        %mul3A_598 = arith.muli %get3A_595, %mul3A_597 : vector<16xi32>
        %get3A_599 = arith.constant 208 : index
        %get3A_600 = tpu.vector_load %arg11[%get3A_599] {strides = array<i32>} : memref<384xi32, #tpu.memory_space<vmem>>, vector<16xi32>,
        %get3A_601 = vector.shape_cast %get3A_600 : vector<16xi32> to vector<16xi32>
        %add3A_602 = arith.addi %mul3A_598, %get3A_601 : vector<16xi32>
        %swap3A_603 = arith.constant 16 : index
        %swap3A_604 = tpu.vector_load %arg17[%swap3A_603] {strides = array<i32>} : memref<64xi32, #tpu.memory_space<vmem>>, vector<16xi32>,
        %swap3A_605 = vector.shape_cast %swap3A_604 : vector<16xi32> to vector<16xi32>
        %swap3A_606 = vector.shape_cast %add3A_602 : vector<16xi32> to vector<16xi32>
        tpu.vector_store %arg17[%swap3A_603], %swap3A_606 {strides = array<i32>} : memref<64xi32, #tpu.memory_space<vmem>>, vector<16xi32>,
        %get3A_607 = arith.constant 224 : index
        %get3A_608 = tpu.vector_load %arg13[%get3A_607] {strides = array<i32>} : memref<384xi32, #tpu.memory_space<vmem>>, vector<16xi32>,
        %get3A_609 = vector.shape_cast %get3A_608 : vector<16xi32> to vector<16xi32>
        %mul3A_610 = arith.constant 10000 : i32
        %mul3A_611 = vector.broadcast %mul3A_610 : i32 to vector<16xi32>
        %mul3A_612 = arith.muli %get3A_609, %mul3A_611 : vector<16xi32>
        %get3A_613 = arith.constant 224 : index
        %get3A_614 = tpu.vector_load %arg11[%get3A_613] {strides = array<i32>} : memref<384xi32, #tpu.memory_space<vmem>>, vector<16xi32>,
        %get3A_615 = vector.shape_cast %get3A_614 : vector<16xi32> to vector<16xi32>
        %add3A_616 = arith.addi %mul3A_612, %get3A_615 : vector<16xi32>
        %swap3A_617 = arith.constant 32 : index
        %swap3A_618 = tpu.vector_load %arg17[%swap3A_617] {strides = array<i32>} : memref<64xi32, #tpu.memory_space<vmem>>, vector<16xi32>,
        %swap3A_619 = vector.shape_cast %swap3A_618 : vector<16xi32> to vector<16xi32>
        %swap3A_620 = vector.shape_cast %add3A_616 : vector<16xi32> to vector<16xi32>
        tpu.vector_store %arg17[%swap3A_617], %swap3A_620 {strides = array<i32>} : memref<64xi32, #tpu.memory_space<vmem>>, vector<16xi32>,
        %get3A_621 = arith.constant 240 : index
        %get3A_622 = tpu.vector_load %arg13[%get3A_621] {strides = array<i32>} : memref<384xi32, #tpu.memory_space<vmem>>, vector<16xi32>,
        %get3A_623 = vector.shape_cast %get3A_622 : vector<16xi32> to vector<16xi32>
        %mul3A_624 = arith.constant 10000 : i32
        %mul3A_625 = vector.broadcast %mul3A_624 : i32 to vector<16xi32>
        %mul3A_626 = arith.muli %get3A_623, %mul3A_625 : vector<16xi32>
        %get3A_627 = arith.constant 240 : index
        %get3A_628 = tpu.vector_load %arg11[%get3A_627] {strides = array<i32>} : memref<384xi32, #tpu.memory_space<vmem>>, vector<16xi32>,
        %get3A_629 = vector.shape_cast %get3A_628 : vector<16xi32> to vector<16xi32>
        %add3A_630 = arith.addi %mul3A_626, %get3A_629 : vector<16xi32>
        %swap3A_631 = arith.constant 48 : index
        %swap3A_632 = tpu.vector_load %arg17[%swap3A_631] {strides = array<i32>} : memref<64xi32, #tpu.memory_space<vmem>>, vector<16xi32>,
        %swap3A_633 = vector.shape_cast %swap3A_632 : vector<16xi32> to vector<16xi32>
        %swap3A_634 = vector.shape_cast %add3A_630 : vector<16xi32> to vector<16xi32>
        tpu.vector_store %arg17[%swap3A_631], %swap3A_634 {strides = array<i32>} : memref<64xi32, #tpu.memory_space<vmem>>, vector<16xi32>,
        %get3A_635 = arith.constant 192 : index
        %get3A_636 = tpu.vector_load %arg15[%get3A_635] {strides = array<i32>} : memref<384xi32, #tpu.memory_space<vmem>>, vector<16xi32>,
        %get3A_637 = vector.shape_cast %get3A_636 : vector<16xi32> to vector<16xi32>
        %swap3A_638 = arith.constant 0 : index
        %swap3A_639 = tpu.vector_load %arg21[%swap3A_638] {strides = array<i32>} : memref<64xi32, #tpu.memory_space<vmem>>, vector<16xi32>,
        %swap3A_640 = vector.shape_cast %swap3A_639 : vector<16xi32> to vector<16xi32>
        %swap3A_641 = vector.shape_cast %get3A_637 : vector<16xi32> to vector<16xi32>
        tpu.vector_store %arg21[%swap3A_638], %swap3A_641 {strides = array<i32>} : memref<64xi32, #tpu.memory_space<vmem>>, vector<16xi32>,
        %get3A_642 = arith.constant 208 : index
        %get3A_643 = tpu.vector_load %arg15[%get3A_642] {strides = array<i32>} : memref<384xi32, #tpu.memory_space<vmem>>, vector<16xi32>,
        %get3A_644 = vector.shape_cast %get3A_643 : vector<16xi32> to vector<16xi32>
        %swap3A_645 = arith.constant 16 : index
        %swap3A_646 = tpu.vector_load %arg21[%swap3A_645] {strides = array<i32>} : memref<64xi32, #tpu.memory_space<vmem>>, vector<16xi32>,
        %swap3A_647 = vector.shape_cast %swap3A_646 : vector<16xi32> to vector<16xi32>
        %swap3A_648 = vector.shape_cast %get3A_644 : vector<16xi32> to vector<16xi32>
        tpu.vector_store %arg21[%swap3A_645], %swap3A_648 {strides = array<i32>} : memref<64xi32, #tpu.memory_space<vmem>>, vector<16xi32>,
        %get3A_649 = arith.constant 224 : index
        %get3A_650 = tpu.vector_load %arg15[%get3A_649] {strides = array<i32>} : memref<384xi32, #tpu.memory_space<vmem>>, vector<16xi32>,
        %get3A_651 = vector.shape_cast %get3A_650 : vector<16xi32> to vector<16xi32>
        %swap3A_652 = arith.constant 32 : index
        %swap3A_653 = tpu.vector_load %arg21[%swap3A_652] {strides = array<i32>} : memref<64xi32, #tpu.memory_space<vmem>>, vector<16xi32>,
        %swap3A_654 = vector.shape_cast %swap3A_653 : vector<16xi32> to vector<16xi32>
        %swap3A_655 = vector.shape_cast %get3A_651 : vector<16xi32> to vector<16xi32>
        tpu.vector_store %arg21[%swap3A_652], %swap3A_655 {strides = array<i32>} : memref<64xi32, #tpu.memory_space<vmem>>, vector<16xi32>,
        %get3A_656 = arith.constant 240 : index
        %get3A_657 = tpu.vector_load %arg15[%get3A_656] {strides = array<i32>} : memref<384xi32, #tpu.memory_space<vmem>>, vector<16xi32>,
        %get3A_658 = vector.shape_cast %get3A_657 : vector<16xi32> to vector<16xi32>
        %swap3A_659 = arith.constant 48 : index
        %swap3A_660 = tpu.vector_load %arg21[%swap3A_659] {strides = array<i32>} : memref<64xi32, #tpu.memory_space<vmem>>, vector<16xi32>,
        %swap3A_661 = vector.shape_cast %swap3A_660 : vector<16xi32> to vector<16xi32>
        %swap3A_662 = vector.shape_cast %get3A_658 : vector<16xi32> to vector<16xi32>
        tpu.vector_store %arg21[%swap3A_659], %swap3A_662 {strides = array<i32>} : memref<64xi32, #tpu.memory_space<vmem>>, vector<16xi32>,
        %dma_start3A_663 = arith.constant 0 : i32
        %dma_start3A_664 = arith.constant 0 : i32
        %dma_start3A_665 = tpu.memref_slice %arg2[%dma_start3A_663, %dma_start3A_664] : memref<40000x128xf32, #tpu.memory_space<hbm>> -> memref<40000x128xf32, #tpu.memory_space<hbm>>
        tpu.enqueue_indirect_dma source(%dma_start3A_665 : memref<40000x128xf32, #tpu.memory_space<hbm>>) target(%arg25 : memref<64x128xf32, #tpu.memory_space<vmem>>) offsets(%arg17 : memref<64xi32, #tpu.memory_space<vmem>>) semaphore(%arg34 : memref<!tpu.dma_semaphore, #tpu.memory_space<semaphore_mem>>)
      } else {
      }
      %mul3A_475 = arith.constant 6 : i32
      %mul3A_476 = arith.muli %add3A_426, %mul3A_475 : i32
      %add3A_477 = arith.constant 2 : i32
      %add3A_478 = arith.addi %mul3A_476, %add3A_477 : i32
      %dma_wait3A_479 = arith.constant 0 : i32
      %dma_wait3A_480 = arith.constant 0 : i32
      %dma_wait3A_481 = tpu.memref_slice %arg2[%dma_wait3A_479, %dma_wait3A_480] : memref<40000x128xf32, #tpu.memory_space<hbm>> -> memref<40000x128xf32, #tpu.memory_space<hbm>>
      tpu.wait_indirect_dma semaphore(%arg33 : memref<!tpu.dma_semaphore, #tpu.memory_space<semaphore_mem>>) src(%dma_wait3A_481 : memref<40000x128xf32, #tpu.memory_space<hbm>>) dst(%arg24 : memref<64x128xf32, #tpu.memory_space<vmem>>)
      %dma_start3A_482 = arith.constant 0 : i32
      %dma_start3A_483 = arith.constant 0 : i32
      %dma_start3A_484 = tpu.memref_slice %arg29[%dma_start3A_482, %dma_start3A_483] : memref<10240x128xf32, #tpu.memory_space<vmem_shared>> -> memref<10240x128xf32, #tpu.memory_space<vmem_shared>>
      tpu.enqueue_indirect_dma source(%arg24 : memref<64x128xf32, #tpu.memory_space<vmem>>) target(%dma_start3A_484 : memref<10240x128xf32, #tpu.memory_space<vmem_shared>>) offsets(%arg20 : memref<64xi32, #tpu.memory_space<vmem>>) semaphore(%arg37 : memref<!tpu.dma_semaphore, #tpu.memory_space<semaphore_mem>>) {add = true}
      %dma_start3A_485 = arith.constant 0 : i32
      %dma_start3A_486 = tpu.memref_slice %arg30[%dma_start3A_485] : memref<10240xf32, #tpu.memory_space<vmem_shared>> -> memref<10240xf32, #tpu.memory_space<vmem_shared>>
      tpu.enqueue_indirect_dma source(%arg28 : memref<64xf32, #tpu.memory_space<vmem>>) target(%dma_start3A_486 : memref<10240xf32, #tpu.memory_space<vmem_shared>>) offsets(%arg20 : memref<64xi32, #tpu.memory_space<vmem>>) semaphore(%arg37 : memref<!tpu.dma_semaphore, #tpu.memory_space<semaphore_mem>>) {add = true}
      %ge3A_487 = arith.constant 2 : i32
      %ge3A_488 = arith.cmpi sge, %add3A_478, %ge3A_487 : i32
      %convert_element_type3A_489 = arith.extui %ge3A_488 : i1 to i32
      %cond3A_490 = arith.constant 0 : i32
      %cond3A_491 = arith.cmpi ne, %convert_element_type3A_489, %cond3A_490 : i32
      scf.if %cond3A_491 {
        %dma_wait3A_579 = arith.constant 0 : i32
        %dma_wait3A_580 = arith.constant 0 : i32
        %dma_wait3A_581 = tpu.memref_slice %arg29[%dma_wait3A_579, %dma_wait3A_580] : memref<10240x128xf32, #tpu.memory_space<vmem_shared>> -> memref<10240x128xf32, #tpu.memory_space<vmem_shared>>
        tpu.wait_indirect_dma semaphore(%arg39 : memref<!tpu.dma_semaphore, #tpu.memory_space<semaphore_mem>>) src(%arg26 : memref<64x128xf32, #tpu.memory_space<vmem>>) dst(%dma_wait3A_581 : memref<10240x128xf32, #tpu.memory_space<vmem_shared>>)
        %dma_wait3A_582 = arith.constant 0 : i32
        %dma_wait3A_583 = tpu.memref_slice %arg30[%dma_wait3A_582] : memref<10240xf32, #tpu.memory_space<vmem_shared>> -> memref<10240xf32, #tpu.memory_space<vmem_shared>>
        tpu.wait_indirect_dma semaphore(%arg39 : memref<!tpu.dma_semaphore, #tpu.memory_space<semaphore_mem>>) src(%arg28 : memref<64xf32, #tpu.memory_space<vmem>>) dst(%dma_wait3A_583 : memref<10240xf32, #tpu.memory_space<vmem_shared>>)
      } else {
      }
      %add3A_492 = arith.constant 2 : i32
      %add3A_493 = arith.addi %add3A_478, %add3A_492 : i32
      %lt3A_494 = arith.constant 156 : i32
      %lt3A_495 = arith.cmpi slt, %add3A_493, %lt3A_494 : i32
      %convert_element_type3A_496 = arith.extui %lt3A_495 : i1 to i32
      %cond3A_497 = arith.constant 0 : i32
      %cond3A_498 = arith.cmpi ne, %convert_element_type3A_496, %cond3A_497 : i32
      scf.if %cond3A_498 {
        %get3A_579 = arith.constant 256 : index
        %get3A_580 = tpu.vector_load %arg13[%get3A_579] {strides = array<i32>} : memref<384xi32, #tpu.memory_space<vmem>>, vector<16xi32>,
        %get3A_581 = vector.shape_cast %get3A_580 : vector<16xi32> to vector<16xi32>
        %mul3A_582 = arith.constant 10000 : i32
        %mul3A_583 = vector.broadcast %mul3A_582 : i32 to vector<16xi32>
        %mul3A_584 = arith.muli %get3A_581, %mul3A_583 : vector<16xi32>
        %get3A_585 = arith.constant 256 : index
        %get3A_586 = tpu.vector_load %arg11[%get3A_585] {strides = array<i32>} : memref<384xi32, #tpu.memory_space<vmem>>, vector<16xi32>,
        %get3A_587 = vector.shape_cast %get3A_586 : vector<16xi32> to vector<16xi32>
        %add3A_588 = arith.addi %mul3A_584, %get3A_587 : vector<16xi32>
        %swap3A_589 = arith.constant 0 : index
        %swap3A_590 = tpu.vector_load %arg18[%swap3A_589] {strides = array<i32>} : memref<64xi32, #tpu.memory_space<vmem>>, vector<16xi32>,
        %swap3A_591 = vector.shape_cast %swap3A_590 : vector<16xi32> to vector<16xi32>
        %swap3A_592 = vector.shape_cast %add3A_588 : vector<16xi32> to vector<16xi32>
        tpu.vector_store %arg18[%swap3A_589], %swap3A_592 {strides = array<i32>} : memref<64xi32, #tpu.memory_space<vmem>>, vector<16xi32>,
        %get3A_593 = arith.constant 272 : index
        %get3A_594 = tpu.vector_load %arg13[%get3A_593] {strides = array<i32>} : memref<384xi32, #tpu.memory_space<vmem>>, vector<16xi32>,
        %get3A_595 = vector.shape_cast %get3A_594 : vector<16xi32> to vector<16xi32>
        %mul3A_596 = arith.constant 10000 : i32
        %mul3A_597 = vector.broadcast %mul3A_596 : i32 to vector<16xi32>
        %mul3A_598 = arith.muli %get3A_595, %mul3A_597 : vector<16xi32>
        %get3A_599 = arith.constant 272 : index
        %get3A_600 = tpu.vector_load %arg11[%get3A_599] {strides = array<i32>} : memref<384xi32, #tpu.memory_space<vmem>>, vector<16xi32>,
        %get3A_601 = vector.shape_cast %get3A_600 : vector<16xi32> to vector<16xi32>
        %add3A_602 = arith.addi %mul3A_598, %get3A_601 : vector<16xi32>
        %swap3A_603 = arith.constant 16 : index
        %swap3A_604 = tpu.vector_load %arg18[%swap3A_603] {strides = array<i32>} : memref<64xi32, #tpu.memory_space<vmem>>, vector<16xi32>,
        %swap3A_605 = vector.shape_cast %swap3A_604 : vector<16xi32> to vector<16xi32>
        %swap3A_606 = vector.shape_cast %add3A_602 : vector<16xi32> to vector<16xi32>
        tpu.vector_store %arg18[%swap3A_603], %swap3A_606 {strides = array<i32>} : memref<64xi32, #tpu.memory_space<vmem>>, vector<16xi32>,
        %get3A_607 = arith.constant 288 : index
        %get3A_608 = tpu.vector_load %arg13[%get3A_607] {strides = array<i32>} : memref<384xi32, #tpu.memory_space<vmem>>, vector<16xi32>,
        %get3A_609 = vector.shape_cast %get3A_608 : vector<16xi32> to vector<16xi32>
        %mul3A_610 = arith.constant 10000 : i32
        %mul3A_611 = vector.broadcast %mul3A_610 : i32 to vector<16xi32>
        %mul3A_612 = arith.muli %get3A_609, %mul3A_611 : vector<16xi32>
        %get3A_613 = arith.constant 288 : index
        %get3A_614 = tpu.vector_load %arg11[%get3A_613] {strides = array<i32>} : memref<384xi32, #tpu.memory_space<vmem>>, vector<16xi32>,
        %get3A_615 = vector.shape_cast %get3A_614 : vector<16xi32> to vector<16xi32>
        %add3A_616 = arith.addi %mul3A_612, %get3A_615 : vector<16xi32>
        %swap3A_617 = arith.constant 32 : index
        %swap3A_618 = tpu.vector_load %arg18[%swap3A_617] {strides = array<i32>} : memref<64xi32, #tpu.memory_space<vmem>>, vector<16xi32>,
        %swap3A_619 = vector.shape_cast %swap3A_618 : vector<16xi32> to vector<16xi32>
        %swap3A_620 = vector.shape_cast %add3A_616 : vector<16xi32> to vector<16xi32>
        tpu.vector_store %arg18[%swap3A_617], %swap3A_620 {strides = array<i32>} : memref<64xi32, #tpu.memory_space<vmem>>, vector<16xi32>,
        %get3A_621 = arith.constant 304 : index
        %get3A_622 = tpu.vector_load %arg13[%get3A_621] {strides = array<i32>} : memref<384xi32, #tpu.memory_space<vmem>>, vector<16xi32>,
        %get3A_623 = vector.shape_cast %get3A_622 : vector<16xi32> to vector<16xi32>
        %mul3A_624 = arith.constant 10000 : i32
        %mul3A_625 = vector.broadcast %mul3A_624 : i32 to vector<16xi32>
        %mul3A_626 = arith.muli %get3A_623, %mul3A_625 : vector<16xi32>
        %get3A_627 = arith.constant 304 : index
        %get3A_628 = tpu.vector_load %arg11[%get3A_627] {strides = array<i32>} : memref<384xi32, #tpu.memory_space<vmem>>, vector<16xi32>,
        %get3A_629 = vector.shape_cast %get3A_628 : vector<16xi32> to vector<16xi32>
        %add3A_630 = arith.addi %mul3A_626, %get3A_629 : vector<16xi32>
        %swap3A_631 = arith.constant 48 : index
        %swap3A_632 = tpu.vector_load %arg18[%swap3A_631] {strides = array<i32>} : memref<64xi32, #tpu.memory_space<vmem>>, vector<16xi32>,
        %swap3A_633 = vector.shape_cast %swap3A_632 : vector<16xi32> to vector<16xi32>
        %swap3A_634 = vector.shape_cast %add3A_630 : vector<16xi32> to vector<16xi32>
        tpu.vector_store %arg18[%swap3A_631], %swap3A_634 {strides = array<i32>} : memref<64xi32, #tpu.memory_space<vmem>>, vector<16xi32>,
        %get3A_635 = arith.constant 256 : index
        %get3A_636 = tpu.vector_load %arg15[%get3A_635] {strides = array<i32>} : memref<384xi32, #tpu.memory_space<vmem>>, vector<16xi32>,
        %get3A_637 = vector.shape_cast %get3A_636 : vector<16xi32> to vector<16xi32>
        %swap3A_638 = arith.constant 0 : index
        %swap3A_639 = tpu.vector_load %arg22[%swap3A_638] {strides = array<i32>} : memref<64xi32, #tpu.memory_space<vmem>>, vector<16xi32>,
        %swap3A_640 = vector.shape_cast %swap3A_639 : vector<16xi32> to vector<16xi32>
        %swap3A_641 = vector.shape_cast %get3A_637 : vector<16xi32> to vector<16xi32>
        tpu.vector_store %arg22[%swap3A_638], %swap3A_641 {strides = array<i32>} : memref<64xi32, #tpu.memory_space<vmem>>, vector<16xi32>,
        %get3A_642 = arith.constant 272 : index
        %get3A_643 = tpu.vector_load %arg15[%get3A_642] {strides = array<i32>} : memref<384xi32, #tpu.memory_space<vmem>>, vector<16xi32>,
        %get3A_644 = vector.shape_cast %get3A_643 : vector<16xi32> to vector<16xi32>
        %swap3A_645 = arith.constant 16 : index
        %swap3A_646 = tpu.vector_load %arg22[%swap3A_645] {strides = array<i32>} : memref<64xi32, #tpu.memory_space<vmem>>, vector<16xi32>,
        %swap3A_647 = vector.shape_cast %swap3A_646 : vector<16xi32> to vector<16xi32>
        %swap3A_648 = vector.shape_cast %get3A_644 : vector<16xi32> to vector<16xi32>
        tpu.vector_store %arg22[%swap3A_645], %swap3A_648 {strides = array<i32>} : memref<64xi32, #tpu.memory_space<vmem>>, vector<16xi32>,
        %get3A_649 = arith.constant 288 : index
        %get3A_650 = tpu.vector_load %arg15[%get3A_649] {strides = array<i32>} : memref<384xi32, #tpu.memory_space<vmem>>, vector<16xi32>,
        %get3A_651 = vector.shape_cast %get3A_650 : vector<16xi32> to vector<16xi32>
        %swap3A_652 = arith.constant 32 : index
        %swap3A_653 = tpu.vector_load %arg22[%swap3A_652] {strides = array<i32>} : memref<64xi32, #tpu.memory_space<vmem>>, vector<16xi32>,
        %swap3A_654 = vector.shape_cast %swap3A_653 : vector<16xi32> to vector<16xi32>
        %swap3A_655 = vector.shape_cast %get3A_651 : vector<16xi32> to vector<16xi32>
        tpu.vector_store %arg22[%swap3A_652], %swap3A_655 {strides = array<i32>} : memref<64xi32, #tpu.memory_space<vmem>>, vector<16xi32>,
        %get3A_656 = arith.constant 304 : index
        %get3A_657 = tpu.vector_load %arg15[%get3A_656] {strides = array<i32>} : memref<384xi32, #tpu.memory_space<vmem>>, vector<16xi32>,
        %get3A_658 = vector.shape_cast %get3A_657 : vector<16xi32> to vector<16xi32>
        %swap3A_659 = arith.constant 48 : index
        %swap3A_660 = tpu.vector_load %arg22[%swap3A_659] {strides = array<i32>} : memref<64xi32, #tpu.memory_space<vmem>>, vector<16xi32>,
        %swap3A_661 = vector.shape_cast %swap3A_660 : vector<16xi32> to vector<16xi32>
        %swap3A_662 = vector.shape_cast %get3A_658 : vector<16xi32> to vector<16xi32>
        tpu.vector_store %arg22[%swap3A_659], %swap3A_662 {strides = array<i32>} : memref<64xi32, #tpu.memory_space<vmem>>, vector<16xi32>,
        %dma_start3A_663 = arith.constant 0 : i32
        %dma_start3A_664 = arith.constant 0 : i32
        %dma_start3A_665 = tpu.memref_slice %arg2[%dma_start3A_663, %dma_start3A_664] : memref<40000x128xf32, #tpu.memory_space<hbm>> -> memref<40000x128xf32, #tpu.memory_space<hbm>>
        tpu.enqueue_indirect_dma source(%dma_start3A_665 : memref<40000x128xf32, #tpu.memory_space<hbm>>) target(%arg26 : memref<64x128xf32, #tpu.memory_space<vmem>>) offsets(%arg18 : memref<64xi32, #tpu.memory_space<vmem>>) semaphore(%arg35 : memref<!tpu.dma_semaphore, #tpu.memory_space<semaphore_mem>>)
      } else {
      }
      %mul3A_499 = arith.constant 6 : i32
      %mul3A_500 = arith.muli %add3A_426, %mul3A_499 : i32
      %add3A_501 = arith.constant 3 : i32
      %add3A_502 = arith.addi %mul3A_500, %add3A_501 : i32
      %dma_wait3A_503 = arith.constant 0 : i32
      %dma_wait3A_504 = arith.constant 0 : i32
      %dma_wait3A_505 = tpu.memref_slice %arg2[%dma_wait3A_503, %dma_wait3A_504] : memref<40000x128xf32, #tpu.memory_space<hbm>> -> memref<40000x128xf32, #tpu.memory_space<hbm>>
      tpu.wait_indirect_dma semaphore(%arg34 : memref<!tpu.dma_semaphore, #tpu.memory_space<semaphore_mem>>) src(%dma_wait3A_505 : memref<40000x128xf32, #tpu.memory_space<hbm>>) dst(%arg25 : memref<64x128xf32, #tpu.memory_space<vmem>>)
      %dma_start3A_506 = arith.constant 0 : i32
      %dma_start3A_507 = arith.constant 0 : i32
      %dma_start3A_508 = tpu.memref_slice %arg29[%dma_start3A_506, %dma_start3A_507] : memref<10240x128xf32, #tpu.memory_space<vmem_shared>> -> memref<10240x128xf32, #tpu.memory_space<vmem_shared>>
      tpu.enqueue_indirect_dma source(%arg25 : memref<64x128xf32, #tpu.memory_space<vmem>>) target(%dma_start3A_508 : memref<10240x128xf32, #tpu.memory_space<vmem_shared>>) offsets(%arg21 : memref<64xi32, #tpu.memory_space<vmem>>) semaphore(%arg38 : memref<!tpu.dma_semaphore, #tpu.memory_space<semaphore_mem>>) {add = true}
      %dma_start3A_509 = arith.constant 0 : i32
      %dma_start3A_510 = tpu.memref_slice %arg30[%dma_start3A_509] : memref<10240xf32, #tpu.memory_space<vmem_shared>> -> memref<10240xf32, #tpu.memory_space<vmem_shared>>
      tpu.enqueue_indirect_dma source(%arg28 : memref<64xf32, #tpu.memory_space<vmem>>) target(%dma_start3A_510 : memref<10240xf32, #tpu.memory_space<vmem_shared>>) offsets(%arg21 : memref<64xi32, #tpu.memory_space<vmem>>) semaphore(%arg38 : memref<!tpu.dma_semaphore, #tpu.memory_space<semaphore_mem>>) {add = true}
      %ge3A_511 = arith.constant 2 : i32
      %ge3A_512 = arith.cmpi sge, %add3A_502, %ge3A_511 : i32
      %convert_element_type3A_513 = arith.extui %ge3A_512 : i1 to i32
      %cond3A_514 = arith.constant 0 : i32
      %cond3A_515 = arith.cmpi ne, %convert_element_type3A_513, %cond3A_514 : i32
      scf.if %cond3A_515 {
        %dma_wait3A_579 = arith.constant 0 : i32
        %dma_wait3A_580 = arith.constant 0 : i32
        %dma_wait3A_581 = tpu.memref_slice %arg29[%dma_wait3A_579, %dma_wait3A_580] : memref<10240x128xf32, #tpu.memory_space<vmem_shared>> -> memref<10240x128xf32, #tpu.memory_space<vmem_shared>>
        tpu.wait_indirect_dma semaphore(%arg40 : memref<!tpu.dma_semaphore, #tpu.memory_space<semaphore_mem>>) src(%arg27 : memref<64x128xf32, #tpu.memory_space<vmem>>) dst(%dma_wait3A_581 : memref<10240x128xf32, #tpu.memory_space<vmem_shared>>)
        %dma_wait3A_582 = arith.constant 0 : i32
        %dma_wait3A_583 = tpu.memref_slice %arg30[%dma_wait3A_582] : memref<10240xf32, #tpu.memory_space<vmem_shared>> -> memref<10240xf32, #tpu.memory_space<vmem_shared>>
        tpu.wait_indirect_dma semaphore(%arg40 : memref<!tpu.dma_semaphore, #tpu.memory_space<semaphore_mem>>) src(%arg28 : memref<64xf32, #tpu.memory_space<vmem>>) dst(%dma_wait3A_583 : memref<10240xf32, #tpu.memory_space<vmem_shared>>)
      } else {
      }
      %add3A_516 = arith.constant 2 : i32
      %add3A_517 = arith.addi %add3A_502, %add3A_516 : i32
      %lt3A_518 = arith.constant 156 : i32
      %lt3A_519 = arith.cmpi slt, %add3A_517, %lt3A_518 : i32
      %convert_element_type3A_520 = arith.extui %lt3A_519 : i1 to i32
      %cond3A_521 = arith.constant 0 : i32
      %cond3A_522 = arith.cmpi ne, %convert_element_type3A_520, %cond3A_521 : i32
      scf.if %cond3A_522 {
        %get3A_579 = arith.constant 320 : index
        %get3A_580 = tpu.vector_load %arg13[%get3A_579] {strides = array<i32>} : memref<384xi32, #tpu.memory_space<vmem>>, vector<16xi32>,
        %get3A_581 = vector.shape_cast %get3A_580 : vector<16xi32> to vector<16xi32>
        %mul3A_582 = arith.constant 10000 : i32
        %mul3A_583 = vector.broadcast %mul3A_582 : i32 to vector<16xi32>
        %mul3A_584 = arith.muli %get3A_581, %mul3A_583 : vector<16xi32>
        %get3A_585 = arith.constant 320 : index
        %get3A_586 = tpu.vector_load %arg11[%get3A_585] {strides = array<i32>} : memref<384xi32, #tpu.memory_space<vmem>>, vector<16xi32>,
        %get3A_587 = vector.shape_cast %get3A_586 : vector<16xi32> to vector<16xi32>
        %add3A_588 = arith.addi %mul3A_584, %get3A_587 : vector<16xi32>
        %swap3A_589 = arith.constant 0 : index
        %swap3A_590 = tpu.vector_load %arg19[%swap3A_589] {strides = array<i32>} : memref<64xi32, #tpu.memory_space<vmem>>, vector<16xi32>,
        %swap3A_591 = vector.shape_cast %swap3A_590 : vector<16xi32> to vector<16xi32>
        %swap3A_592 = vector.shape_cast %add3A_588 : vector<16xi32> to vector<16xi32>
        tpu.vector_store %arg19[%swap3A_589], %swap3A_592 {strides = array<i32>} : memref<64xi32, #tpu.memory_space<vmem>>, vector<16xi32>,
        %get3A_593 = arith.constant 336 : index
        %get3A_594 = tpu.vector_load %arg13[%get3A_593] {strides = array<i32>} : memref<384xi32, #tpu.memory_space<vmem>>, vector<16xi32>,
        %get3A_595 = vector.shape_cast %get3A_594 : vector<16xi32> to vector<16xi32>
        %mul3A_596 = arith.constant 10000 : i32
        %mul3A_597 = vector.broadcast %mul3A_596 : i32 to vector<16xi32>
        %mul3A_598 = arith.muli %get3A_595, %mul3A_597 : vector<16xi32>
        %get3A_599 = arith.constant 336 : index
        %get3A_600 = tpu.vector_load %arg11[%get3A_599] {strides = array<i32>} : memref<384xi32, #tpu.memory_space<vmem>>, vector<16xi32>,
        %get3A_601 = vector.shape_cast %get3A_600 : vector<16xi32> to vector<16xi32>
        %add3A_602 = arith.addi %mul3A_598, %get3A_601 : vector<16xi32>
        %swap3A_603 = arith.constant 16 : index
        %swap3A_604 = tpu.vector_load %arg19[%swap3A_603] {strides = array<i32>} : memref<64xi32, #tpu.memory_space<vmem>>, vector<16xi32>,
        %swap3A_605 = vector.shape_cast %swap3A_604 : vector<16xi32> to vector<16xi32>
        %swap3A_606 = vector.shape_cast %add3A_602 : vector<16xi32> to vector<16xi32>
        tpu.vector_store %arg19[%swap3A_603], %swap3A_606 {strides = array<i32>} : memref<64xi32, #tpu.memory_space<vmem>>, vector<16xi32>,
        %get3A_607 = arith.constant 352 : index
        %get3A_608 = tpu.vector_load %arg13[%get3A_607] {strides = array<i32>} : memref<384xi32, #tpu.memory_space<vmem>>, vector<16xi32>,
        %get3A_609 = vector.shape_cast %get3A_608 : vector<16xi32> to vector<16xi32>
        %mul3A_610 = arith.constant 10000 : i32
        %mul3A_611 = vector.broadcast %mul3A_610 : i32 to vector<16xi32>
        %mul3A_612 = arith.muli %get3A_609, %mul3A_611 : vector<16xi32>
        %get3A_613 = arith.constant 352 : index
        %get3A_614 = tpu.vector_load %arg11[%get3A_613] {strides = array<i32>} : memref<384xi32, #tpu.memory_space<vmem>>, vector<16xi32>,
        %get3A_615 = vector.shape_cast %get3A_614 : vector<16xi32> to vector<16xi32>
        %add3A_616 = arith.addi %mul3A_612, %get3A_615 : vector<16xi32>
        %swap3A_617 = arith.constant 32 : index
        %swap3A_618 = tpu.vector_load %arg19[%swap3A_617] {strides = array<i32>} : memref<64xi32, #tpu.memory_space<vmem>>, vector<16xi32>,
        %swap3A_619 = vector.shape_cast %swap3A_618 : vector<16xi32> to vector<16xi32>
        %swap3A_620 = vector.shape_cast %add3A_616 : vector<16xi32> to vector<16xi32>
        tpu.vector_store %arg19[%swap3A_617], %swap3A_620 {strides = array<i32>} : memref<64xi32, #tpu.memory_space<vmem>>, vector<16xi32>,
        %get3A_621 = arith.constant 368 : index
        %get3A_622 = tpu.vector_load %arg13[%get3A_621] {strides = array<i32>} : memref<384xi32, #tpu.memory_space<vmem>>, vector<16xi32>,
        %get3A_623 = vector.shape_cast %get3A_622 : vector<16xi32> to vector<16xi32>
        %mul3A_624 = arith.constant 10000 : i32
        %mul3A_625 = vector.broadcast %mul3A_624 : i32 to vector<16xi32>
        %mul3A_626 = arith.muli %get3A_623, %mul3A_625 : vector<16xi32>
        %get3A_627 = arith.constant 368 : index
        %get3A_628 = tpu.vector_load %arg11[%get3A_627] {strides = array<i32>} : memref<384xi32, #tpu.memory_space<vmem>>, vector<16xi32>,
        %get3A_629 = vector.shape_cast %get3A_628 : vector<16xi32> to vector<16xi32>
        %add3A_630 = arith.addi %mul3A_626, %get3A_629 : vector<16xi32>
        %swap3A_631 = arith.constant 48 : index
        %swap3A_632 = tpu.vector_load %arg19[%swap3A_631] {strides = array<i32>} : memref<64xi32, #tpu.memory_space<vmem>>, vector<16xi32>,
        %swap3A_633 = vector.shape_cast %swap3A_632 : vector<16xi32> to vector<16xi32>
        %swap3A_634 = vector.shape_cast %add3A_630 : vector<16xi32> to vector<16xi32>
        tpu.vector_store %arg19[%swap3A_631], %swap3A_634 {strides = array<i32>} : memref<64xi32, #tpu.memory_space<vmem>>, vector<16xi32>,
        %get3A_635 = arith.constant 320 : index
        %get3A_636 = tpu.vector_load %arg15[%get3A_635] {strides = array<i32>} : memref<384xi32, #tpu.memory_space<vmem>>, vector<16xi32>,
        %get3A_637 = vector.shape_cast %get3A_636 : vector<16xi32> to vector<16xi32>
        %swap3A_638 = arith.constant 0 : index
        %swap3A_639 = tpu.vector_load %arg23[%swap3A_638] {strides = array<i32>} : memref<64xi32, #tpu.memory_space<vmem>>, vector<16xi32>,
        %swap3A_640 = vector.shape_cast %swap3A_639 : vector<16xi32> to vector<16xi32>
        %swap3A_641 = vector.shape_cast %get3A_637 : vector<16xi32> to vector<16xi32>
        tpu.vector_store %arg23[%swap3A_638], %swap3A_641 {strides = array<i32>} : memref<64xi32, #tpu.memory_space<vmem>>, vector<16xi32>,
        %get3A_642 = arith.constant 336 : index
        %get3A_643 = tpu.vector_load %arg15[%get3A_642] {strides = array<i32>} : memref<384xi32, #tpu.memory_space<vmem>>, vector<16xi32>,
        %get3A_644 = vector.shape_cast %get3A_643 : vector<16xi32> to vector<16xi32>
        %swap3A_645 = arith.constant 16 : index
        %swap3A_646 = tpu.vector_load %arg23[%swap3A_645] {strides = array<i32>} : memref<64xi32, #tpu.memory_space<vmem>>, vector<16xi32>,
        %swap3A_647 = vector.shape_cast %swap3A_646 : vector<16xi32> to vector<16xi32>
        %swap3A_648 = vector.shape_cast %get3A_644 : vector<16xi32> to vector<16xi32>
        tpu.vector_store %arg23[%swap3A_645], %swap3A_648 {strides = array<i32>} : memref<64xi32, #tpu.memory_space<vmem>>, vector<16xi32>,
        %get3A_649 = arith.constant 352 : index
        %get3A_650 = tpu.vector_load %arg15[%get3A_649] {strides = array<i32>} : memref<384xi32, #tpu.memory_space<vmem>>, vector<16xi32>,
        %get3A_651 = vector.shape_cast %get3A_650 : vector<16xi32> to vector<16xi32>
        %swap3A_652 = arith.constant 32 : index
        %swap3A_653 = tpu.vector_load %arg23[%swap3A_652] {strides = array<i32>} : memref<64xi32, #tpu.memory_space<vmem>>, vector<16xi32>,
        %swap3A_654 = vector.shape_cast %swap3A_653 : vector<16xi32> to vector<16xi32>
        %swap3A_655 = vector.shape_cast %get3A_651 : vector<16xi32> to vector<16xi32>
        tpu.vector_store %arg23[%swap3A_652], %swap3A_655 {strides = array<i32>} : memref<64xi32, #tpu.memory_space<vmem>>, vector<16xi32>,
        %get3A_656 = arith.constant 368 : index
        %get3A_657 = tpu.vector_load %arg15[%get3A_656] {strides = array<i32>} : memref<384xi32, #tpu.memory_space<vmem>>, vector<16xi32>,
        %get3A_658 = vector.shape_cast %get3A_657 : vector<16xi32> to vector<16xi32>
        %swap3A_659 = arith.constant 48 : index
        %swap3A_660 = tpu.vector_load %arg23[%swap3A_659] {strides = array<i32>} : memref<64xi32, #tpu.memory_space<vmem>>, vector<16xi32>,
        %swap3A_661 = vector.shape_cast %swap3A_660 : vector<16xi32> to vector<16xi32>
        %swap3A_662 = vector.shape_cast %get3A_658 : vector<16xi32> to vector<16xi32>
        tpu.vector_store %arg23[%swap3A_659], %swap3A_662 {strides = array<i32>} : memref<64xi32, #tpu.memory_space<vmem>>, vector<16xi32>,
        %dma_start3A_663 = arith.constant 0 : i32
        %dma_start3A_664 = arith.constant 0 : i32
        %dma_start3A_665 = tpu.memref_slice %arg2[%dma_start3A_663, %dma_start3A_664] : memref<40000x128xf32, #tpu.memory_space<hbm>> -> memref<40000x128xf32, #tpu.memory_space<hbm>>
        tpu.enqueue_indirect_dma source(%dma_start3A_665 : memref<40000x128xf32, #tpu.memory_space<hbm>>) target(%arg27 : memref<64x128xf32, #tpu.memory_space<vmem>>) offsets(%arg19 : memref<64xi32, #tpu.memory_space<vmem>>) semaphore(%arg36 : memref<!tpu.dma_semaphore, #tpu.memory_space<semaphore_mem>>)
      } else {
      }
      %mul3A_523 = arith.constant 6 : i32
      %mul3A_524 = arith.muli %add3A_426, %mul3A_523 : i32
      %add3A_525 = arith.constant 4 : i32
      %add3A_526 = arith.addi %mul3A_524, %add3A_525 : i32
      %dma_wait3A_527 = arith.constant 0 : i32
      %dma_wait3A_528 = arith.constant 0 : i32
      %dma_wait3A_529 = tpu.memref_slice %arg2[%dma_wait3A_527, %dma_wait3A_528] : memref<40000x128xf32, #tpu.memory_space<hbm>> -> memref<40000x128xf32, #tpu.memory_space<hbm>>
      tpu.wait_indirect_dma semaphore(%arg35 : memref<!tpu.dma_semaphore, #tpu.memory_space<semaphore_mem>>) src(%dma_wait3A_529 : memref<40000x128xf32, #tpu.memory_space<hbm>>) dst(%arg26 : memref<64x128xf32, #tpu.memory_space<vmem>>)
      %dma_start3A_530 = arith.constant 0 : i32
      %dma_start3A_531 = arith.constant 0 : i32
      %dma_start3A_532 = tpu.memref_slice %arg29[%dma_start3A_530, %dma_start3A_531] : memref<10240x128xf32, #tpu.memory_space<vmem_shared>> -> memref<10240x128xf32, #tpu.memory_space<vmem_shared>>
      tpu.enqueue_indirect_dma source(%arg26 : memref<64x128xf32, #tpu.memory_space<vmem>>) target(%dma_start3A_532 : memref<10240x128xf32, #tpu.memory_space<vmem_shared>>) offsets(%arg22 : memref<64xi32, #tpu.memory_space<vmem>>) semaphore(%arg39 : memref<!tpu.dma_semaphore, #tpu.memory_space<semaphore_mem>>) {add = true}
      %dma_start3A_533 = arith.constant 0 : i32
      %dma_start3A_534 = tpu.memref_slice %arg30[%dma_start3A_533] : memref<10240xf32, #tpu.memory_space<vmem_shared>> -> memref<10240xf32, #tpu.memory_space<vmem_shared>>
      tpu.enqueue_indirect_dma source(%arg28 : memref<64xf32, #tpu.memory_space<vmem>>) target(%dma_start3A_534 : memref<10240xf32, #tpu.memory_space<vmem_shared>>) offsets(%arg22 : memref<64xi32, #tpu.memory_space<vmem>>) semaphore(%arg39 : memref<!tpu.dma_semaphore, #tpu.memory_space<semaphore_mem>>) {add = true}
      %ge3A_535 = arith.constant 2 : i32
      %ge3A_536 = arith.cmpi sge, %add3A_526, %ge3A_535 : i32
      %convert_element_type3A_537 = arith.extui %ge3A_536 : i1 to i32
      %cond3A_538 = arith.constant 0 : i32
      %cond3A_539 = arith.cmpi ne, %convert_element_type3A_537, %cond3A_538 : i32
      scf.if %cond3A_539 {
        %dma_wait3A_579 = arith.constant 0 : i32
        %dma_wait3A_580 = arith.constant 0 : i32
        %dma_wait3A_581 = tpu.memref_slice %arg29[%dma_wait3A_579, %dma_wait3A_580] : memref<10240x128xf32, #tpu.memory_space<vmem_shared>> -> memref<10240x128xf32, #tpu.memory_space<vmem_shared>>
        tpu.wait_indirect_dma semaphore(%arg37 : memref<!tpu.dma_semaphore, #tpu.memory_space<semaphore_mem>>) src(%arg24 : memref<64x128xf32, #tpu.memory_space<vmem>>) dst(%dma_wait3A_581 : memref<10240x128xf32, #tpu.memory_space<vmem_shared>>)
        %dma_wait3A_582 = arith.constant 0 : i32
        %dma_wait3A_583 = tpu.memref_slice %arg30[%dma_wait3A_582] : memref<10240xf32, #tpu.memory_space<vmem_shared>> -> memref<10240xf32, #tpu.memory_space<vmem_shared>>
        tpu.wait_indirect_dma semaphore(%arg37 : memref<!tpu.dma_semaphore, #tpu.memory_space<semaphore_mem>>) src(%arg28 : memref<64xf32, #tpu.memory_space<vmem>>) dst(%dma_wait3A_583 : memref<10240xf32, #tpu.memory_space<vmem_shared>>)
      } else {
      }
      %add3A_540 = arith.constant 2 : i32
      %add3A_541 = arith.addi %add3A_526, %add3A_540 : i32
      %lt3A_542 = arith.constant 156 : i32
      %lt3A_543 = arith.cmpi slt, %add3A_541, %lt3A_542 : i32
      %convert_element_type3A_544 = arith.extui %lt3A_543 : i1 to i32
      %cond3A_545 = arith.constant 0 : i32
      %cond3A_546 = arith.cmpi ne, %convert_element_type3A_544, %cond3A_545 : i32
      scf.if %cond3A_546 {
        %add3A_579 = arith.constant 1 : i32
        %add3A_580 = arith.addi %add3A_426, %add3A_579 : i32
        %mul3A_581 = arith.constant 384 : i32
        %mul3A_582 = arith.muli %add3A_580, %mul3A_581 : i32
        %add3A_583 = arith.addi %mul3A_2, %mul3A_582 : i32
        %dma_wait3A_584 = tpu.memref_slice %arg3[%add3A_583] : memref<320000xi32, #tpu.memory_space<hbm>> -> memref<384xi32, #tpu.memory_space<hbm>>
        %dma_wait3A_585 = tpu.memref_slice %arg3[%add3A_583] : memref<320000xi32, #tpu.memory_space<hbm>> -> memref<384xi32, #tpu.memory_space<hbm>>
        tpu.wait_dma2 semaphore(%arg31 : memref<!tpu.dma_semaphore, #tpu.memory_space<semaphore_mem>>) src(%dma_wait3A_585 : memref<384xi32, #tpu.memory_space<hbm>>) dst(%arg10 : memref<384xi32, #tpu.memory_space<vmem>>)
        %dma_wait3A_586 = tpu.memref_slice %arg4[%add3A_583] : memref<320000xi32, #tpu.memory_space<hbm>> -> memref<384xi32, #tpu.memory_space<hbm>>
        %dma_wait3A_587 = tpu.memref_slice %arg4[%add3A_583] : memref<320000xi32, #tpu.memory_space<hbm>> -> memref<384xi32, #tpu.memory_space<hbm>>
        tpu.wait_dma2 semaphore(%arg31 : memref<!tpu.dma_semaphore, #tpu.memory_space<semaphore_mem>>) src(%dma_wait3A_587 : memref<384xi32, #tpu.memory_space<hbm>>) dst(%arg12 : memref<384xi32, #tpu.memory_space<vmem>>)
        %dma_wait3A_588 = tpu.memref_slice %arg5[%add3A_583] : memref<320000xi32, #tpu.memory_space<hbm>> -> memref<384xi32, #tpu.memory_space<hbm>>
        %dma_wait3A_589 = tpu.memref_slice %arg5[%add3A_583] : memref<320000xi32, #tpu.memory_space<hbm>> -> memref<384xi32, #tpu.memory_space<hbm>>
        tpu.wait_dma2 semaphore(%arg31 : memref<!tpu.dma_semaphore, #tpu.memory_space<semaphore_mem>>) src(%dma_wait3A_589 : memref<384xi32, #tpu.memory_space<hbm>>) dst(%arg14 : memref<384xi32, #tpu.memory_space<vmem>>)
        %get3A_590 = arith.constant 0 : index
        %get3A_591 = tpu.vector_load %arg12[%get3A_590] {strides = array<i32>} : memref<384xi32, #tpu.memory_space<vmem>>, vector<16xi32>,
        %get3A_592 = vector.shape_cast %get3A_591 : vector<16xi32> to vector<16xi32>
        %mul3A_593 = arith.constant 10000 : i32
        %mul3A_594 = vector.broadcast %mul3A_593 : i32 to vector<16xi32>
        %mul3A_595 = arith.muli %get3A_592, %mul3A_594 : vector<16xi32>
        %get3A_596 = arith.constant 0 : index
        %get3A_597 = tpu.vector_load %arg10[%get3A_596] {strides = array<i32>} : memref<384xi32, #tpu.memory_space<vmem>>, vector<16xi32>,
        %get3A_598 = vector.shape_cast %get3A_597 : vector<16xi32> to vector<16xi32>
        %add3A_599 = arith.addi %mul3A_595, %get3A_598 : vector<16xi32>
        %swap3A_600 = arith.constant 0 : index
        %swap3A_601 = tpu.vector_load %arg16[%swap3A_600] {strides = array<i32>} : memref<64xi32, #tpu.memory_space<vmem>>, vector<16xi32>,
        %swap3A_602 = vector.shape_cast %swap3A_601 : vector<16xi32> to vector<16xi32>
        %swap3A_603 = vector.shape_cast %add3A_599 : vector<16xi32> to vector<16xi32>
        tpu.vector_store %arg16[%swap3A_600], %swap3A_603 {strides = array<i32>} : memref<64xi32, #tpu.memory_space<vmem>>, vector<16xi32>,
        %get3A_604 = arith.constant 16 : index
        %get3A_605 = tpu.vector_load %arg12[%get3A_604] {strides = array<i32>} : memref<384xi32, #tpu.memory_space<vmem>>, vector<16xi32>,
        %get3A_606 = vector.shape_cast %get3A_605 : vector<16xi32> to vector<16xi32>
        %mul3A_607 = arith.constant 10000 : i32
        %mul3A_608 = vector.broadcast %mul3A_607 : i32 to vector<16xi32>
        %mul3A_609 = arith.muli %get3A_606, %mul3A_608 : vector<16xi32>
        %get3A_610 = arith.constant 16 : index
        %get3A_611 = tpu.vector_load %arg10[%get3A_610] {strides = array<i32>} : memref<384xi32, #tpu.memory_space<vmem>>, vector<16xi32>,
        %get3A_612 = vector.shape_cast %get3A_611 : vector<16xi32> to vector<16xi32>
        %add3A_613 = arith.addi %mul3A_609, %get3A_612 : vector<16xi32>
        %swap3A_614 = arith.constant 16 : index
        %swap3A_615 = tpu.vector_load %arg16[%swap3A_614] {strides = array<i32>} : memref<64xi32, #tpu.memory_space<vmem>>, vector<16xi32>,
        %swap3A_616 = vector.shape_cast %swap3A_615 : vector<16xi32> to vector<16xi32>
        %swap3A_617 = vector.shape_cast %add3A_613 : vector<16xi32> to vector<16xi32>
        tpu.vector_store %arg16[%swap3A_614], %swap3A_617 {strides = array<i32>} : memref<64xi32, #tpu.memory_space<vmem>>, vector<16xi32>,
        %get3A_618 = arith.constant 32 : index
        %get3A_619 = tpu.vector_load %arg12[%get3A_618] {strides = array<i32>} : memref<384xi32, #tpu.memory_space<vmem>>, vector<16xi32>,
        %get3A_620 = vector.shape_cast %get3A_619 : vector<16xi32> to vector<16xi32>
        %mul3A_621 = arith.constant 10000 : i32
        %mul3A_622 = vector.broadcast %mul3A_621 : i32 to vector<16xi32>
        %mul3A_623 = arith.muli %get3A_620, %mul3A_622 : vector<16xi32>
        %get3A_624 = arith.constant 32 : index
        %get3A_625 = tpu.vector_load %arg10[%get3A_624] {strides = array<i32>} : memref<384xi32, #tpu.memory_space<vmem>>, vector<16xi32>,
        %get3A_626 = vector.shape_cast %get3A_625 : vector<16xi32> to vector<16xi32>
        %add3A_627 = arith.addi %mul3A_623, %get3A_626 : vector<16xi32>
        %swap3A_628 = arith.constant 32 : index
        %swap3A_629 = tpu.vector_load %arg16[%swap3A_628] {strides = array<i32>} : memref<64xi32, #tpu.memory_space<vmem>>, vector<16xi32>,
        %swap3A_630 = vector.shape_cast %swap3A_629 : vector<16xi32> to vector<16xi32>
        %swap3A_631 = vector.shape_cast %add3A_627 : vector<16xi32> to vector<16xi32>
        tpu.vector_store %arg16[%swap3A_628], %swap3A_631 {strides = array<i32>} : memref<64xi32, #tpu.memory_space<vmem>>, vector<16xi32>,
        %get3A_632 = arith.constant 48 : index
        %get3A_633 = tpu.vector_load %arg12[%get3A_632] {strides = array<i32>} : memref<384xi32, #tpu.memory_space<vmem>>, vector<16xi32>,
        %get3A_634 = vector.shape_cast %get3A_633 : vector<16xi32> to vector<16xi32>
        %mul3A_635 = arith.constant 10000 : i32
        %mul3A_636 = vector.broadcast %mul3A_635 : i32 to vector<16xi32>
        %mul3A_637 = arith.muli %get3A_634, %mul3A_636 : vector<16xi32>
        %get3A_638 = arith.constant 48 : index
        %get3A_639 = tpu.vector_load %arg10[%get3A_638] {strides = array<i32>} : memref<384xi32, #tpu.memory_space<vmem>>, vector<16xi32>,
        %get3A_640 = vector.shape_cast %get3A_639 : vector<16xi32> to vector<16xi32>
        %add3A_641 = arith.addi %mul3A_637, %get3A_640 : vector<16xi32>
        %swap3A_642 = arith.constant 48 : index
        %swap3A_643 = tpu.vector_load %arg16[%swap3A_642] {strides = array<i32>} : memref<64xi32, #tpu.memory_space<vmem>>, vector<16xi32>,
        %swap3A_644 = vector.shape_cast %swap3A_643 : vector<16xi32> to vector<16xi32>
        %swap3A_645 = vector.shape_cast %add3A_641 : vector<16xi32> to vector<16xi32>
        tpu.vector_store %arg16[%swap3A_642], %swap3A_645 {strides = array<i32>} : memref<64xi32, #tpu.memory_space<vmem>>, vector<16xi32>,
        %get3A_646 = arith.constant 0 : index
        %get3A_647 = tpu.vector_load %arg14[%get3A_646] {strides = array<i32>} : memref<384xi32, #tpu.memory_space<vmem>>, vector<16xi32>,
        %get3A_648 = vector.shape_cast %get3A_647 : vector<16xi32> to vector<16xi32>
        %swap3A_649 = arith.constant 0 : index
        %swap3A_650 = tpu.vector_load %arg20[%swap3A_649] {strides = array<i32>} : memref<64xi32, #tpu.memory_space<vmem>>, vector<16xi32>,
        %swap3A_651 = vector.shape_cast %swap3A_650 : vector<16xi32> to vector<16xi32>
        %swap3A_652 = vector.shape_cast %get3A_648 : vector<16xi32> to vector<16xi32>
        tpu.vector_store %arg20[%swap3A_649], %swap3A_652 {strides = array<i32>} : memref<64xi32, #tpu.memory_space<vmem>>, vector<16xi32>,
        %get3A_653 = arith.constant 16 : index
        %get3A_654 = tpu.vector_load %arg14[%get3A_653] {strides = array<i32>} : memref<384xi32, #tpu.memory_space<vmem>>, vector<16xi32>,
        %get3A_655 = vector.shape_cast %get3A_654 : vector<16xi32> to vector<16xi32>
        %swap3A_656 = arith.constant 16 : index
        %swap3A_657 = tpu.vector_load %arg20[%swap3A_656] {strides = array<i32>} : memref<64xi32, #tpu.memory_space<vmem>>, vector<16xi32>,
        %swap3A_658 = vector.shape_cast %swap3A_657 : vector<16xi32> to vector<16xi32>
        %swap3A_659 = vector.shape_cast %get3A_655 : vector<16xi32> to vector<16xi32>
        tpu.vector_store %arg20[%swap3A_656], %swap3A_659 {strides = array<i32>} : memref<64xi32, #tpu.memory_space<vmem>>, vector<16xi32>,
        %get3A_660 = arith.constant 32 : index
        %get3A_661 = tpu.vector_load %arg14[%get3A_660] {strides = array<i32>} : memref<384xi32, #tpu.memory_space<vmem>>, vector<16xi32>,
        %get3A_662 = vector.shape_cast %get3A_661 : vector<16xi32> to vector<16xi32>
        %swap3A_663 = arith.constant 32 : index
        %swap3A_664 = tpu.vector_load %arg20[%swap3A_663] {strides = array<i32>} : memref<64xi32, #tpu.memory_space<vmem>>, vector<16xi32>,
        %swap3A_665 = vector.shape_cast %swap3A_664 : vector<16xi32> to vector<16xi32>
        %swap3A_666 = vector.shape_cast %get3A_662 : vector<16xi32> to vector<16xi32>
        tpu.vector_store %arg20[%swap3A_663], %swap3A_666 {strides = array<i32>} : memref<64xi32, #tpu.memory_space<vmem>>, vector<16xi32>,
        %get3A_667 = arith.constant 48 : index
        %get3A_668 = tpu.vector_load %arg14[%get3A_667] {strides = array<i32>} : memref<384xi32, #tpu.memory_space<vmem>>, vector<16xi32>,
        %get3A_669 = vector.shape_cast %get3A_668 : vector<16xi32> to vector<16xi32>
        %swap3A_670 = arith.constant 48 : index
        %swap3A_671 = tpu.vector_load %arg20[%swap3A_670] {strides = array<i32>} : memref<64xi32, #tpu.memory_space<vmem>>, vector<16xi32>,
        %swap3A_672 = vector.shape_cast %swap3A_671 : vector<16xi32> to vector<16xi32>
        %swap3A_673 = vector.shape_cast %get3A_669 : vector<16xi32> to vector<16xi32>
        tpu.vector_store %arg20[%swap3A_670], %swap3A_673 {strides = array<i32>} : memref<64xi32, #tpu.memory_space<vmem>>, vector<16xi32>,
        %dma_start3A_674 = arith.constant 0 : i32
        %dma_start3A_675 = arith.constant 0 : i32
        %dma_start3A_676 = tpu.memref_slice %arg2[%dma_start3A_674, %dma_start3A_675] : memref<40000x128xf32, #tpu.memory_space<hbm>> -> memref<40000x128xf32, #tpu.memory_space<hbm>>
        tpu.enqueue_indirect_dma source(%dma_start3A_676 : memref<40000x128xf32, #tpu.memory_space<hbm>>) target(%arg24 : memref<64x128xf32, #tpu.memory_space<vmem>>) offsets(%arg16 : memref<64xi32, #tpu.memory_space<vmem>>) semaphore(%arg33 : memref<!tpu.dma_semaphore, #tpu.memory_space<semaphore_mem>>)
      } else {
      }
      %mul3A_547 = arith.constant 6 : i32
      %mul3A_548 = arith.muli %add3A_426, %mul3A_547 : i32
      %add3A_549 = arith.constant 5 : i32
      %add3A_550 = arith.addi %mul3A_548, %add3A_549 : i32
      %dma_wait3A_551 = arith.constant 0 : i32
      %dma_wait3A_552 = arith.constant 0 : i32
      %dma_wait3A_553 = tpu.memref_slice %arg2[%dma_wait3A_551, %dma_wait3A_552] : memref<40000x128xf32, #tpu.memory_space<hbm>> -> memref<40000x128xf32, #tpu.memory_space<hbm>>
      tpu.wait_indirect_dma semaphore(%arg36 : memref<!tpu.dma_semaphore, #tpu.memory_space<semaphore_mem>>) src(%dma_wait3A_553 : memref<40000x128xf32, #tpu.memory_space<hbm>>) dst(%arg27 : memref<64x128xf32, #tpu.memory_space<vmem>>)
      %dma_start3A_554 = arith.constant 0 : i32
      %dma_start3A_555 = arith.constant 0 : i32
      %dma_start3A_556 = tpu.memref_slice %arg29[%dma_start3A_554, %dma_start3A_555] : memref<10240x128xf32, #tpu.memory_space<vmem_shared>> -> memref<10240x128xf32, #tpu.memory_space<vmem_shared>>
      tpu.enqueue_indirect_dma source(%arg27 : memref<64x128xf32, #tpu.memory_space<vmem>>) target(%dma_start3A_556 : memref<10240x128xf32, #tpu.memory_space<vmem_shared>>) offsets(%arg23 : memref<64xi32, #tpu.memory_space<vmem>>) semaphore(%arg40 : memref<!tpu.dma_semaphore, #tpu.memory_space<semaphore_mem>>) {add = true}
      %dma_start3A_557 = arith.constant 0 : i32
      %dma_start3A_558 = tpu.memref_slice %arg30[%dma_start3A_557] : memref<10240xf32, #tpu.memory_space<vmem_shared>> -> memref<10240xf32, #tpu.memory_space<vmem_shared>>
      tpu.enqueue_indirect_dma source(%arg28 : memref<64xf32, #tpu.memory_space<vmem>>) target(%dma_start3A_558 : memref<10240xf32, #tpu.memory_space<vmem_shared>>) offsets(%arg23 : memref<64xi32, #tpu.memory_space<vmem>>) semaphore(%arg40 : memref<!tpu.dma_semaphore, #tpu.memory_space<semaphore_mem>>) {add = true}
      %ge3A_559 = arith.constant 2 : i32
      %ge3A_560 = arith.cmpi sge, %add3A_550, %ge3A_559 : i32
      %convert_element_type3A_561 = arith.extui %ge3A_560 : i1 to i32
      %cond3A_562 = arith.constant 0 : i32
      %cond3A_563 = arith.cmpi ne, %convert_element_type3A_561, %cond3A_562 : i32
      scf.if %cond3A_563 {
        %dma_wait3A_579 = arith.constant 0 : i32
        %dma_wait3A_580 = arith.constant 0 : i32
        %dma_wait3A_581 = tpu.memref_slice %arg29[%dma_wait3A_579, %dma_wait3A_580] : memref<10240x128xf32, #tpu.memory_space<vmem_shared>> -> memref<10240x128xf32, #tpu.memory_space<vmem_shared>>
        tpu.wait_indirect_dma semaphore(%arg38 : memref<!tpu.dma_semaphore, #tpu.memory_space<semaphore_mem>>) src(%arg25 : memref<64x128xf32, #tpu.memory_space<vmem>>) dst(%dma_wait3A_581 : memref<10240x128xf32, #tpu.memory_space<vmem_shared>>)
        %dma_wait3A_582 = arith.constant 0 : i32
        %dma_wait3A_583 = tpu.memref_slice %arg30[%dma_wait3A_582] : memref<10240xf32, #tpu.memory_space<vmem_shared>> -> memref<10240xf32, #tpu.memory_space<vmem_shared>>
        tpu.wait_indirect_dma semaphore(%arg38 : memref<!tpu.dma_semaphore, #tpu.memory_space<semaphore_mem>>) src(%arg28 : memref<64xf32, #tpu.memory_space<vmem>>) dst(%dma_wait3A_583 : memref<10240xf32, #tpu.memory_space<vmem_shared>>)
      } else {
      }
      %add3A_564 = arith.constant 2 : i32
      %add3A_565 = arith.addi %add3A_550, %add3A_564 : i32
      %lt3A_566 = arith.constant 156 : i32
      %lt3A_567 = arith.cmpi slt, %add3A_565, %lt3A_566 : i32
      %convert_element_type3A_568 = arith.extui %lt3A_567 : i1 to i32
      %cond3A_569 = arith.constant 0 : i32
      %cond3A_570 = arith.cmpi ne, %convert_element_type3A_568, %cond3A_569 : i32
      scf.if %cond3A_570 {
        %get3A_579 = arith.constant 64 : index
        %get3A_580 = tpu.vector_load %arg12[%get3A_579] {strides = array<i32>} : memref<384xi32, #tpu.memory_space<vmem>>, vector<16xi32>,
        %get3A_581 = vector.shape_cast %get3A_580 : vector<16xi32> to vector<16xi32>
        %mul3A_582 = arith.constant 10000 : i32
        %mul3A_583 = vector.broadcast %mul3A_582 : i32 to vector<16xi32>
        %mul3A_584 = arith.muli %get3A_581, %mul3A_583 : vector<16xi32>
        %get3A_585 = arith.constant 64 : index
        %get3A_586 = tpu.vector_load %arg10[%get3A_585] {strides = array<i32>} : memref<384xi32, #tpu.memory_space<vmem>>, vector<16xi32>,
        %get3A_587 = vector.shape_cast %get3A_586 : vector<16xi32> to vector<16xi32>
        %add3A_588 = arith.addi %mul3A_584, %get3A_587 : vector<16xi32>
        %swap3A_589 = arith.constant 0 : index
        %swap3A_590 = tpu.vector_load %arg17[%swap3A_589] {strides = array<i32>} : memref<64xi32, #tpu.memory_space<vmem>>, vector<16xi32>,
        %swap3A_591 = vector.shape_cast %swap3A_590 : vector<16xi32> to vector<16xi32>
        %swap3A_592 = vector.shape_cast %add3A_588 : vector<16xi32> to vector<16xi32>
        tpu.vector_store %arg17[%swap3A_589], %swap3A_592 {strides = array<i32>} : memref<64xi32, #tpu.memory_space<vmem>>, vector<16xi32>,
        %get3A_593 = arith.constant 80 : index
        %get3A_594 = tpu.vector_load %arg12[%get3A_593] {strides = array<i32>} : memref<384xi32, #tpu.memory_space<vmem>>, vector<16xi32>,
        %get3A_595 = vector.shape_cast %get3A_594 : vector<16xi32> to vector<16xi32>
        %mul3A_596 = arith.constant 10000 : i32
        %mul3A_597 = vector.broadcast %mul3A_596 : i32 to vector<16xi32>
        %mul3A_598 = arith.muli %get3A_595, %mul3A_597 : vector<16xi32>
        %get3A_599 = arith.constant 80 : index
        %get3A_600 = tpu.vector_load %arg10[%get3A_599] {strides = array<i32>} : memref<384xi32, #tpu.memory_space<vmem>>, vector<16xi32>,
        %get3A_601 = vector.shape_cast %get3A_600 : vector<16xi32> to vector<16xi32>
        %add3A_602 = arith.addi %mul3A_598, %get3A_601 : vector<16xi32>
        %swap3A_603 = arith.constant 16 : index
        %swap3A_604 = tpu.vector_load %arg17[%swap3A_603] {strides = array<i32>} : memref<64xi32, #tpu.memory_space<vmem>>, vector<16xi32>,
        %swap3A_605 = vector.shape_cast %swap3A_604 : vector<16xi32> to vector<16xi32>
        %swap3A_606 = vector.shape_cast %add3A_602 : vector<16xi32> to vector<16xi32>
        tpu.vector_store %arg17[%swap3A_603], %swap3A_606 {strides = array<i32>} : memref<64xi32, #tpu.memory_space<vmem>>, vector<16xi32>,
        %get3A_607 = arith.constant 96 : index
        %get3A_608 = tpu.vector_load %arg12[%get3A_607] {strides = array<i32>} : memref<384xi32, #tpu.memory_space<vmem>>, vector<16xi32>,
        %get3A_609 = vector.shape_cast %get3A_608 : vector<16xi32> to vector<16xi32>
        %mul3A_610 = arith.constant 10000 : i32
        %mul3A_611 = vector.broadcast %mul3A_610 : i32 to vector<16xi32>
        %mul3A_612 = arith.muli %get3A_609, %mul3A_611 : vector<16xi32>
        %get3A_613 = arith.constant 96 : index
        %get3A_614 = tpu.vector_load %arg10[%get3A_613] {strides = array<i32>} : memref<384xi32, #tpu.memory_space<vmem>>, vector<16xi32>,
        %get3A_615 = vector.shape_cast %get3A_614 : vector<16xi32> to vector<16xi32>
        %add3A_616 = arith.addi %mul3A_612, %get3A_615 : vector<16xi32>
        %swap3A_617 = arith.constant 32 : index
        %swap3A_618 = tpu.vector_load %arg17[%swap3A_617] {strides = array<i32>} : memref<64xi32, #tpu.memory_space<vmem>>, vector<16xi32>,
        %swap3A_619 = vector.shape_cast %swap3A_618 : vector<16xi32> to vector<16xi32>
        %swap3A_620 = vector.shape_cast %add3A_616 : vector<16xi32> to vector<16xi32>
        tpu.vector_store %arg17[%swap3A_617], %swap3A_620 {strides = array<i32>} : memref<64xi32, #tpu.memory_space<vmem>>, vector<16xi32>,
        %get3A_621 = arith.constant 112 : index
        %get3A_622 = tpu.vector_load %arg12[%get3A_621] {strides = array<i32>} : memref<384xi32, #tpu.memory_space<vmem>>, vector<16xi32>,
        %get3A_623 = vector.shape_cast %get3A_622 : vector<16xi32> to vector<16xi32>
        %mul3A_624 = arith.constant 10000 : i32
        %mul3A_625 = vector.broadcast %mul3A_624 : i32 to vector<16xi32>
        %mul3A_626 = arith.muli %get3A_623, %mul3A_625 : vector<16xi32>
        %get3A_627 = arith.constant 112 : index
        %get3A_628 = tpu.vector_load %arg10[%get3A_627] {strides = array<i32>} : memref<384xi32, #tpu.memory_space<vmem>>, vector<16xi32>,
        %get3A_629 = vector.shape_cast %get3A_628 : vector<16xi32> to vector<16xi32>
        %add3A_630 = arith.addi %mul3A_626, %get3A_629 : vector<16xi32>
        %swap3A_631 = arith.constant 48 : index
        %swap3A_632 = tpu.vector_load %arg17[%swap3A_631] {strides = array<i32>} : memref<64xi32, #tpu.memory_space<vmem>>, vector<16xi32>,
        %swap3A_633 = vector.shape_cast %swap3A_632 : vector<16xi32> to vector<16xi32>
        %swap3A_634 = vector.shape_cast %add3A_630 : vector<16xi32> to vector<16xi32>
        tpu.vector_store %arg17[%swap3A_631], %swap3A_634 {strides = array<i32>} : memref<64xi32, #tpu.memory_space<vmem>>, vector<16xi32>,
        %get3A_635 = arith.constant 64 : index
        %get3A_636 = tpu.vector_load %arg14[%get3A_635] {strides = array<i32>} : memref<384xi32, #tpu.memory_space<vmem>>, vector<16xi32>,
        %get3A_637 = vector.shape_cast %get3A_636 : vector<16xi32> to vector<16xi32>
        %swap3A_638 = arith.constant 0 : index
        %swap3A_639 = tpu.vector_load %arg21[%swap3A_638] {strides = array<i32>} : memref<64xi32, #tpu.memory_space<vmem>>, vector<16xi32>,
        %swap3A_640 = vector.shape_cast %swap3A_639 : vector<16xi32> to vector<16xi32>
        %swap3A_641 = vector.shape_cast %get3A_637 : vector<16xi32> to vector<16xi32>
        tpu.vector_store %arg21[%swap3A_638], %swap3A_641 {strides = array<i32>} : memref<64xi32, #tpu.memory_space<vmem>>, vector<16xi32>,
        %get3A_642 = arith.constant 80 : index
        %get3A_643 = tpu.vector_load %arg14[%get3A_642] {strides = array<i32>} : memref<384xi32, #tpu.memory_space<vmem>>, vector<16xi32>,
        %get3A_644 = vector.shape_cast %get3A_643 : vector<16xi32> to vector<16xi32>
        %swap3A_645 = arith.constant 16 : index
        %swap3A_646 = tpu.vector_load %arg21[%swap3A_645] {strides = array<i32>} : memref<64xi32, #tpu.memory_space<vmem>>, vector<16xi32>,
        %swap3A_647 = vector.shape_cast %swap3A_646 : vector<16xi32> to vector<16xi32>
        %swap3A_648 = vector.shape_cast %get3A_644 : vector<16xi32> to vector<16xi32>
        tpu.vector_store %arg21[%swap3A_645], %swap3A_648 {strides = array<i32>} : memref<64xi32, #tpu.memory_space<vmem>>, vector<16xi32>,
        %get3A_649 = arith.constant 96 : index
        %get3A_650 = tpu.vector_load %arg14[%get3A_649] {strides = array<i32>} : memref<384xi32, #tpu.memory_space<vmem>>, vector<16xi32>,
        %get3A_651 = vector.shape_cast %get3A_650 : vector<16xi32> to vector<16xi32>
        %swap3A_652 = arith.constant 32 : index
        %swap3A_653 = tpu.vector_load %arg21[%swap3A_652] {strides = array<i32>} : memref<64xi32, #tpu.memory_space<vmem>>, vector<16xi32>,
        %swap3A_654 = vector.shape_cast %swap3A_653 : vector<16xi32> to vector<16xi32>
        %swap3A_655 = vector.shape_cast %get3A_651 : vector<16xi32> to vector<16xi32>
        tpu.vector_store %arg21[%swap3A_652], %swap3A_655 {strides = array<i32>} : memref<64xi32, #tpu.memory_space<vmem>>, vector<16xi32>,
        %get3A_656 = arith.constant 112 : index
        %get3A_657 = tpu.vector_load %arg14[%get3A_656] {strides = array<i32>} : memref<384xi32, #tpu.memory_space<vmem>>, vector<16xi32>,
        %get3A_658 = vector.shape_cast %get3A_657 : vector<16xi32> to vector<16xi32>
        %swap3A_659 = arith.constant 48 : index
        %swap3A_660 = tpu.vector_load %arg21[%swap3A_659] {strides = array<i32>} : memref<64xi32, #tpu.memory_space<vmem>>, vector<16xi32>,
        %swap3A_661 = vector.shape_cast %swap3A_660 : vector<16xi32> to vector<16xi32>
        %swap3A_662 = vector.shape_cast %get3A_658 : vector<16xi32> to vector<16xi32>
        tpu.vector_store %arg21[%swap3A_659], %swap3A_662 {strides = array<i32>} : memref<64xi32, #tpu.memory_space<vmem>>, vector<16xi32>,
        %dma_start3A_663 = arith.constant 0 : i32
        %dma_start3A_664 = arith.constant 0 : i32
        %dma_start3A_665 = tpu.memref_slice %arg2[%dma_start3A_663, %dma_start3A_664] : memref<40000x128xf32, #tpu.memory_space<hbm>> -> memref<40000x128xf32, #tpu.memory_space<hbm>>
        tpu.enqueue_indirect_dma source(%dma_start3A_665 : memref<40000x128xf32, #tpu.memory_space<hbm>>) target(%arg25 : memref<64x128xf32, #tpu.memory_space<vmem>>) offsets(%arg17 : memref<64xi32, #tpu.memory_space<vmem>>) semaphore(%arg34 : memref<!tpu.dma_semaphore, #tpu.memory_space<semaphore_mem>>)
      } else {
      }
      %add3A_571 = arith.constant 2 : i32
      %add3A_572 = arith.addi %add3A_426, %add3A_571 : i32
      %lt3A_573 = arith.constant 26 : i32
      %lt3A_574 = arith.cmpi slt, %add3A_572, %lt3A_573 : i32
      %convert_element_type3A_575 = arith.extui %lt3A_574 : i1 to i32
      %cond3A_576 = arith.constant 0 : i32
      %cond3A_577 = arith.cmpi ne, %convert_element_type3A_575, %cond3A_576 : i32
      scf.if %cond3A_577 {
        %add3A_579 = arith.constant 2 : i32
        %add3A_580 = arith.addi %add3A_426, %add3A_579 : i32
        %mul3A_581 = arith.constant 384 : i32
        %mul3A_582 = arith.muli %add3A_580, %mul3A_581 : i32
        %add3A_583 = arith.addi %mul3A_2, %mul3A_582 : i32
        %dma_start3A_584 = tpu.memref_slice %arg3[%add3A_583] : memref<320000xi32, #tpu.memory_space<hbm>> -> memref<384xi32, #tpu.memory_space<hbm>>
        %dma_start3A_585 = tpu.memref_slice %arg3[%add3A_583] : memref<320000xi32, #tpu.memory_space<hbm>> -> memref<384xi32, #tpu.memory_space<hbm>>
        tpu.enqueue_dma source(%dma_start3A_585 : memref<384xi32, #tpu.memory_space<hbm>>) target(%arg11 : memref<384xi32, #tpu.memory_space<vmem>>) target_semaphore(%arg32 : memref<!tpu.dma_semaphore, #tpu.memory_space<semaphore_mem>>)
        %dma_start3A_586 = tpu.memref_slice %arg4[%add3A_583] : memref<320000xi32, #tpu.memory_space<hbm>> -> memref<384xi32, #tpu.memory_space<hbm>>
        %dma_start3A_587 = tpu.memref_slice %arg4[%add3A_583] : memref<320000xi32, #tpu.memory_space<hbm>> -> memref<384xi32, #tpu.memory_space<hbm>>
        tpu.enqueue_dma source(%dma_start3A_587 : memref<384xi32, #tpu.memory_space<hbm>>) target(%arg13 : memref<384xi32, #tpu.memory_space<vmem>>) target_semaphore(%arg32 : memref<!tpu.dma_semaphore, #tpu.memory_space<semaphore_mem>>)
        %dma_start3A_588 = tpu.memref_slice %arg5[%add3A_583] : memref<320000xi32, #tpu.memory_space<hbm>> -> memref<384xi32, #tpu.memory_space<hbm>>
        %dma_start3A_589 = tpu.memref_slice %arg5[%add3A_583] : memref<320000xi32, #tpu.memory_space<hbm>> -> memref<384xi32, #tpu.memory_space<hbm>>
        tpu.enqueue_dma source(%dma_start3A_589 : memref<384xi32, #tpu.memory_space<hbm>>) target(%arg15 : memref<384xi32, #tpu.memory_space<vmem>>) target_semaphore(%arg32 : memref<!tpu.dma_semaphore, #tpu.memory_space<semaphore_mem>>)
      } else {
      }
      %scan3A_578 = arith.constant 0 : i32
      scf.yield %scan3A_578 : i32
    }
    %scan3A_217 = arith.constant 13 : i32
    %dma_wait3A_218 = arith.constant 0 : i32
    %dma_wait3A_219 = arith.constant 0 : i32
    %dma_wait3A_220 = tpu.memref_slice %arg29[%dma_wait3A_218, %dma_wait3A_219] : memref<10240x128xf32, #tpu.memory_space<vmem_shared>> -> memref<10240x128xf32, #tpu.memory_space<vmem_shared>>
    tpu.wait_indirect_dma semaphore(%arg39 : memref<!tpu.dma_semaphore, #tpu.memory_space<semaphore_mem>>) src(%arg26 : memref<64x128xf32, #tpu.memory_space<vmem>>) dst(%dma_wait3A_220 : memref<10240x128xf32, #tpu.memory_space<vmem_shared>>)
    %dma_wait3A_221 = arith.constant 0 : i32
    %dma_wait3A_222 = tpu.memref_slice %arg30[%dma_wait3A_221] : memref<10240xf32, #tpu.memory_space<vmem_shared>> -> memref<10240xf32, #tpu.memory_space<vmem_shared>>
    tpu.wait_indirect_dma semaphore(%arg39 : memref<!tpu.dma_semaphore, #tpu.memory_space<semaphore_mem>>) src(%arg28 : memref<64xf32, #tpu.memory_space<vmem>>) dst(%dma_wait3A_222 : memref<10240xf32, #tpu.memory_space<vmem_shared>>)
    %dma_wait3A_223 = arith.constant 0 : i32
    %dma_wait3A_224 = arith.constant 0 : i32
    %dma_wait3A_225 = tpu.memref_slice %arg29[%dma_wait3A_223, %dma_wait3A_224] : memref<10240x128xf32, #tpu.memory_space<vmem_shared>> -> memref<10240x128xf32, #tpu.memory_space<vmem_shared>>
    tpu.wait_indirect_dma semaphore(%arg40 : memref<!tpu.dma_semaphore, #tpu.memory_space<semaphore_mem>>) src(%arg27 : memref<64x128xf32, #tpu.memory_space<vmem>>) dst(%dma_wait3A_225 : memref<10240x128xf32, #tpu.memory_space<vmem_shared>>)
    %dma_wait3A_226 = arith.constant 0 : i32
    %dma_wait3A_227 = tpu.memref_slice %arg30[%dma_wait3A_226] : memref<10240xf32, #tpu.memory_space<vmem_shared>> -> memref<10240xf32, #tpu.memory_space<vmem_shared>>
    tpu.wait_indirect_dma semaphore(%arg40 : memref<!tpu.dma_semaphore, #tpu.memory_space<semaphore_mem>>) src(%arg28 : memref<64xf32, #tpu.memory_space<vmem>>) dst(%dma_wait3A_227 : memref<10240xf32, #tpu.memory_space<vmem_shared>>)
    %add3A_228 = arith.constant 9984 : i32
    %add3A_229 = arith.addi %mul3A_2, %add3A_228 : i32
    "tpu.region"() ({
      %run_scoped3A = tpu.sem_alloc : memref<!tpu.dma_semaphore, #tpu.memory_space<semaphore_mem>>
      %dma_start3A_270 = tpu.memref_slice %arg3[%add3A_229] : memref<320000xi32, #tpu.memory_space<hbm>> -> memref<16xi32, #tpu.memory_space<hbm>>
      %dma_start3A_271 = tpu.memref_slice %arg3[%add3A_229] : memref<320000xi32, #tpu.memory_space<hbm>> -> memref<16xi32, #tpu.memory_space<hbm>>
      tpu.enqueue_dma source(%dma_start3A_271 : memref<16xi32, #tpu.memory_space<hbm>>) target(%arg42 : memref<16xi32, #tpu.memory_space<vmem>>) target_semaphore(%run_scoped3A : memref<!tpu.dma_semaphore, #tpu.memory_space<semaphore_mem>>)
      %dma_wait3A_272 = tpu.memref_slice %arg3[%add3A_229] : memref<320000xi32, #tpu.memory_space<hbm>> -> memref<16xi32, #tpu.memory_space<hbm>>
      %dma_wait3A_273 = tpu.memref_slice %arg3[%add3A_229] : memref<320000xi32, #tpu.memory_space<hbm>> -> memref<16xi32, #tpu.memory_space<hbm>>
      tpu.wait_dma2 semaphore(%run_scoped3A : memref<!tpu.dma_semaphore, #tpu.memory_space<semaphore_mem>>) src(%dma_wait3A_273 : memref<16xi32, #tpu.memory_space<hbm>>) dst(%arg42 : memref<16xi32, #tpu.memory_space<vmem>>)
      tpu.yield
    }) : () -> ()
    "tpu.region"() ({
      %run_scoped3A = tpu.sem_alloc : memref<!tpu.dma_semaphore, #tpu.memory_space<semaphore_mem>>
      %dma_start3A_270 = tpu.memref_slice %arg4[%add3A_229] : memref<320000xi32, #tpu.memory_space<hbm>> -> memref<16xi32, #tpu.memory_space<hbm>>
      %dma_start3A_271 = tpu.memref_slice %arg4[%add3A_229] : memref<320000xi32, #tpu.memory_space<hbm>> -> memref<16xi32, #tpu.memory_space<hbm>>
      tpu.enqueue_dma source(%dma_start3A_271 : memref<16xi32, #tpu.memory_space<hbm>>) target(%arg43 : memref<16xi32, #tpu.memory_space<vmem>>) target_semaphore(%run_scoped3A : memref<!tpu.dma_semaphore, #tpu.memory_space<semaphore_mem>>)
      %dma_wait3A_272 = tpu.memref_slice %arg4[%add3A_229] : memref<320000xi32, #tpu.memory_space<hbm>> -> memref<16xi32, #tpu.memory_space<hbm>>
      %dma_wait3A_273 = tpu.memref_slice %arg4[%add3A_229] : memref<320000xi32, #tpu.memory_space<hbm>> -> memref<16xi32, #tpu.memory_space<hbm>>
      tpu.wait_dma2 semaphore(%run_scoped3A : memref<!tpu.dma_semaphore, #tpu.memory_space<semaphore_mem>>) src(%dma_wait3A_273 : memref<16xi32, #tpu.memory_space<hbm>>) dst(%arg43 : memref<16xi32, #tpu.memory_space<vmem>>)
      tpu.yield
    }) : () -> ()
    "tpu.region"() ({
      %run_scoped3A = tpu.sem_alloc : memref<!tpu.dma_semaphore, #tpu.memory_space<semaphore_mem>>
      %dma_start3A_270 = tpu.memref_slice %arg5[%add3A_229] : memref<320000xi32, #tpu.memory_space<hbm>> -> memref<16xi32, #tpu.memory_space<hbm>>
      %dma_start3A_271 = tpu.memref_slice %arg5[%add3A_229] : memref<320000xi32, #tpu.memory_space<hbm>> -> memref<16xi32, #tpu.memory_space<hbm>>
      tpu.enqueue_dma source(%dma_start3A_271 : memref<16xi32, #tpu.memory_space<hbm>>) target(%arg45 : memref<16xi32, #tpu.memory_space<vmem>>) target_semaphore(%run_scoped3A : memref<!tpu.dma_semaphore, #tpu.memory_space<semaphore_mem>>)
      %dma_wait3A_272 = tpu.memref_slice %arg5[%add3A_229] : memref<320000xi32, #tpu.memory_space<hbm>> -> memref<16xi32, #tpu.memory_space<hbm>>
      %dma_wait3A_273 = tpu.memref_slice %arg5[%add3A_229] : memref<320000xi32, #tpu.memory_space<hbm>> -> memref<16xi32, #tpu.memory_space<hbm>>
      tpu.wait_dma2 semaphore(%run_scoped3A : memref<!tpu.dma_semaphore, #tpu.memory_space<semaphore_mem>>) src(%dma_wait3A_273 : memref<16xi32, #tpu.memory_space<hbm>>) dst(%arg45 : memref<16xi32, #tpu.memory_space<vmem>>)
      tpu.yield
    }) : () -> ()
    %scan3A_230 = arith.constant 0 : i32
    %scan3A_231 = arith.constant 0 : i32
    %mul3A_232 = arith.constant 16 : i32
    %mul3A_233 = arith.muli %scan3A_231, %mul3A_232 : i32
    %get3A_234 = arith.index_cast %mul3A_233 : i32 to index
    %get3A_235 = tpu.vector_load %arg43[%get3A_234] {strides = array<i32>} : memref<16xi32, #tpu.memory_space<vmem>>, vector<16xi32>,
    %get3A_236 = vector.shape_cast %get3A_235 : vector<16xi32> to vector<16xi32>
    %mul3A_237 = arith.constant 10000 : i32
    %mul3A_238 = vector.broadcast %mul3A_237 : i32 to vector<16xi32>
    %mul3A_239 = arith.muli %get3A_236, %mul3A_238 : vector<16xi32>
    %get3A_240 = arith.index_cast %mul3A_233 : i32 to index
    %get3A_241 = tpu.vector_load %arg42[%get3A_240] {strides = array<i32>} : memref<16xi32, #tpu.memory_space<vmem>>, vector<16xi32>,
    %get3A_242 = vector.shape_cast %get3A_241 : vector<16xi32> to vector<16xi32>
    %add3A_243 = arith.addi %mul3A_239, %get3A_242 : vector<16xi32>
    %swap3A_244 = arith.index_cast %mul3A_233 : i32 to index
    %swap3A_245 = tpu.vector_load %arg44[%swap3A_244] {strides = array<i32>} : memref<16xi32, #tpu.memory_space<vmem>>, vector<16xi32>,
    %swap3A_246 = vector.shape_cast %swap3A_245 : vector<16xi32> to vector<16xi32>
    %swap3A_247 = vector.shape_cast %add3A_243 : vector<16xi32> to vector<16xi32>
    tpu.vector_store %arg44[%swap3A_244], %swap3A_247 {strides = array<i32>} : memref<16xi32, #tpu.memory_space<vmem>>, vector<16xi32>,
    %broadcast_in_dim3A = arith.constant 1.000000e+00 : f32
    %broadcast_in_dim3A_248 = vector.broadcast %broadcast_in_dim3A : f32 to vector<16xf32>
    %swap3A_249 = arith.index_cast %mul3A_233 : i32 to index
    %swap3A_250 = tpu.vector_load %arg47[%swap3A_249] {strides = array<i32>} : memref<16xf32, #tpu.memory_space<vmem>>, vector<16xf32>,
    %swap3A_251 = vector.shape_cast %swap3A_250 : vector<16xf32> to vector<16xf32>
    %swap3A_252 = vector.shape_cast %broadcast_in_dim3A_248 : vector<16xf32> to vector<16xf32>
    tpu.vector_store %arg47[%swap3A_249], %swap3A_252 {strides = array<i32>} : memref<16xf32, #tpu.memory_space<vmem>>, vector<16xf32>,
    %scan3A_253 = arith.constant 0 : i32
    %scan3A_254 = arith.constant 1 : i32
    %dma_start3A_255 = arith.constant 0 : i32
    %dma_start3A_256 = arith.constant 0 : i32
    %dma_start3A_257 = tpu.memref_slice %arg2[%dma_start3A_255, %dma_start3A_256] : memref<40000x128xf32, #tpu.memory_space<hbm>> -> memref<40000x128xf32, #tpu.memory_space<hbm>>
    tpu.enqueue_indirect_dma source(%dma_start3A_257 : memref<40000x128xf32, #tpu.memory_space<hbm>>) target(%arg46 : memref<16x128xf32, #tpu.memory_space<vmem>>) offsets(%arg44 : memref<16xi32, #tpu.memory_space<vmem>>) semaphore(%arg41 : memref<!tpu.dma_semaphore, #tpu.memory_space<semaphore_mem>>)
    %dma_wait3A_258 = arith.constant 0 : i32
    %dma_wait3A_259 = arith.constant 0 : i32
    %dma_wait3A_260 = tpu.memref_slice %arg2[%dma_wait3A_258, %dma_wait3A_259] : memref<40000x128xf32, #tpu.memory_space<hbm>> -> memref<40000x128xf32, #tpu.memory_space<hbm>>
    tpu.wait_indirect_dma semaphore(%arg41 : memref<!tpu.dma_semaphore, #tpu.memory_space<semaphore_mem>>) src(%dma_wait3A_260 : memref<40000x128xf32, #tpu.memory_space<hbm>>) dst(%arg46 : memref<16x128xf32, #tpu.memory_space<vmem>>)
    "tpu.region"() ({
      %run_scoped3A = tpu.sem_alloc : memref<!tpu.dma_semaphore, #tpu.memory_space<semaphore_mem>>
      %dma_start3A_270 = arith.constant 0 : i32
      %dma_start3A_271 = arith.constant 0 : i32
      %dma_start3A_272 = tpu.memref_slice %arg29[%dma_start3A_270, %dma_start3A_271] : memref<10240x128xf32, #tpu.memory_space<vmem_shared>> -> memref<10240x128xf32, #tpu.memory_space<vmem_shared>>
      tpu.enqueue_indirect_dma source(%arg46 : memref<16x128xf32, #tpu.memory_space<vmem>>) target(%dma_start3A_272 : memref<10240x128xf32, #tpu.memory_space<vmem_shared>>) offsets(%arg45 : memref<16xi32, #tpu.memory_space<vmem>>) semaphore(%run_scoped3A : memref<!tpu.dma_semaphore, #tpu.memory_space<semaphore_mem>>) {add = true}
      %dma_wait3A_273 = arith.constant 0 : i32
      %dma_wait3A_274 = arith.constant 0 : i32
      %dma_wait3A_275 = tpu.memref_slice %arg29[%dma_wait3A_273, %dma_wait3A_274] : memref<10240x128xf32, #tpu.memory_space<vmem_shared>> -> memref<10240x128xf32, #tpu.memory_space<vmem_shared>>
      tpu.wait_indirect_dma semaphore(%run_scoped3A : memref<!tpu.dma_semaphore, #tpu.memory_space<semaphore_mem>>) src(%arg46 : memref<16x128xf32, #tpu.memory_space<vmem>>) dst(%dma_wait3A_275 : memref<10240x128xf32, #tpu.memory_space<vmem_shared>>)
      tpu.yield
    }) : () -> ()
    "tpu.region"() ({
      %run_scoped3A = tpu.sem_alloc : memref<!tpu.dma_semaphore, #tpu.memory_space<semaphore_mem>>
      %dma_start3A_270 = arith.constant 0 : i32
      %dma_start3A_271 = tpu.memref_slice %arg30[%dma_start3A_270] : memref<10240xf32, #tpu.memory_space<vmem_shared>> -> memref<10240xf32, #tpu.memory_space<vmem_shared>>
      tpu.enqueue_indirect_dma source(%arg47 : memref<16xf32, #tpu.memory_space<vmem>>) target(%dma_start3A_271 : memref<10240xf32, #tpu.memory_space<vmem_shared>>) offsets(%arg45 : memref<16xi32, #tpu.memory_space<vmem>>) semaphore(%run_scoped3A : memref<!tpu.dma_semaphore, #tpu.memory_space<semaphore_mem>>) {add = true}
      %dma_wait3A_272 = arith.constant 0 : i32
      %dma_wait3A_273 = tpu.memref_slice %arg30[%dma_wait3A_272] : memref<10240xf32, #tpu.memory_space<vmem_shared>> -> memref<10240xf32, #tpu.memory_space<vmem_shared>>
      tpu.wait_indirect_dma semaphore(%run_scoped3A : memref<!tpu.dma_semaphore, #tpu.memory_space<semaphore_mem>>) src(%arg47 : memref<16xf32, #tpu.memory_space<vmem>>) dst(%dma_wait3A_273 : memref<10240xf32, #tpu.memory_space<vmem_shared>>)
      tpu.yield
    }) : () -> ()
    %barrier3A_261 = arith.constant 0 : index
    tpu.barrier barrier_id(%barrier3A_261)
    %mul3A_262 = arith.constant 640 : i32
    %mul3A_263 = arith.muli %arg1, %mul3A_262 : i32
    %mul3A_264 = arith.constant 640 : i32
    %mul3A_265 = arith.muli %arg1, %mul3A_264 : i32
    "tpu.region"() ({
      %run_scoped3A = tpu.sem_alloc : memref<!tpu.dma_semaphore, #tpu.memory_space<semaphore_mem>>
      %dma_start3A_270 = arith.constant 0 : i32
      %dma_start3A_271 = arith.constant 0 : i32
      %dma_start3A_272 = tpu.memref_slice %arg8[%arg0, %dma_start3A_270, %dma_start3A_271] : memref<2x10240x128xf32, #tpu.memory_space<hbm>> -> memref<1x10240x128xf32, #tpu.memory_space<hbm>>
      %dma_start3A_273 = tpu.memref_squeeze %dma_start3A_272 : memref<1x10240x128xf32, #tpu.memory_space<hbm>> -> memref<10240x128xf32, #tpu.memory_space<hbm>>
      %dma_start3A_274 = arith.constant 0 : i32
      %dma_start3A_275 = tpu.memref_slice %dma_start3A_273[%mul3A_265, %dma_start3A_274] : memref<10240x128xf32, #tpu.memory_space<hbm>> -> memref<640x128xf32, #tpu.memory_space<hbm>>
      %dma_start3A_276 = arith.constant 0 : i32
      %dma_start3A_277 = tpu.memref_slice %arg29[%mul3A_263, %dma_start3A_276] : memref<10240x128xf32, #tpu.memory_space<vmem_shared>> -> memref<640x128xf32, #tpu.memory_space<vmem_shared>>
      tpu.enqueue_dma source(%dma_start3A_277 : memref<640x128xf32, #tpu.memory_space<vmem_shared>>) target(%dma_start3A_275 : memref<640x128xf32, #tpu.memory_space<hbm>>) target_semaphore(%run_scoped3A : memref<!tpu.dma_semaphore, #tpu.memory_space<semaphore_mem>>)
      %dma_wait3A_278 = arith.constant 0 : i32
      %dma_wait3A_279 = arith.constant 0 : i32
      %dma_wait3A_280 = tpu.memref_slice %arg8[%arg0, %dma_wait3A_278, %dma_wait3A_279] : memref<2x10240x128xf32, #tpu.memory_space<hbm>> -> memref<1x10240x128xf32, #tpu.memory_space<hbm>>
      %dma_wait3A_281 = tpu.memref_squeeze %dma_wait3A_280 : memref<1x10240x128xf32, #tpu.memory_space<hbm>> -> memref<10240x128xf32, #tpu.memory_space<hbm>>
      %dma_wait3A_282 = arith.constant 0 : i32
      %dma_wait3A_283 = tpu.memref_slice %dma_wait3A_281[%mul3A_265, %dma_wait3A_282] : memref<10240x128xf32, #tpu.memory_space<hbm>> -> memref<640x128xf32, #tpu.memory_space<hbm>>
      %dma_wait3A_284 = arith.constant 0 : i32
      %dma_wait3A_285 = tpu.memref_slice %arg29[%mul3A_263, %dma_wait3A_284] : memref<10240x128xf32, #tpu.memory_space<vmem_shared>> -> memref<640x128xf32, #tpu.memory_space<vmem_shared>>
      tpu.wait_dma2 semaphore(%run_scoped3A : memref<!tpu.dma_semaphore, #tpu.memory_space<semaphore_mem>>) src(%dma_wait3A_285 : memref<640x128xf32, #tpu.memory_space<vmem_shared>>) dst(%dma_wait3A_283 : memref<640x128xf32, #tpu.memory_space<hbm>>)
      tpu.yield
    }) : () -> ()
    %mul3A_266 = arith.constant 640 : i32
    %mul3A_267 = arith.muli %arg1, %mul3A_266 : i32
    %mul3A_268 = arith.constant 640 : i32
    %mul3A_269 = arith.muli %arg1, %mul3A_268 : i32
    "tpu.region"() ({
      %run_scoped3A = tpu.sem_alloc : memref<!tpu.dma_semaphore, #tpu.memory_space<semaphore_mem>>
      %dma_start3A_270 = arith.constant 0 : i32
      %dma_start3A_271 = tpu.memref_slice %arg9[%arg0, %dma_start3A_270] : memref<2x10240xf32, #tpu.memory_space<hbm>> -> memref<1x10240xf32, #tpu.memory_space<hbm>>
      %dma_start3A_272 = tpu.memref_squeeze %dma_start3A_271 : memref<1x10240xf32, #tpu.memory_space<hbm>> -> memref<10240xf32, #tpu.memory_space<hbm>>
      %dma_start3A_273 = tpu.memref_slice %dma_start3A_272[%mul3A_269] : memref<10240xf32, #tpu.memory_space<hbm>> -> memref<640xf32, #tpu.memory_space<hbm>>
      %dma_start3A_274 = tpu.memref_slice %arg30[%mul3A_267] : memref<10240xf32, #tpu.memory_space<vmem_shared>> -> memref<640xf32, #tpu.memory_space<vmem_shared>>
      tpu.enqueue_dma source(%dma_start3A_274 : memref<640xf32, #tpu.memory_space<vmem_shared>>) target(%dma_start3A_273 : memref<640xf32, #tpu.memory_space<hbm>>) target_semaphore(%run_scoped3A : memref<!tpu.dma_semaphore, #tpu.memory_space<semaphore_mem>>)
      %dma_wait3A_275 = arith.constant 0 : i32
      %dma_wait3A_276 = tpu.memref_slice %arg9[%arg0, %dma_wait3A_275] : memref<2x10240xf32, #tpu.memory_space<hbm>> -> memref<1x10240xf32, #tpu.memory_space<hbm>>
      %dma_wait3A_277 = tpu.memref_squeeze %dma_wait3A_276 : memref<1x10240xf32, #tpu.memory_space<hbm>> -> memref<10240xf32, #tpu.memory_space<hbm>>
      %dma_wait3A_278 = tpu.memref_slice %dma_wait3A_277[%mul3A_269] : memref<10240xf32, #tpu.memory_space<hbm>> -> memref<640xf32, #tpu.memory_space<hbm>>
      %dma_wait3A_279 = tpu.memref_slice %arg30[%mul3A_267] : memref<10240xf32, #tpu.memory_space<vmem_shared>> -> memref<640xf32, #tpu.memory_space<vmem_shared>>
      tpu.wait_dma2 semaphore(%run_scoped3A : memref<!tpu.dma_semaphore, #tpu.memory_space<semaphore_mem>>) src(%dma_wait3A_279 : memref<640xf32, #tpu.memory_space<vmem_shared>>) dst(%dma_wait3A_278 : memref<640xf32, #tpu.memory_space<hbm>>)
      tpu.yield
    }) : () -> ()
    return
  }
}

module attributes {stable_mosaic.version = 14 : i64} {
  func.func @body(%arg0: i32, %arg1: i32, %arg2: memref<2000x128xf32, #tpu.memory_space<vmem>>, %arg3: memref<1x128x128xf32, #tpu.memory_space<vmem>>, %arg4: memref<1x1x128xf32, #tpu.memory_space<vmem>>, %arg5: memref<1x2000x128xf32, #tpu.memory_space<vmem>>) attributes {dimension_semantics = [#tpu.dimension_semantics<arbitrary>, #tpu.dimension_semantics<arbitrary>], iteration_bounds = array<i64: 5, 4>, scalar_prefetch = 0 : i64, scratch_operands = 0 : i64, tpu.core_type = #tpu.core_type<tc>, window_params = [{transform_indices = @transform_0, window_bounds = array<i64: 2000, 128>}, {transform_indices = @transform_1, window_bounds = array<i64: 1, 128, 128>}, {transform_indices = @transform_2, window_bounds = array<i64: 1, 1, 128>}, {transform_indices = @transform_3, window_bounds = array<i64: 1, 2000, 128>}]} {
    %get3A = arith.constant 0 : index
    %get3A_0 = arith.constant 0 : index
    %get3A_1 = vector.load %arg2[%get3A, %get3A_0] : memref<2000x128xf32, #tpu.memory_space<vmem>>, vector<2000x128xf32>
    %get3A_2 = arith.constant 0 : index
    %get3A_3 = arith.constant 0 : index
    %get3A_4 = arith.constant 0 : index
    %get3A_5 = vector.load %arg3[%get3A_2, %get3A_3, %get3A_4] : memref<1x128x128xf32, #tpu.memory_space<vmem>>, vector<1x128x128xf32>
    %get3A_6 = vector.shape_cast %get3A_5 : vector<1x128x128xf32> to vector<128x128xf32>
    %dot_general3A = arith.constant dense<0.000000e+00> : vector<2000x128xf32>
    %dot_general3A_7 = tpu.matmul %get3A_1, %get3A_6, %dot_general3A {dimension_numbers = #tpu.dot_dimension_numbers<[1], [0], [0], [1], [0, 0, 1, 1], [], []>, transpose_lhs_hint = false} : vector<2000x128xf32>, vector<128x128xf32>, vector<2000x128xf32> -> vector<2000x128xf32>
    %get3A_8 = arith.constant 0 : index
    %get3A_9 = arith.constant 0 : index
    %get3A_10 = arith.constant 0 : index
    %get3A_11 = vector.load %arg4[%get3A_8, %get3A_9, %get3A_10] : memref<1x1x128xf32, #tpu.memory_space<vmem>>, vector<1x1x128xf32>
    %get3A_12 = vector.shape_cast %get3A_11 : vector<1x1x128xf32> to vector<1x128xf32>
    %add3A = vector.broadcast %get3A_12 : vector<1x128xf32> to vector<2000x128xf32>
    %add3A_13 = arith.addf %dot_general3A_7, %add3A : vector<2000x128xf32>
    %gt3A = arith.constant 0.000000e+00 : f32
    %gt3A_14 = vector.broadcast %gt3A : f32 to vector<2000x128xf32>
    %gt3A_15 = arith.cmpf ogt, %add3A_13, %gt3A_14 : vector<2000x128xf32>
    %exp3A = math.exp %add3A_13 : vector<2000x128xf32>
    %sub3A = arith.constant 1.000000e+00 : f32
    %sub3A_16 = vector.broadcast %sub3A : f32 to vector<2000x128xf32>
    %sub3A_17 = arith.subf %exp3A, %sub3A_16 : vector<2000x128xf32>
    %select_n3A = arith.select %gt3A_15, %add3A_13, %sub3A_17 : vector<2000x128xi1>, vector<2000x128xf32>
    %swap3A = arith.constant 0 : index
    %swap3A_18 = arith.constant 0 : index
    %swap3A_19 = arith.constant 0 : index
    %swap3A_20 = vector.load %arg5[%swap3A, %swap3A_18, %swap3A_19] : memref<1x2000x128xf32, #tpu.memory_space<vmem>>, vector<1x2000x128xf32>
    %swap3A_21 = vector.shape_cast %swap3A_20 : vector<1x2000x128xf32> to vector<2000x128xf32>
    %swap3A_22 = vector.shape_cast %select_n3A : vector<2000x128xf32> to vector<1x2000x128xf32>
    tpu.vector_store %arg5[%swap3A, %swap3A_18, %swap3A_19], %swap3A_22 {strides = array<i32>} : memref<1x2000x128xf32, #tpu.memory_space<vmem>>, vector<1x2000x128xf32>,
    return
  }
  func.func @transform_0(%arg0: i32, %arg1: i32) -> (i32, i32) {
    %c0_i32 = arith.constant 0 : i32
    %c0_i32_0 = arith.constant 0 : i32
    return %arg0, %c0_i32 : i32, i32
  }
  func.func @transform_1(%arg0: i32, %arg1: i32) -> (i32, i32, i32) {
    %c0_i32 = arith.constant 0 : i32
    %c0_i32_0 = arith.constant 0 : i32
    %c0_i32_1 = arith.constant 0 : i32
    return %arg1, %c0_i32, %c0_i32_0 : i32, i32, i32
  }
  func.func @transform_2(%arg0: i32, %arg1: i32) -> (i32, i32, i32) {
    %c0_i32 = arith.constant 0 : i32
    %c0_i32_0 = arith.constant 0 : i32
    %c0_i32_1 = arith.constant 0 : i32
    return %arg1, %c0_i32, %c0_i32_0 : i32, i32, i32
  }
  func.func @transform_3(%arg0: i32, %arg1: i32) -> (i32, i32, i32) {
    %c0_i32 = arith.constant 0 : i32
    %c0_i32_0 = arith.constant 0 : i32
    return %arg1, %arg0, %c0_i32 : i32, i32, i32
  }
}

module attributes {stable_mosaic.version = 14 : i64} {
  func.func @body(%arg0: i32, %arg1: memref<2x2000x128xf32, #tpu.memory_space<vmem>>, %arg2: memref<2x2000x1xf32, #tpu.memory_space<vmem>>, %arg3: memref<2000x128xf32, #tpu.memory_space<vmem>>) attributes {dimension_semantics = [#tpu.dimension_semantics<arbitrary>], iteration_bounds = array<i64: 5>, scalar_prefetch = 0 : i64, scratch_operands = 0 : i64, tpu.core_type = #tpu.core_type<tc>, window_params = [{transform_indices = @transform_0, window_bounds = array<i64: 2, 2000, 128>}, {transform_indices = @transform_1, window_bounds = array<i64: 2, 2000, 1>}, {transform_indices = @transform_2, window_bounds = array<i64: 2000, 128>}]} {
    %get3A = arith.constant 0 : index
    %get3A_0 = arith.constant 0 : index
    %get3A_1 = arith.constant 0 : index
    %get3A_2 = vector.load %arg1[%get3A, %get3A_0, %get3A_1] : memref<2x2000x128xf32, #tpu.memory_space<vmem>>, vector<1x2000x128xf32>
    %get3A_3 = vector.shape_cast %get3A_2 : vector<1x2000x128xf32> to vector<2000x128xf32>
    %get3A_4 = arith.constant 1 : index
    %get3A_5 = arith.constant 0 : index
    %get3A_6 = arith.constant 0 : index
    %get3A_7 = vector.load %arg1[%get3A_4, %get3A_5, %get3A_6] : memref<2x2000x128xf32, #tpu.memory_space<vmem>>, vector<1x2000x128xf32>
    %get3A_8 = vector.shape_cast %get3A_7 : vector<1x2000x128xf32> to vector<2000x128xf32>
    %add3A = arith.addf %get3A_3, %get3A_8 : vector<2000x128xf32>
    %get3A_9 = arith.constant 0 : index
    %get3A_10 = arith.constant 0 : index
    %get3A_11 = arith.constant 0 : index
    %get3A_12 = vector.load %arg2[%get3A_9, %get3A_10, %get3A_11] : memref<2x2000x1xf32, #tpu.memory_space<vmem>>, vector<1x2000x1xf32>
    %get3A_13 = vector.shape_cast %get3A_12 : vector<1x2000x1xf32> to vector<2000x1xf32>
    %get3A_14 = arith.constant 1 : index
    %get3A_15 = arith.constant 0 : index
    %get3A_16 = arith.constant 0 : index
    %get3A_17 = vector.load %arg2[%get3A_14, %get3A_15, %get3A_16] : memref<2x2000x1xf32, #tpu.memory_space<vmem>>, vector<1x2000x1xf32>
    %get3A_18 = vector.shape_cast %get3A_17 : vector<1x2000x1xf32> to vector<2000x1xf32>
    %add3A_19 = arith.addf %get3A_13, %get3A_18 : vector<2000x1xf32>
    %max3A = arith.constant 1.000000e+00 : f32
    %max3A_20 = vector.broadcast %max3A : f32 to vector<2000x1xf32>
    %max3A_21 = arith.maximumf %add3A_19, %max3A_20 : vector<2000x1xf32>
    %div3A = vector.broadcast %max3A_21 : vector<2000x1xf32> to vector<2000x128xf32>
    %div3A_22 = arith.divf %add3A, %div3A : vector<2000x128xf32>
    %gt3A = arith.constant 0.000000e+00 : f32
    %gt3A_23 = vector.broadcast %gt3A : f32 to vector<2000x128xf32>
    %gt3A_24 = arith.cmpf ogt, %div3A_22, %gt3A_23 : vector<2000x128xf32>
    %exp3A = math.exp %div3A_22 : vector<2000x128xf32>
    %sub3A = arith.constant 1.000000e+00 : f32
    %sub3A_25 = vector.broadcast %sub3A : f32 to vector<2000x128xf32>
    %sub3A_26 = arith.subf %exp3A, %sub3A_25 : vector<2000x128xf32>
    %select_n3A = arith.select %gt3A_24, %div3A_22, %sub3A_26 : vector<2000x128xi1>, vector<2000x128xf32>
    %swap3A = arith.constant 0 : index
    %swap3A_27 = arith.constant 0 : index
    %swap3A_28 = vector.load %arg3[%swap3A, %swap3A_27] : memref<2000x128xf32, #tpu.memory_space<vmem>>, vector<2000x128xf32>
    tpu.vector_store %arg3[%swap3A, %swap3A_27], %select_n3A {strides = array<i32>} : memref<2000x128xf32, #tpu.memory_space<vmem>>, vector<2000x128xf32>,
    return
  }
  func.func @transform_0(%arg0: i32) -> (i32, i32, i32) {
    %c0_i32 = arith.constant 0 : i32
    %c0_i32_0 = arith.constant 0 : i32
    %c0_i32_1 = arith.constant 0 : i32
    return %c0_i32, %arg0, %c0_i32_0 : i32, i32, i32
  }
  func.func @transform_1(%arg0: i32) -> (i32, i32, i32) {
    %c0_i32 = arith.constant 0 : i32
    %c0_i32_0 = arith.constant 0 : i32
    %c0_i32_1 = arith.constant 0 : i32
    return %c0_i32, %arg0, %c0_i32_0 : i32, i32, i32
  }
  func.func @transform_2(%arg0: i32) -> (i32, i32) {
    %c0_i32 = arith.constant 0 : i32
    %c0_i32_0 = arith.constant 0 : i32
    return %arg0, %c0_i32 : i32, i32
  }
}

</mosaic_0001>

<sc_bundles>
// kernel: kernel.5.cloned.1.call-start
scs
__scs_entry_jumppad:
0x0: {  	(pc) =	sbr.rel $0x88, $3  }
0x1: {  	(tag) =	ssettag $0x0;
	lr =	simm.s32 $0x1  }
0x2: {  	[smem:$0x3F9C] =	sst lr;
	_ =	strace $0xD0000000  }
0x3: {  	_ = 	snop  }
0x4: {  	_ = 	snop  }
0x5: {  	_ = 	snop  }
0x6: {  	_ = 	snop  }
0x7: {  	_ = 	snop  }
__scs_overlays_trampoline_lowered:
0x8: {  	[smem:$0x3FAB] =	sst s0  }
0x9: {  	[smem:$0x3FAC] =	sst s1  }
0xa: {  	[smem:$0x3FAD] =	sst s2  }
0xb: {  	[smem:$0x3FAE] =	sst s3  }
0xc: {  	[smem:$0x3FAF] =	sst s4  }
0xd: {  	[smem:$0x3FB0] =	sst s5  }
0xe: {  	[smem:$0x3FB1] =	sst s6  }
0xf: {  	[smem:$0x3FB2] =	sst s7  }
0x10: {  	[smem:$0x3FB3] =	sst s8  }
0x11: {  	[smem:$0x3FB4] =	sst s9;
	s0 =	simm.s32 @!p0 $0x0  }
0x12: {  	s1 =	sld [smem:$0x3F9A];
	s0 =	simm.s32 @p0 $0x1  }
0x13: {  	[smem:$0x3FB5] =	sst s0;
	s0 =	simm.s32 @!p1 $0x0  }
0x14: {  	s2 =	sld [smem:$0x3F99];
	s0 =	simm.s32 @p1 $0x1  }
0x15: {  	[smem:$0x3FB6] =	sst s0;
	s0 =	simm.s32 @!p2 $0x0  }
0x16: {  	s3 =	sld [smem:$0x3FDB];
	s0 =	simm.s32 @p2 $0x1  }
0x17: {  	s4 =	simm.s32 $0x1BF5;
	[smem:$0x3FB8] =	sst s0  }
0x18: {  	s0 =	sld [smem:$0x3F9B];
	_ =	swait.ge [sflag:s4], $0x0  }
0x19: {  	s7 =	sld [smem:$0x3F9C]  }
0x1a: {  	s8 =	sadd.s32 $0xFFFFE003, lr  }
0x1b: {  	s9 =	sadd.s32 $0xFFFFFEF7, lr;
	s5 =	simm.s32 $0xFFFFFFFF;
	p2 =	slt.u32 s8, $0xFFFFF086  }
0x1c: {  	p1 =	slt.u32 s9, $0xF7A;
	s5 =	simm.s32 @!p2 $0x0  }
0x1d: {  	s5 =	simm.s32 @p1 $0x1;
	p0 =	seq.s32 s7, s2  }
0x1e: {  	s7 =	smul.u32 @!p0 $0xF7A, s2;
	p2 =	seq.s32 @!p0 s5, $0x0  }
0x1f: {  	s9 =	smul.u32 $0xF7A, s1;
	s8 =	simm.s32 @!p0 $0x1BF5;
	p2 =	por !p2, p0  }
0x20: {  	[sflag:s8] =	ssyncset.s32 @!p0 $0xFFFFF086;
	s6 =	sadd.s32 @!p0 s3, s7;
	s7 =	simm.s32 @!p0 $0x108  }
0x21: {  	s3 =	sadd.s32 s3, s9;
	s6 =	sadd.s32 @!p0 $0x88, s6;
	s7 =	simm.s32 @p2 $0x1082  }
0x22: {  	[simem:s7], [sflag:s8] =	dma.local @!p0 [hbm:s6], $0xF7A  }
0x23: {  	s9 =	sor.u32 $0xD0000000, s2;
	s6 =	simm.s32 $0x108;
	_ =	swait.ge @!p0 [sflag:s8], $0x0  }
0x24: {  	s3 =	sadd.s32 $0x88, s3;
	s6 =	simm.s32 @!p1 $0x1082;
	[sflag:s4] =	ssyncset.s32 $0xFFFFF086  }
0x25: {  	[simem:s6], [sflag:s4] =	dma.local [hbm:s3], $0xF7A  }
0x26: {  	[smem:$0x3F9C] =	sst s1;
	(tag) =	ssettag s2;
	_ =	strace s9  }
0x27: {  	s1 =	sld [smem:$0x3FAC]  }
0x28: {  	s2 =	sld [smem:$0x3FAD]  }
0x29: {  	s4 =	sld [smem:$0x3FAF]  }
0x2a: {  	p0 =	seq.s32 s5, $0x0;
	s5 =	sld [smem:$0x3FB0]  }
0x2b: {  	s6 =	sld [smem:$0x3FB1]  }
0x2c: {  	s7 =	sld [smem:$0x3FB2]  }
0x2d: {  	s3 =	simm.s32 $0x108;
	s8 =	sld [smem:$0x3FB3]  }
0x2e: {  	s3 =	simm.s32 @!p0 $0x1082;
	s9 =	sld [smem:$0x3FB4]  }
0x2f: {  	lr =	sadd.s32 s0, s3;
	s0 =	sld [smem:$0x3FAB]  }
0x30: {  	s3 =	sld [smem:$0x3FAE]  }
0x31: {  	[smem:$0x3FB7] =	sst s10  }
0x32: {  	s10 =	sld [smem:$0x3FB5];
	_ =	sdelay $0x3  }
0x33: {  	p0 =	seq.s32 s10, $0x1;
	s10 =	sld [smem:$0x3FB7];
	_ =	sdelay $0x3  }
0x34: {  	[smem:$0x3FB7] =	sst s10  }
0x35: {  	s10 =	sld [smem:$0x3FB6];
	_ =	sdelay $0x3  }
0x36: {  	p1 =	seq.s32 s10, $0x1;
	s10 =	sld [smem:$0x3FB7];
	_ =	sdelay $0x3  }
0x37: {  	[smem:$0x3FB7] =	sst s10  }
0x38: {  	s10 =	sld [smem:$0x3FB8]  }
0x39: {  	_ = 	snop;
	(pc) =	sbr.ind lr, $3  }
0x3a: {  	_ = 	snop  }
0x3b: {  	_ = 	snop  }
0x3c: {  	p2 =	seq.s32 s10, $0x1;
	s10 =	sld [smem:$0x3FB7]  }
0x3d: {  	_ =	shalt  }
0x3e: {  	_ =	shalt  }
0x3f: {  	_ =	shalt  }
0x40: {  	_ =	shalt  }
0x41: {  	_ =	shalt  }
0x42: {  	_ =	shalt  }
0x43: {  	_ =	shalt  }
0x44: {  	_ =	shalt  }
0x45: {  	_ =	shalt  }
0x46: {  	_ =	shalt  }
0x47: {  	_ =	shalt  }
0x48: {  	_ =	shalt  }
0x49: {  	_ =	shalt  }
0x4a: {  	_ =	shalt  }
0x4b: {  	_ =	shalt  }
0x4c: {  	_ =	shalt  }
0x4d: {  	_ =	shalt  }
0x4e: {  	_ =	shalt  }
0x4f: {  	_ =	shalt  }
0x50: {  	_ =	shalt  }
0x51: {  	_ =	shalt  }
0x52: {  	_ =	shalt  }
0x53: {  	_ =	shalt  }
0x54: {  	_ =	shalt  }
0x55: {  	_ =	shalt  }
0x56: {  	_ =	shalt  }
0x57: {  	_ =	shalt  }
0x58: {  	_ =	shalt  }
0x59: {  	_ =	shalt  }
0x5a: {  	_ =	shalt  }
0x5b: {  	_ =	shalt  }
0x5c: {  	_ =	shalt  }
0x5d: {  	_ =	shalt  }
0x5e: {  	_ =	shalt  }
0x5f: {  	_ =	shalt  }
0x60: {  	_ =	shalt  }
0x61: {  	_ =	shalt  }
0x62: {  	_ =	shalt  }
0x63: {  	_ =	shalt  }
0x64: {  	_ =	shalt  }
0x65: {  	_ =	shalt  }
0x66: {  	_ =	shalt  }
0x67: {  	_ =	shalt  }
0x68: {  	_ =	shalt  }
0x69: {  	_ =	shalt  }
0x6a: {  	_ =	shalt  }
0x6b: {  	_ =	shalt  }
0x6c: {  	_ =	shalt  }
0x6d: {  	_ =	shalt  }
0x6e: {  	_ =	shalt  }
0x6f: {  	_ =	shalt  }
0x70: {  	_ =	shalt  }
0x71: {  	_ =	shalt  }
0x72: {  	_ =	shalt  }
0x73: {  	_ =	shalt  }
0x74: {  	_ =	shalt  }
0x75: {  	_ =	shalt  }
0x76: {  	_ =	shalt  }
0x77: {  	_ =	shalt  }
0x78: {  	_ =	shalt  }
0x79: {  	_ =	shalt  }
0x7a: {  	_ =	shalt  }
0x7b: {  	_ =	shalt  }
0x7c: {  	_ =	shalt  }
0x7d: {  	_ =	shalt  }
0x7e: {  	_ =	shalt  }
0x7f: {  	_ =	shalt  }
0x80: {  	_ =	shalt  }
0x81: {  	_ =	shalt  }
0x82: {  	_ =	shalt  }
0x83: {  	_ =	shalt  }
0x84: {  	_ =	shalt  }
0x85: {  	_ =	shalt  }
0x86: {  	_ =	shalt  }
0x87: {  	_ =	shalt  }
.Lfunc_end0:
.L_simem_size_0:
called_computation_lowered:
.L_overlay_start_0:
0x88: {  	s2 =	sld [smem:$0x3FD9]  }
0x89: {  	s3 =	sld [smem:$0x3FFE];
	_ =	sdelay $0x1  }
0x8a: {  	s1 =	srdreg.scid  }
0x8b: {  	s0 =	sand.u32 $0x1, s1  }
0x8c: {  	s17 =	sshll.u32 s0, $0xA;
	s2 =	sadd.s32 s3, s2  }
0x8d: {  	s2 =	sadd.s32 s2, s17  }
0x8e: {  	[smem:$0x3FC3] =	sst s2  }
0x8f: {  	_ = 	snop  }
0x90: {  	s2 =	sld [smem:$0x3FC7]  }
0x91: {  	s18 =	sld [smem:$0x3FD0];
	(tm) =	ssettm $0x1  }
0x92: {  	s4 =	sld [smem:$0x3FFB];
	_ =	sdelay $0x3  }
0x93: {  	_ =	strace s4  }
0x94: {  	s4 =	sld [smem:$0x3FFC];
	_ =	sdelay $0x3  }
0x95: {  	_ =	strace s4  }
0x96: {  	s4 =	sld [smem:$0x3FFD];
	_ =	sdelay $0x3  }
0x97: {  	_ =	strace s4  }
0x98: {  	_ =	strace $0x8FFFFFFF  }
0x99: {  	s19 =	sld [smem:$0x3FDB];
	_ =	sdelay $0x1  }
0x9a: {  	s5 =	simm.s32 $_scs_section_size  }
0x9b: {  	s6 =	simm.s32 $_size__tile_overlayer_lowered;
	s7 =	simm.s32 $_tile_overlayer_lowered  }
0x9c: {  	s22 =	simm.s32 $0x1BFF;
	s21 =	sshll.u32 s7, $0x1;
	s4 =	sadd.s32 s5, s19  }
0x9d: {  	s8 =	simm.s32 $0x0;
	s20 =	sshll.u32 s6, $0x1;
	s6 =	sadd.s32 s21, s4  }
0x9e: {  	[timem:s8], [sflag:s22] =	dma.local [hbm:s6], s20  }
0x9f: {  	_ =	swait.ge [sflag:s22], s20  }
0xa0: {  	s5 =	ssub.s32 $0x0, s20;
	[sflag:s22] =	ssyncset.done $0x0  }
0xa1: {  	[sflag:s22] =	ssyncadd.s32 s5;
	_ =	sdelay $0x1  }
0xa2: {  	s23 =	simm.s32 $0x1B8B  }
0xa3: {  	_ =	swait.ge [sflag:s23], $0x1  }
0xa4: {  	[sflag:s23] =	ssyncset.done $0x0  }
0xa5: {  	s25 =	simm.s32 $0x1B8E;
	s24 =	sld [smem:$0x3FFE];
	[sflag:s23] =	ssyncadd.s32 $0xFFFFFFFF  }
0xa6: {  	s26 =	simm.s32 $execute0_lowered;
	[smem:$0x3FD2] =	sst s25  }
0xa7: {  	s6 =	sshll.u32 s26, $0x1;
	_ =	strace $0x80000046;
	[dreg:$0x1] =	wrdreg $0xFFFFFFFF  }
0xa8: {  	s28 =	simm.s32 $_size_execute0_lowered;
	s4 =	sadd.s32 s4, s6;
	[dreg:$0x0] =	wrdreg $0x0  }
0xa9: {  	s6 =	sshll.u32 s28, $0x1;
	[dreg:$0x2] =	wrdreg s4  }
0xaa: {  	[dreg:$0x3] =	wrdreg s6  }
0xab: {  	[dreg:$0x4] =	wrdreg $0xC0  }
0xac: {  	_ =	task [dreg:s8], $0x5FFFF  }
0xad: {  	[dreg:$0x1] =	wrdreg $0xFFFFFFFF  }
0xae: {  	[dreg:$0x0] =	wrdreg $0x60  }
0xaf: {  	[dreg:$0x2] =	wrdreg s24  }
0xb0: {  	[dreg:$0x3] =	wrdreg s2  }
0xb1: {  	[dreg:$0x4] =	wrdreg s18  }
0xb2: {  	[dreg:$0x5] =	wrdreg $0x8D800  }
0xb3: {  	[dreg:$0x6] =	wrdreg $0x1CD800  }
0xb4: {  	[dreg:$0x7] =	wrdreg $0x9  }
0xb5: {  	_ =	task.clear_ibuf [dreg:s8], $0x8FFFF;
	_ =	strace $0x90000046  }
0xb6: {  	s29 =	simm.s32 $0x9;
	_ =	strace $0x80000048  }
0xb7: {  	_ =	swait.ge [sflag:s29], $0x1  }
0xb8: {  	[sflag:s29] =	ssyncadd.s32 $0xFFFFFFFF  }
0xb9: {  	_ =	strace $0x90000048  }
0xba: {  	_ =	sfence  }
0xbb: {  	s30 =	sld [smem:$0x0];
	_ =	sdelay $0x2  }
0xbc: {  	s31 =	sshll.u32 s1, $0xD;
	s1 =	sshrl.u32 s1, $0x2  }
0xbd: {  	s3 =	sand.u32 $0x4000, s31;
	s1 =	sadd.s32 s1, s30  }
0xbe: {  	s0 =	sor.u32 s3, s0;
	s1 =	sshll.u32 s1, $0x11  }
0xbf: {  	s0 =	sor.u32 s1, s0  }
0xc0: {  	s0 =	sadd.s32 $0x8F2B, s0  }
0xc1: {  	[sflag:s0] =	ssyncadd.remote.s32 $0x1  }
0xc2: {  	_ =	sfence.sel $0xFFFF  }
0xc3: {  	[dreg:$0x0] =	wrdreg $0xFFFFFFFF;
	(pc) =	sbr.abs _section_cstart, $3  }
0xc4: {  	[dreg:$0x1] =	wrdreg $0xFFFFFFFF  }
0xc5: {  	_ =	task.clear_ibuf [dreg:s8], $0x2FFFF;
	_ =	strace $0x9FFFFFFF  }
0xc6: {  	(tm) =	ssettm $0x7FFFFFFF  }
0xc7: {  	_ =	shalt  }
tec
execute0_lowered:
.L_overlay_start_1:
0x0: {  	(tag) =	ssettag $0x1  }
0x1: {  	s0 =	rddreg [dreg:$0x0]  }
0x2: {  	s6 =	rddreg [dreg:$0x1]  }
0x3: {  	s16 =	rddreg [dreg:$0x2]  }
0x4: {  	s3 =	rddreg [dreg:$0x3]  }
0x5: {  	s4 =	rddreg [dreg:$0x4];
	s26 =	simm.s32 $0x0;
	s17 =	stileid.u32  }
0x6: {  	s2 =	srdreg.scid;
	s29 =	simm.s32 $0x1;
	s30 =	simm.s32 $0x5  }
0x7: {  	s31 =	simm.s32 $0x2;
	[smem:$0x7FF] =	sst s26;
	s1 =	smul.u32 $0x280, s17  }
0x8: {  	s7 =	sadd.s32 $0xA600, s0;
	s18 =	sadd.s32 $0x800, s0;
	s5 =	smul.u32 $0x2800, s17  }
0x9: {  	s2 =	sand.u32 $0x1, s2;
	s8 =	sshll.u32 s17, $0x1;
	s21 =	smul.u32 $0x50000, s17  }
0xa: {  	s15 =	smul.u32 $0x4E20, s17;
	s25 =	sshll.u32 s17, $0x6;
	_ =	strace $0x80000047  }
0xb: {  	s10 =	smul.u32 $0x28000, s2;
	s8 =	sor.u32 s2, s8;
	s12 =	sshll.u32 s2, $0x4  }
0xc: {  	s13 =	ssub.s32 $0x2, s2;
	s2 =	smul.u32 $0x2710, s2;
	s28 =	sor.u32 $0x1C0C, s25  }
0xd: {  	[dreg:$0x6] =	wrdreg s18;
	s9 =	sshrl.u32 s1, $0x3;
	s11 =	sadd.s32 s5, s0  }
0xe: {  	s8 =	smul.u32 $0x2710, s8;
	s19 =	sshrl.u32 s13, $0x1;
	s1 =	sadd.s32 s1, s4  }
0xf: {  	[dreg:$0xf] =	wrdreg s28;
	s9 =	sadd.s32 s9, s0;
	s10 =	sadd.s32 s10, s0  }
0x10: {  	s0 =	sadd.s32 s12, s0;
	s12 =	ssub.s32 s13, s19;
	s13 =	sshrl.u32 s21, $0x2  }
0x11: {  	s2 =	sadd.s32 s2, s15;
	s11 =	sadd.s32 $0xA7000, s11;
	[dreg:$0x10] =	wrdreg s1  }
0x12: {  	s1 =	simm.s32 $0x0;
	s8 =	sshrl.u32 s8, $0x3;
	s13 =	sadd.s32 s13, s3  }
0x13: {  	[dreg:$0xe] =	wrdreg s11;
	s10 =	sadd.s32 $0xCFA00, s10;
	s0 =	sadd.s32 $0xCF000, s0  }
0x14: {  	s25 =	sadd.s32 $0x300, s2;
	s20 =	sadd.s32 s18, s8;
	[dreg:$0xd] =	wrdreg s13  }
0x15: {  	s14 =	sadd.s32 s6, s8;
	s22 =	sadd.s32 $0x30, s8;
	[dreg:$0x1b] =	wrdreg s25  }
0x16: {  	s19 =	sadd.s32 s16, s8;
	s11 =	sadd.s32 s5, s10;
	[dreg:$0x7] =	wrdreg s20  }
0x17: {  	s13 =	smul.u32 $0xA0, s17;
	s15 =	sadd.s32 $0x4E0, s8;
	[dreg:$0x8] =	wrdreg s14  }
0x18: {  	s10 =	simm.s32 $0x7;
	s5 =	simm.s32 $0x9;
	[dreg:$0x9] =	wrdreg s19  }
0x19: {  	s25 =	simm.s32 $0xB80;
	s23 =	sadd.s32 s18, s22;
	[dreg:$0x11] =	wrdreg s11  }
0x1a: {  	s24 =	sadd.s32 s6, s22;
	s14 =	sadd.s32 s16, s22;
	[dreg:$0xa] =	wrdreg s23  }
0x1b: {  	s17 =	sadd.s32 s18, s15;
	s19 =	sadd.s32 $0x480, s2;
	[dreg:$0xb] =	wrdreg s24  }
0x1c: {  	s20 =	sadd.s32 s6, s15;
	s21 =	sadd.s32 s16, s15;
	[dreg:$0xc] =	wrdreg s14  }
0x1d: {  	s22 =	smax.u32 s12, $0x1;
	s12 =	simm.s32 $0xC;
	[dreg:$0x14] =	wrdreg s17  }
0x1e: {  	s11 =	simm.s32 $0x40;
	s2 =	simm.s32 $0x8;
	[dreg:$0x15] =	wrdreg s20  }
0x1f: {  	s15 =	simm.s32 $0xD00;
	s14 =	sadd.s32 $0xA6A00, s9;
	[dreg:$0x16] =	wrdreg s21  }
0x20: {  	s0 =	sadd.s32 s13, s0;
	[dreg:$0x17] =	wrdreg s22;
	s20 =	simm.s32 $0xD00  }
0x21: {  	s13 =	simm.s32 $0x2D00;
	s22 =	simm.s32 $0x4;
	s9 =	simm.s32 $0x6  }
0x22: {  	s21 =	simm.s32 $0xB00;
	s17 =	simm.s32 $0x6D00;
	[dreg:$0x12] =	wrdreg s14  }
.Ltmp0:
0x23: {  	[dreg:$0x13] =	wrdreg s0;
	s0 =	sshrl.u32 s19, $0x3;
	(pc) =	sbr.rel .LBB2_1-.Ltmp0, $4  }
0x24: {  	s14 =	simm.s32 $0x900;
	s19 =	simm.s32 $0x8D00;
	s23 =	sadd.s32 s0, s16  }
0x25: {  	s24 =	sadd.s32 s0, s6;
	s0 =	sadd.s32 s0, s18;
	[dreg:$0x18] =	wrdreg s23  }
0x26: {  	s16 =	simm.s32 $0x3;
	s18 =	simm.s32 $0x2D00;
	[dreg:$0x19] =	wrdreg s24  }
0x27: {  	v0 =	vimm.f32 $1.000000000e+00;
	[dreg:$0x1a] =	wrdreg s0;
	s0 =	simm.s32 $0xA;
	s23 =	simm.s32 $0x4D00  }
.LBB2_4:
0x28: {  	_ =	swait.ge [sflag:s5], $0x2000  }
0x29: {  	[sflag:s5] =	ssyncset.done $0x0  }
0x2a: {  	[sflag:s5] =	ssyncadd.s32 $0xFFFFE000  }
0x2b: {  	_ =	swait.ge [sflag:s5], $0x40  }
0x2c: {  	[sflag:s5] =	ssyncset.done $0x0  }
0x2d: {  	[sflag:s5] =	ssyncadd.s32 $0xFFFFFFC0  }
0x2e: {  	_ =	swait.ge [sflag:s0], $0x2000  }
0x2f: {  	[sflag:s0] =	ssyncset.done $0x0  }
0x30: {  	[sflag:s0] =	ssyncadd.s32 $0xFFFFE000  }
0x31: {  	_ =	swait.ge [sflag:s0], $0x40  }
0x32: {  	s26 =	simm.s32 $0x0;
	s1 =	simm.s32 $0x1D000;
	[sflag:s0] =	ssyncset.done $0x0  }
0x33: {  	s12 =	simm.s32 $0xC;
	s6 =	rddreg [dreg:$0x14];
	[sflag:s0] =	ssyncadd.s32 $0xFFFFFFC0  }
0x34: {  	[tilespmem:s1], [sflag:$0xC] =	stream.linear.gather [hbm4b:s6+s26], $0x10, $0x38;
	[tilespmem:$0x1DA80] =	vst v63  }
0x35: {  	_ =	swait.ge [sflag:s12], $0x10  }
0x36: {  	[sflag:s12] =	ssyncset.done $0x0  }
0x37: {  	s8 =	simm.s32 $0x1D080;
	s1 =	rddreg [dreg:$0x15];
	[sflag:s12] =	ssyncadd.s32 $0xFFFFFFF0  }
0x38: {  	[tilespmem:s8], [sflag:$0xC] =	stream.linear.gather [hbm4b:s1+s26], $0x10, $0x38;
	[tilespmem:$0x1DA80] =	vst v63  }
0x39: {  	_ =	swait.ge [sflag:s12], $0x10  }
0x3a: {  	[sflag:s12] =	ssyncset.done $0x0  }
0x3b: {  	s1 =	simm.s32 $0x1D180;
	s13 =	rddreg [dreg:$0x16];
	[sflag:s12] =	ssyncadd.s32 $0xFFFFFFF0  }
0x3c: {  	[tilespmem:s1], [sflag:$0xC] =	stream.linear.gather [hbm4b:s13+s26], $0x10, $0x38;
	[tilespmem:$0x1DA80] =	vst v63  }
0x3d: {  	_ =	swait.ge [sflag:s12], $0x10  }
0x3e: {  	[sflag:s12] =	ssyncset.done $0x0  }
0x3f: {  	[sflag:s12] =	ssyncadd.s32 $0xFFFFFFF0  }
0x40: {  	v1 =	vld [tilespmem:$0x1D080];
	_ =	sdelay $0x1  }
0x41: {  	v2 =	vld [tilespmem:$0x1D000];
	_ =	sdelay $0x2  }
0x42: {  	v1 =	vmul.u32 $0x2710, v1;
	_ =	sdelay $0x1  }
0x43: {  	[tilespmem:$0x1DA00] =	vst v0;
	v1 =	vadd.s32 v2, v1  }
0x44: {  	s24 =	simm.s32 $0x1D100;
	s8 =	simm.s32 $0x10;
	s13 =	simm.s32 $0x1D200;
	[tilespmem:$0x1D100] =	vst v1  }
0x45: {  	[tilespmem:s13], [sflag:$0xB] =	stream.indirect.gather [hbm4b:s7+s8], $0x80, s24, s8, $0xb8;
	[tilespmem:$0x1DA80] =	vst v63  }
0x46: {  	s24 =	simm.s32 $0xB  }
0x47: {  	_ =	swait.ge [sflag:s24], $0x800  }
0x48: {  	[sflag:s24] =	ssyncset.done $0x0  }
0x49: {  	[sflag:s24] =	ssyncadd.s32 $0xFFFFF800  }
0x4a: {  	[spmem:s3] =	stream.indirect.scatter.add.f32 [tilespmem:s13], [sflag:$0xC], $0x80, s1, s8, $0xb8;
	[tilespmem:$0x1DA80] =	vst v63  }
0x4b: {  	_ =	swait.ge [sflag:s12], $0x800  }
0x4c: {  	[sflag:s12] =	ssyncset.done $0x0  }
0x4d: {  	s24 =	simm.s32 $0x1DA00;
	[sflag:s12] =	ssyncadd.s32 $0xFFFFF800  }
0x4e: {  	[spmem:s4] =	stream.indirect.scatter.add.f32 [tilespmem:s24], [sflag:$0xC], $0x1, s1, s8, $0xb8;
	[tilespmem:$0x1DA80] =	vst v63  }
0x4f: {  	_ =	swait.ge [sflag:s12], $0x10  }
0x50: {  	[sflag:s12] =	ssyncset.done $0x0  }
0x51: {  	[sflag:s12] =	ssyncadd.s32 $0xFFFFFFF0  }
0x52: {  	[bflag:$0x0] =	sbarrier.arrive $0xFFFF  }
0x53: {  	s28 =	rddreg [dreg:$0xf]  }
0x54: {  	s13 =	rddreg [dreg:$0x11]  }
0x55: {  	s24 =	rddreg [dreg:$0x1d]  }
0x56: {  	[hbm:s13], [sflag:s28] =	dma.local [spmem:s24], $0x2800  }
0x57: {  	_ =	swait.ge [sflag:s12], $0x2800  }
0x58: {  	s29 =	simm.s32 $0x1;
	[sflag:s12] =	ssyncset.done $0x0;
	s1 =	rddreg [dreg:$0x13]  }
0x59: {  	s13 =	simm.s32 $0x20;
	s24 =	rddreg [dreg:$0x1e];
	[sflag:s12] =	ssyncadd.s32 $0xFFFFD800  }
0x5a: {  	[hbm:s1@s13], [sflag:s28] =	dma.strided [spmem:s24@s8], $0x50, s29, $0x10   }
0x5b: {  	_ =	swait.ge [sflag:s12], $0x50  }
0x5c: {  	s13 =	rddreg [dreg:$0x1c]  }
0x5d: {  	s24 =	rddreg [dreg:$0x17];
	s1 =	sadd.s32 $0x1, s13  }
0x5e: {  	p0 =	sne.s32 s1, s24  }
.Ltmp1:
0x5f: {  	_ = 	snop;
	(pc) =	sbr.rel @!p0 .LBB2_5-.Ltmp1, $3  }
0x60: {  	_ =	sdelay $0x1  }
0x61: {  	[sflag:s12] =	ssyncset.done $0x0  }
0x62: {  	[sflag:s12] =	ssyncadd.s32 $0xFFFFFFB0;
	s13 =	simm.s32 $0x2D00  }
.LBB2_1:
0x63: {  	[dreg:$0x1c] =	wrdreg s1  }
0x64: {  	s6 =	rddreg [dreg:$0x7]  }
0x65: {  	s1 =	rddreg [dreg:$0x8]  }
0x66: {  	[tilespmem:s26], [sflag:$0x1] =	stream.linear.gather [hbm4b:s6+s26], $0x180, $0x38;
	[tilespmem:$0x1DA80] =	vst v63  }
0x67: {  	s8 =	simm.s32 $0x300;
	s24 =	rddreg [dreg:$0x9]  }
0x68: {  	[tilespmem:s8], [sflag:$0x1] =	stream.linear.gather [hbm4b:s1+s26], $0x180, $0x38;
	[tilespmem:$0x1DA80] =	vst v63  }
0x69: {  	s1 =	simm.s32 $0x600;
	s8 =	rddreg [dreg:$0xd]  }
0x6a: {  	[tilespmem:s1], [sflag:$0x1] =	stream.linear.gather [hbm4b:s24+s26], $0x180, $0x38;
	[tilespmem:$0x1DA80] =	vst v63  }
0x6b: {  	s24 =	rddreg [dreg:$0xa];
	s1 =	simm.s32 $0x180  }
0x6c: {  	[tilespmem:s1], [sflag:$0x2] =	stream.linear.gather [hbm4b:s24+s26], $0x180, $0x38;
	[tilespmem:$0x1DA80] =	vst v63  }
0x6d: {  	s24 =	rddreg [dreg:$0xb];
	s1 =	simm.s32 $0x480  }
0x6e: {  	[tilespmem:s1], [sflag:$0x2] =	stream.linear.gather [hbm4b:s24+s26], $0x180, $0x38;
	[tilespmem:$0x1DA80] =	vst v63  }
0x6f: {  	s24 =	rddreg [dreg:$0xc];
	s1 =	simm.s32 $0x780  }
0x70: {  	[tilespmem:s1], [sflag:$0x2] =	stream.linear.gather [hbm4b:s24+s26], $0x180, $0x38;
	[tilespmem:$0x1DA80] =	vst v63  }
0x71: {  	s24 =	sshrl.u32 s8, $0x3;
	s26 =	rddreg [dreg:$0xe]  }
0x72: {  	[dreg:$0x1d] =	wrdreg s24  }
0x73: {  	[spmem:s24], [sflag:s28] =	dma.local [hbm:s26], $0x2800  }
0x74: {  	_ =	swait.ge [sflag:s12], $0x2800  }
0x75: {  	s8 =	rddreg [dreg:$0x10]  }
0x76: {  	[sflag:s12] =	ssyncset.done $0x0;
	s26 =	rddreg [dreg:$0x12];
	s24 =	sshrl.u32 s8, $0x3  }
0x77: {  	[sflag:s12] =	ssyncadd.s32 $0xFFFFD800;
	[dreg:$0x1e] =	wrdreg s24  }
0x78: {  	[spmem:s24], [sflag:s28] =	dma.local [hbm:s26], $0x50  }
0x79: {  	_ =	swait.ge [sflag:s12], $0x50  }
0x7a: {  	[sflag:s12] =	ssyncset.done $0x0  }
0x7b: {  	[sflag:s12] =	ssyncadd.s32 $0xFFFFFFB0  }
0x7c: {  	[tilespmem:$0x8D00] =	vst v0  }
0x7d: {  	[tilespmem:$0x8D10] =	vst v0  }
0x7e: {  	[tilespmem:$0x8D20] =	vst v0  }
0x7f: {  	[tilespmem:$0x8D30] =	vst v0  }
0x80: {  	_ =	swait.ge [sflag:s29], $0x180  }
0x81: {  	[sflag:s29] =	ssyncset.done $0x0  }
0x82: {  	[sflag:s29] =	ssyncadd.s32 $0xFFFFFE80  }
0x83: {  	_ =	swait.ge [sflag:s29], $0x180  }
0x84: {  	[sflag:s29] =	ssyncset.done $0x0  }
0x85: {  	[sflag:s29] =	ssyncadd.s32 $0xFFFFFE80  }
0x86: {  	_ =	swait.ge [sflag:s29], $0x180  }
0x87: {  	[sflag:s29] =	ssyncset.done $0x0  }
0x88: {  	[sflag:s29] =	ssyncadd.s32 $0xFFFFFE80  }
0x89: {  	v1 =	vld [tilespmem:$0x300]  }
0x8a: {  	v2 =	vld [tilespmem:$0x0]  }
0x8b: {  	v3 =	vld [tilespmem:$0x310]  }
0x8c: {  	v4 =	vld [tilespmem:$0x10]  }
0x8d: {  	v5 =	vld [tilespmem:$0x320]  }
0x8e: {  	v6 =	vld [tilespmem:$0x330]  }
0x8f: {  	v7 =	vld [tilespmem:$0x20]  }
0x90: {  	v8 =	vld [tilespmem:$0x30];
	v1 =	vmul.u32 $0x2710, v1  }
0x91: {  	v55 =	vld [tilespmem:$0x600];
	v3 =	vmul.u32 $0x2710, v3  }
0x92: {  	v56 =	vld [tilespmem:$0x610];
	v1 =	vadd.s32 v2, v1;
	v2 =	vmul.u32 $0x2710, v5  }
0x93: {  	[tilespmem:$0x900] =	vst v1;
	v1 =	vadd.s32 v4, v3;
	v3 =	vmul.u32 $0x2710, v6  }
0x94: {  	[tilespmem:$0x910] =	vst v1;
	v1 =	vadd.s32 v7, v2;
	v2 =	vld [tilespmem:$0x620]  }
0x95: {  	[tilespmem:$0x920] =	vst v1;
	v1 =	vadd.s32 v8, v3;
	v3 =	vld [tilespmem:$0x630]  }
0x96: {  	[tilespmem:$0xB00] =	vst v55  }
0x97: {  	[tilespmem:$0xB10] =	vst v56  }
0x98: {  	[tilespmem:$0x930] =	vst v1  }
0x99: {  	[tilespmem:$0xB20] =	vst v2  }
0x9a: {  	[tilespmem:$0xB30] =	vst v3  }
0x9b: {  	[tilespmem:s20], [sflag:$0x3] =	stream.indirect.gather [hbm4b:s7+s11], $0x80, s14, s11, $0xb8;
	[tilespmem:$0x1DA80] =	vst v63  }
0x9c: {  	v1 =	vld [tilespmem:$0x340]  }
0x9d: {  	v2 =	vld [tilespmem:$0x40]  }
0x9e: {  	v3 =	vld [tilespmem:$0x350]  }
0x9f: {  	v57 =	vld [tilespmem:$0x50]  }
0xa0: {  	v58 =	vld [tilespmem:$0x360]  }
0xa1: {  	v59 =	vld [tilespmem:$0x370]  }
0xa2: {  	v60 =	vld [tilespmem:$0x60]  }
0xa3: {  	v61 =	vld [tilespmem:$0x70];
	v1 =	vmul.u32 $0x2710, v1  }
0xa4: {  	v62 =	vld [tilespmem:$0x640];
	v3 =	vmul.u32 $0x2710, v3  }
0xa5: {  	v63 =	vld [tilespmem:$0x650];
	v1 =	vadd.s32 v2, v1;
	v2 =	vmul.u32 $0x2710, v58  }
0xa6: {  	[tilespmem:$0x980] =	vst v1;
	v1 =	vadd.s32 v57, v3;
	v3 =	vmul.u32 $0x2710, v59  }
0xa7: {  	[tilespmem:$0x990] =	vst v1;
	v1 =	vadd.s32 v60, v2;
	v2 =	vld [tilespmem:$0x660]  }
0xa8: {  	[tilespmem:$0x9A0] =	vst v1;
	v1 =	vadd.s32 v61, v3;
	v3 =	vld [tilespmem:$0x670]  }
0xa9: {  	[tilespmem:$0xB80] =	vst v62  }
0xaa: {  	[tilespmem:$0xB90] =	vst v63  }
0xab: {  	[tilespmem:$0x9B0] =	vst v1  }
0xac: {  	[tilespmem:$0xBA0] =	vst v2  }
0xad: {  	s29 =	simm.s32 $0x980;
	[tilespmem:$0xBB0] =	vst v3  }
0xae: {  	[tilespmem:s13], [sflag:$0x4] =	stream.indirect.gather [hbm4b:s7+s11], $0x80, s29, s11, $0xb8;
	[tilespmem:$0x1DA80] =	vst v63  }
0xaf: {  	[bflag:$0x0] =	sbarrier.arrive $0xFFFF  }
0xb0: {  	s26 =	simm.s32 $0x0;
	s6 =	rddreg [dreg:$0x1b]  }
.LBB2_2:
0xb1: {  	_ =	swait.ge [sflag:s16], $0x2000  }
0xb2: {  	[sflag:s16] =	ssyncset.done $0x0  }
0xb3: {  	p0 =	seq.s32 s26, $0x0;
	[sflag:s16] =	ssyncadd.s32 $0xFFFFE000  }
0xb4: {  	[spmem:s3] =	stream.indirect.scatter.add.f32 [tilespmem:s15], [sflag:$0x7], $0x80, s21, s11, $0xb8;
	[tilespmem:$0x1DA80] =	vst v63  }
0xb5: {  	s28 =	simm.s32 @!p0 $0x9  }
0xb6: {  	[spmem:s4] =	stream.indirect.scatter.add.f32 [tilespmem:s19], [sflag:$0x7], $0x1, s21, s11, $0xb8;
	[tilespmem:$0x1DA80] =	vst v63  }
0xb7: {  	_ =	swait.ge @!p0 [sflag:s28], $0x2000  }
0xb8: {  	[sflag:s28] =	ssyncset.done @!p0 $0x0  }
0xb9: {  	[sflag:s28] =	ssyncadd.s32 @!p0 $0xFFFFE000  }
0xba: {  	_ =	swait.ge @!p0 [sflag:s28], $0x40  }
0xbb: {  	[sflag:s28] =	ssyncset.done @!p0 $0x0  }
0xbc: {  	[sflag:s28] =	ssyncadd.s32 @!p0 $0xFFFFFFC0  }
0xbd: {  	v1 =	vld [tilespmem:$0x380]  }
0xbe: {  	v2 =	vld [tilespmem:$0x80]  }
0xbf: {  	v3 =	vld [tilespmem:$0x390]  }
0xc0: {  	v4 =	vld [tilespmem:$0x90]  }
0xc1: {  	v5 =	vld [tilespmem:$0x3A0]  }
0xc2: {  	v6 =	vld [tilespmem:$0x3B0]  }
0xc3: {  	v7 =	vld [tilespmem:$0xA0]  }
0xc4: {  	v8 =	vld [tilespmem:$0xB0];
	v1 =	vmul.u32 $0x2710, v1  }
0xc5: {  	v51 =	vld [tilespmem:$0x680];
	v3 =	vmul.u32 $0x2710, v3  }
0xc6: {  	v52 =	vld [tilespmem:$0x690];
	v1 =	vadd.s32 v2, v1;
	v2 =	vmul.u32 $0x2710, v5  }
0xc7: {  	[tilespmem:$0xA00] =	vst v1;
	v1 =	vadd.s32 v4, v3;
	v3 =	vmul.u32 $0x2710, v6  }
0xc8: {  	[tilespmem:$0xA10] =	vst v1;
	v1 =	vadd.s32 v7, v2;
	v2 =	vld [tilespmem:$0x6A0]  }
0xc9: {  	[tilespmem:$0xA20] =	vst v1;
	v1 =	vadd.s32 v8, v3;
	v3 =	vld [tilespmem:$0x6B0]  }
0xca: {  	[tilespmem:$0xC00] =	vst v51  }
0xcb: {  	[tilespmem:$0xC10] =	vst v52  }
0xcc: {  	[tilespmem:$0xA30] =	vst v1  }
0xcd: {  	[tilespmem:$0xC20] =	vst v2  }
0xce: {  	s1 =	simm.s32 $0xA00;
	[tilespmem:$0xC30] =	vst v3  }
0xcf: {  	[tilespmem:s23], [sflag:$0x5] =	stream.indirect.gather [hbm4b:s7+s11], $0x80, s1, s11, $0xb8;
	[tilespmem:$0x1DA80] =	vst v63  }
0xd0: {  	_ =	swait.ge [sflag:s22], $0x2000  }
0xd1: {  	[sflag:s22] =	ssyncset.done $0x0  }
0xd2: {  	[sflag:s22] =	ssyncadd.s32 $0xFFFFE000  }
0xd3: {  	[spmem:s3] =	stream.indirect.scatter.add.f32 [tilespmem:s13], [sflag:$0x8], $0x80, s25, s11, $0xb8;
	[tilespmem:$0x1DA80] =	vst v63  }
0xd4: {  	s28 =	simm.s32 @!p0 $0xA  }
0xd5: {  	[spmem:s4] =	stream.indirect.scatter.add.f32 [tilespmem:s19], [sflag:$0x8], $0x1, s25, s11, $0xb8;
	[tilespmem:$0x1DA80] =	vst v63  }
0xd6: {  	_ =	swait.ge @!p0 [sflag:s28], $0x2000  }
0xd7: {  	[sflag:s28] =	ssyncset.done @!p0 $0x0  }
0xd8: {  	[sflag:s28] =	ssyncadd.s32 @!p0 $0xFFFFE000  }
0xd9: {  	_ =	swait.ge @!p0 [sflag:s28], $0x40  }
0xda: {  	[sflag:s28] =	ssyncset.done @!p0 $0x0  }
0xdb: {  	[sflag:s28] =	ssyncadd.s32 @!p0 $0xFFFFFFC0  }
0xdc: {  	v1 =	vld [tilespmem:$0x3C0]  }
0xdd: {  	v2 =	vld [tilespmem:$0xC0]  }
0xde: {  	v3 =	vld [tilespmem:$0x3D0]  }
0xdf: {  	v53 =	vld [tilespmem:$0xD0]  }
0xe0: {  	v54 =	vld [tilespmem:$0x3E0]  }
0xe1: {  	v55 =	vld [tilespmem:$0x3F0]  }
0xe2: {  	v56 =	vld [tilespmem:$0xE0]  }
0xe3: {  	v57 =	vld [tilespmem:$0xF0];
	v1 =	vmul.u32 $0x2710, v1  }
0xe4: {  	v58 =	vld [tilespmem:$0x6C0];
	v3 =	vmul.u32 $0x2710, v3  }
0xe5: {  	v59 =	vld [tilespmem:$0x6D0];
	v1 =	vadd.s32 v2, v1;
	v2 =	vmul.u32 $0x2710, v54  }
0xe6: {  	[tilespmem:$0xA80] =	vst v1;
	v1 =	vadd.s32 v53, v3;
	v3 =	vmul.u32 $0x2710, v55  }
0xe7: {  	[tilespmem:$0xA90] =	vst v1;
	v1 =	vadd.s32 v56, v2;
	v2 =	vld [tilespmem:$0x6E0]  }
0xe8: {  	[tilespmem:$0xAA0] =	vst v1;
	v1 =	vadd.s32 v57, v3;
	v3 =	vld [tilespmem:$0x6F0]  }
0xe9: {  	[tilespmem:$0xC80] =	vst v58  }
0xea: {  	[tilespmem:$0xC90] =	vst v59  }
0xeb: {  	[tilespmem:$0xAB0] =	vst v1  }
0xec: {  	[tilespmem:$0xCA0] =	vst v2  }
0xed: {  	s13 =	simm.s32 $0xA80;
	[tilespmem:$0xCB0] =	vst v3  }
0xee: {  	[tilespmem:s17], [sflag:$0x6] =	stream.indirect.gather [hbm4b:s7+s11], $0x80, s13, s11, $0xb8;
	[tilespmem:$0x1DA80] =	vst v63  }
0xef: {  	_ =	swait.ge [sflag:s30], $0x2000  }
0xf0: {  	[sflag:s30] =	ssyncset.done $0x0  }
0xf1: {  	s1 =	simm.s32 $0xC00;
	[sflag:s30] =	ssyncadd.s32 $0xFFFFE000  }
0xf2: {  	[spmem:s3] =	stream.indirect.scatter.add.f32 [tilespmem:s23], [sflag:$0x9], $0x80, s1, s11, $0xb8;
	[tilespmem:$0x1DA80] =	vst v63  }
0xf3: {  	_ = 	snop  }
0xf4: {  	[spmem:s4] =	stream.indirect.scatter.add.f32 [tilespmem:s19], [sflag:$0x9], $0x1, s1, s11, $0xb8;
	[tilespmem:$0x1DA80] =	vst v63  }
0xf5: {  	_ =	swait.ge [sflag:s10], $0x2000  }
0xf6: {  	[sflag:s10] =	ssyncset.done $0x0  }
0xf7: {  	[sflag:s10] =	ssyncadd.s32 $0xFFFFE000  }
0xf8: {  	_ =	swait.ge [sflag:s10], $0x40  }
0xf9: {  	[sflag:s10] =	ssyncset.done $0x0  }
0xfa: {  	[sflag:s10] =	ssyncadd.s32 $0xFFFFFFC0  }
0xfb: {  	v1 =	vld [tilespmem:$0x400]  }
0xfc: {  	v2 =	vld [tilespmem:$0x100]  }
0xfd: {  	v3 =	vld [tilespmem:$0x410]  }
0xfe: {  	v60 =	vld [tilespmem:$0x110]  }
0xff: {  	v61 =	vld [tilespmem:$0x420]  }
0x100: {  	v62 =	vld [tilespmem:$0x430]  }
0x101: {  	v63 =	vld [tilespmem:$0x120]  }
0x102: {  	v12 =	vld [tilespmem:$0x130];
	v1 =	vmul.u32 $0x2710, v1  }
0x103: {  	v13 =	vld [tilespmem:$0x700];
	v3 =	vmul.u32 $0x2710, v3  }
0x104: {  	v14 =	vld [tilespmem:$0x710];
	v1 =	vadd.s32 v2, v1;
	v2 =	vmul.u32 $0x2710, v61  }
0x105: {  	[tilespmem:$0x900] =	vst v1;
	v1 =	vadd.s32 v60, v3;
	v3 =	vmul.u32 $0x2710, v62  }
0x106: {  	[tilespmem:$0x910] =	vst v1;
	v1 =	vadd.s32 v63, v2;
	v2 =	vld [tilespmem:$0x720]  }
0x107: {  	[tilespmem:$0x920] =	vst v1;
	v1 =	vadd.s32 v12, v3;
	v3 =	vld [tilespmem:$0x730]  }
0x108: {  	[tilespmem:$0xB00] =	vst v13  }
0x109: {  	[tilespmem:$0xB10] =	vst v14  }
0x10a: {  	[tilespmem:$0x930] =	vst v1  }
0x10b: {  	[tilespmem:$0xB20] =	vst v2  }
0x10c: {  	s20 =	simm.s32 $0x900;
	[tilespmem:$0xB30] =	vst v3  }
0x10d: {  	[tilespmem:s15], [sflag:$0x3] =	stream.indirect.gather [hbm4b:s7+s11], $0x80, s20, s11, $0xb8;
	[tilespmem:$0x1DA80] =	vst v63  }
0x10e: {  	_ =	swait.ge [sflag:s9], $0x2000  }
0x10f: {  	[sflag:s9] =	ssyncset.done $0x0  }
0x110: {  	s8 =	simm.s32 $0xC80;
	[sflag:s9] =	ssyncadd.s32 $0xFFFFE000  }
0x111: {  	[spmem:s3] =	stream.indirect.scatter.add.f32 [tilespmem:s17], [sflag:$0xA], $0x80, s8, s11, $0xb8;
	[tilespmem:$0x1DA80] =	vst v63  }
0x112: {  	_ = 	snop  }
0x113: {  	[spmem:s4] =	stream.indirect.scatter.add.f32 [tilespmem:s19], [sflag:$0xA], $0x1, s8, s11, $0xb8;
	[tilespmem:$0x1DA80] =	vst v63  }
0x114: {  	_ =	swait.ge [sflag:s2], $0x2000  }
0x115: {  	[sflag:s2] =	ssyncset.done $0x0  }
0x116: {  	[sflag:s2] =	ssyncadd.s32 $0xFFFFE000  }
0x117: {  	_ =	swait.ge [sflag:s2], $0x40  }
0x118: {  	[sflag:s2] =	ssyncset.done $0x0  }
0x119: {  	[sflag:s2] =	ssyncadd.s32 $0xFFFFFFC0  }
0x11a: {  	v1 =	vld [tilespmem:$0x440]  }
0x11b: {  	v2 =	vld [tilespmem:$0x140]  }
0x11c: {  	v3 =	vld [tilespmem:$0x450]  }
0x11d: {  	v15 =	vld [tilespmem:$0x150]  }
0x11e: {  	v16 =	vld [tilespmem:$0x460]  }
0x11f: {  	v17 =	vld [tilespmem:$0x470]  }
0x120: {  	v18 =	vld [tilespmem:$0x160]  }
0x121: {  	v19 =	vld [tilespmem:$0x170];
	v1 =	vmul.u32 $0x2710, v1  }
0x122: {  	v20 =	vld [tilespmem:$0x740];
	v3 =	vmul.u32 $0x2710, v3  }
0x123: {  	v21 =	vld [tilespmem:$0x750];
	v1 =	vadd.s32 v2, v1;
	v2 =	vmul.u32 $0x2710, v16  }
0x124: {  	[tilespmem:$0x980] =	vst v1;
	v1 =	vadd.s32 v15, v3;
	v3 =	vmul.u32 $0x2710, v17  }
0x125: {  	[tilespmem:$0x990] =	vst v1;
	v1 =	vadd.s32 v18, v2;
	v2 =	vld [tilespmem:$0x760]  }
0x126: {  	[tilespmem:$0x9A0] =	vst v1;
	v1 =	vadd.s32 v19, v3;
	v3 =	vld [tilespmem:$0x770]  }
0x127: {  	[tilespmem:$0xB80] =	vst v20  }
0x128: {  	[tilespmem:$0xB90] =	vst v21  }
0x129: {  	[tilespmem:$0x9B0] =	vst v1  }
0x12a: {  	[tilespmem:$0xBA0] =	vst v2  }
0x12b: {  	[tilespmem:$0xBB0] =	vst v3  }
0x12c: {  	[tilespmem:s18], [sflag:$0x4] =	stream.indirect.gather [hbm4b:s7+s11], $0x80, s29, s11, $0xb8;
	[tilespmem:$0x1DA80] =	vst v63  }
0x12d: {  	_ =	swait.ge [sflag:s16], $0x2000  }
0x12e: {  	[sflag:s16] =	ssyncset.done $0x0  }
0x12f: {  	[sflag:s16] =	ssyncadd.s32 $0xFFFFE000  }
0x130: {  	[spmem:s3] =	stream.indirect.scatter.add.f32 [tilespmem:s15], [sflag:$0x7], $0x80, s21, s11, $0xb8;
	[tilespmem:$0x1DA80] =	vst v63  }
0x131: {  	_ = 	snop  }
0x132: {  	[spmem:s4] =	stream.indirect.scatter.add.f32 [tilespmem:s19], [sflag:$0x7], $0x1, s21, s11, $0xb8;
	[tilespmem:$0x1DA80] =	vst v63  }
0x133: {  	_ =	swait.ge [sflag:s5], $0x2000  }
0x134: {  	[sflag:s5] =	ssyncset.done $0x0  }
0x135: {  	[sflag:s5] =	ssyncadd.s32 $0xFFFFE000  }
0x136: {  	_ =	swait.ge [sflag:s5], $0x40  }
0x137: {  	[sflag:s5] =	ssyncset.done $0x0  }
0x138: {  	[sflag:s5] =	ssyncadd.s32 $0xFFFFFFC0  }
0x139: {  	_ =	swait.ge [sflag:s31], $0x180  }
0x13a: {  	[sflag:s31] =	ssyncset.done $0x0  }
0x13b: {  	[sflag:s31] =	ssyncadd.s32 $0xFFFFFE80  }
0x13c: {  	_ =	swait.ge [sflag:s31], $0x180  }
0x13d: {  	[sflag:s31] =	ssyncset.done $0x0  }
0x13e: {  	[sflag:s31] =	ssyncadd.s32 $0xFFFFFE80  }
0x13f: {  	_ =	swait.ge [sflag:s31], $0x180  }
0x140: {  	[sflag:s31] =	ssyncset.done $0x0  }
0x141: {  	[sflag:s31] =	ssyncadd.s32 $0xFFFFFE80  }
0x142: {  	v1 =	vld [tilespmem:$0x480]  }
0x143: {  	v2 =	vld [tilespmem:$0x180]  }
0x144: {  	v3 =	vld [tilespmem:$0x490]  }
0x145: {  	v22 =	vld [tilespmem:$0x190]  }
0x146: {  	v23 =	vld [tilespmem:$0x4A0]  }
0x147: {  	v24 =	vld [tilespmem:$0x4B0]  }
0x148: {  	v25 =	vld [tilespmem:$0x1A0]  }
0x149: {  	v26 =	vld [tilespmem:$0x1B0];
	v1 =	vmul.u32 $0x2710, v1  }
0x14a: {  	v27 =	vld [tilespmem:$0x780];
	v3 =	vmul.u32 $0x2710, v3  }
0x14b: {  	v28 =	vld [tilespmem:$0x790];
	v1 =	vadd.s32 v2, v1;
	v2 =	vmul.u32 $0x2710, v23  }
0x14c: {  	[tilespmem:$0xA00] =	vst v1;
	v1 =	vadd.s32 v22, v3;
	v3 =	vmul.u32 $0x2710, v24  }
0x14d: {  	[tilespmem:$0xA10] =	vst v1;
	v1 =	vadd.s32 v25, v2;
	v2 =	vld [tilespmem:$0x7A0]  }
0x14e: {  	[tilespmem:$0xA20] =	vst v1;
	v1 =	vadd.s32 v26, v3;
	v3 =	vld [tilespmem:$0x7B0]  }
0x14f: {  	[tilespmem:$0xC00] =	vst v27  }
0x150: {  	[tilespmem:$0xC10] =	vst v28  }
0x151: {  	[tilespmem:$0xA30] =	vst v1  }
0x152: {  	[tilespmem:$0xC20] =	vst v2  }
0x153: {  	s12 =	simm.s32 $0xA00;
	[tilespmem:$0xC30] =	vst v3  }
0x154: {  	[tilespmem:s23], [sflag:$0x5] =	stream.indirect.gather [hbm4b:s7+s11], $0x80, s12, s11, $0xb8;
	[tilespmem:$0x1DA80] =	vst v63  }
0x155: {  	_ =	swait.ge [sflag:s22], $0x2000  }
0x156: {  	[sflag:s22] =	ssyncset.done $0x0  }
0x157: {  	[sflag:s22] =	ssyncadd.s32 $0xFFFFE000  }
0x158: {  	[spmem:s3] =	stream.indirect.scatter.add.f32 [tilespmem:s18], [sflag:$0x8], $0x80, s25, s11, $0xb8;
	[tilespmem:$0x1DA80] =	vst v63  }
0x159: {  	_ = 	snop  }
0x15a: {  	[spmem:s4] =	stream.indirect.scatter.add.f32 [tilespmem:s19], [sflag:$0x8], $0x1, s25, s11, $0xb8;
	[tilespmem:$0x1DA80] =	vst v63  }
0x15b: {  	_ =	swait.ge [sflag:s0], $0x2000  }
0x15c: {  	[sflag:s0] =	ssyncset.done $0x0  }
0x15d: {  	[sflag:s0] =	ssyncadd.s32 $0xFFFFE000  }
0x15e: {  	_ =	swait.ge [sflag:s0], $0x40  }
0x15f: {  	[sflag:s0] =	ssyncset.done $0x0  }
0x160: {  	[sflag:s0] =	ssyncadd.s32 $0xFFFFFFC0  }
0x161: {  	v1 =	vld [tilespmem:$0x4C0]  }
0x162: {  	v2 =	vld [tilespmem:$0x1C0]  }
0x163: {  	v3 =	vld [tilespmem:$0x4D0]  }
0x164: {  	v29 =	vld [tilespmem:$0x1D0]  }
0x165: {  	v30 =	vld [tilespmem:$0x4E0]  }
0x166: {  	v31 =	vld [tilespmem:$0x4F0]  }
0x167: {  	v32 =	vld [tilespmem:$0x1E0]  }
0x168: {  	v33 =	vld [tilespmem:$0x1F0];
	v1 =	vmul.u32 $0x2710, v1  }
0x169: {  	v34 =	vld [tilespmem:$0x7C0];
	v3 =	vmul.u32 $0x2710, v3  }
0x16a: {  	v35 =	vld [tilespmem:$0x7D0];
	v1 =	vadd.s32 v2, v1;
	v2 =	vmul.u32 $0x2710, v30  }
0x16b: {  	[tilespmem:$0xA80] =	vst v1;
	v1 =	vadd.s32 v29, v3;
	v3 =	vmul.u32 $0x2710, v31  }
0x16c: {  	[tilespmem:$0xA90] =	vst v1;
	v1 =	vadd.s32 v32, v2;
	v2 =	vld [tilespmem:$0x7E0]  }
0x16d: {  	[tilespmem:$0xAA0] =	vst v1;
	v1 =	vadd.s32 v33, v3;
	v3 =	vld [tilespmem:$0x7F0]  }
0x16e: {  	[tilespmem:$0xC80] =	vst v34  }
0x16f: {  	[tilespmem:$0xC90] =	vst v35  }
0x170: {  	[tilespmem:$0xAB0] =	vst v1  }
0x171: {  	p0 =	seq.s32 s26, $0x480;
	[tilespmem:$0xCA0] =	vst v2  }
0x172: {  	s24 =	smov.u32 s6;
	s28 =	sshrl.u32 @!p0 s6, $0x3;
	s6 =	rddreg [dreg:$0x6];
	[tilespmem:$0xCB0] =	vst v3  }
0x173: {  	[tilespmem:s17], [sflag:$0x6] =	stream.indirect.gather [hbm4b:s7+s11], $0x80, s13, s11, $0xb8;
	[tilespmem:$0x1DA80] =	vst v63  }
0x174: {  	s12 =	simm.s32 @!p0 $0x0;
	s29 =	sadd.s32 @!p0 s6, s28;
	s6 =	rddreg [dreg:$0x1]  }
0x175: {  	[tilespmem:s12], [sflag:$0x1] =	stream.linear.gather @!p0 [hbm4b:s29+s12], $0x180, $0x38;
	[tilespmem:$0x1DA80] =	vst v63  }
0x176: {  	s29 =	sadd.s32 @!p0 s6, s28;
	s6 =	simm.s32 @!p0 $0x300  }
0x177: {  	[tilespmem:s6], [sflag:$0x1] =	stream.linear.gather @!p0 [hbm4b:s29+s12], $0x180, $0x38;
	[tilespmem:$0x1DA80] =	vst v63  }
0x178: {  	s6 =	rddreg [dreg:$0x2]  }
0x179: {  	s6 =	sadd.s32 @!p0 s6, s28;
	s28 =	simm.s32 @!p0 $0x600  }
0x17a: {  	[tilespmem:s28], [sflag:$0x1] =	stream.linear.gather @!p0 [hbm4b:s6+s12], $0x180, $0x38;
	[tilespmem:$0x1DA80] =	vst v63  }
0x17b: {  	_ =	swait.ge [sflag:s30], $0x2000  }
0x17c: {  	[sflag:s30] =	ssyncset.done $0x0  }
0x17d: {  	[sflag:s30] =	ssyncadd.s32 $0xFFFFE000  }
0x17e: {  	[spmem:s3] =	stream.indirect.scatter.add.f32 [tilespmem:s23], [sflag:$0x9], $0x80, s1, s11, $0xb8;
	[tilespmem:$0x1DA80] =	vst v63  }
0x17f: {  	_ = 	snop  }
0x180: {  	[spmem:s4] =	stream.indirect.scatter.add.f32 [tilespmem:s19], [sflag:$0x9], $0x1, s1, s11, $0xb8;
	[tilespmem:$0x1DA80] =	vst v63  }
0x181: {  	_ =	swait.ge [sflag:s10], $0x2000  }
0x182: {  	[sflag:s10] =	ssyncset.done $0x0  }
0x183: {  	[sflag:s10] =	ssyncadd.s32 $0xFFFFE000  }
0x184: {  	_ =	swait.ge [sflag:s10], $0x40  }
0x185: {  	[sflag:s10] =	ssyncset.done $0x0  }
0x186: {  	[sflag:s10] =	ssyncadd.s32 $0xFFFFFFC0  }
0x187: {  	v1 =	vld [tilespmem:$0x500]  }
0x188: {  	v2 =	vld [tilespmem:$0x200]  }
0x189: {  	v3 =	vld [tilespmem:$0x510]  }
0x18a: {  	v36 =	vld [tilespmem:$0x210]  }
0x18b: {  	v37 =	vld [tilespmem:$0x520]  }
0x18c: {  	v38 =	vld [tilespmem:$0x530]  }
0x18d: {  	v39 =	vld [tilespmem:$0x220]  }
0x18e: {  	v40 =	vld [tilespmem:$0x230];
	v1 =	vmul.u32 $0x2710, v1  }
0x18f: {  	v41 =	vld [tilespmem:$0x800];
	v3 =	vmul.u32 $0x2710, v3  }
0x190: {  	v42 =	vld [tilespmem:$0x810];
	v1 =	vadd.s32 v2, v1;
	v2 =	vmul.u32 $0x2710, v37  }
0x191: {  	[tilespmem:$0x900] =	vst v1;
	v1 =	vadd.s32 v36, v3;
	v3 =	vmul.u32 $0x2710, v38  }
0x192: {  	[tilespmem:$0x910] =	vst v1;
	v1 =	vadd.s32 v39, v2;
	v2 =	vld [tilespmem:$0x820]  }
0x193: {  	[tilespmem:$0x920] =	vst v1;
	v1 =	vadd.s32 v40, v3;
	v3 =	vld [tilespmem:$0x830]  }
0x194: {  	[tilespmem:$0xB00] =	vst v41  }
0x195: {  	[tilespmem:$0xB10] =	vst v42  }
0x196: {  	[tilespmem:$0x930] =	vst v1  }
0x197: {  	[tilespmem:$0xB20] =	vst v2  }
0x198: {  	[tilespmem:$0xB30] =	vst v3  }
0x199: {  	[tilespmem:s15], [sflag:$0x3] =	stream.indirect.gather [hbm4b:s7+s11], $0x80, s20, s11, $0xb8;
	[tilespmem:$0x1DA80] =	vst v63  }
0x19a: {  	_ =	swait.ge [sflag:s9], $0x2000  }
0x19b: {  	[sflag:s9] =	ssyncset.done $0x0  }
0x19c: {  	[sflag:s9] =	ssyncadd.s32 $0xFFFFE000  }
0x19d: {  	[spmem:s3] =	stream.indirect.scatter.add.f32 [tilespmem:s17], [sflag:$0xA], $0x80, s8, s11, $0xb8;
	[tilespmem:$0x1DA80] =	vst v63  }
0x19e: {  	_ = 	snop  }
0x19f: {  	[spmem:s4] =	stream.indirect.scatter.add.f32 [tilespmem:s19], [sflag:$0xA], $0x1, s8, s11, $0xb8;
	[tilespmem:$0x1DA80] =	vst v63  }
0x1a0: {  	_ =	swait.ge [sflag:s2], $0x2000  }
0x1a1: {  	[sflag:s2] =	ssyncset.done $0x0  }
0x1a2: {  	[sflag:s2] =	ssyncadd.s32 $0xFFFFE000  }
0x1a3: {  	_ =	swait.ge [sflag:s2], $0x40  }
0x1a4: {  	[sflag:s2] =	ssyncset.done $0x0  }
0x1a5: {  	[sflag:s2] =	ssyncadd.s32 $0xFFFFFFC0  }
0x1a6: {  	v1 =	vld [tilespmem:$0x540]  }
0x1a7: {  	v2 =	vld [tilespmem:$0x240]  }
0x1a8: {  	v3 =	vld [tilespmem:$0x550]  }
0x1a9: {  	v43 =	vld [tilespmem:$0x250]  }
0x1aa: {  	v44 =	vld [tilespmem:$0x560]  }
0x1ab: {  	v45 =	vld [tilespmem:$0x570]  }
0x1ac: {  	v46 =	vld [tilespmem:$0x260]  }
0x1ad: {  	v47 =	vld [tilespmem:$0x270];
	v1 =	vmul.u32 $0x2710, v1  }
0x1ae: {  	v48 =	vld [tilespmem:$0x840];
	v3 =	vmul.u32 $0x2710, v3  }
0x1af: {  	v49 =	vld [tilespmem:$0x850];
	v1 =	vadd.s32 v2, v1;
	v2 =	vmul.u32 $0x2710, v44  }
0x1b0: {  	[tilespmem:$0x980] =	vst v1;
	v1 =	vadd.s32 v43, v3;
	v3 =	vmul.u32 $0x2710, v45  }
0x1b1: {  	[tilespmem:$0x990] =	vst v1;
	v1 =	vadd.s32 v46, v2;
	v2 =	vld [tilespmem:$0x860]  }
0x1b2: {  	[tilespmem:$0x9A0] =	vst v1;
	v1 =	vadd.s32 v47, v3;
	v3 =	vld [tilespmem:$0x870]  }
0x1b3: {  	[tilespmem:$0xB80] =	vst v48  }
0x1b4: {  	[tilespmem:$0xB90] =	vst v49  }
0x1b5: {  	[tilespmem:$0x9B0] =	vst v1  }
0x1b6: {  	[tilespmem:$0xBA0] =	vst v2  }
0x1b7: {  	s29 =	simm.s32 $0x980;
	[tilespmem:$0xBB0] =	vst v3  }
0x1b8: {  	[tilespmem:s18], [sflag:$0x4] =	stream.indirect.gather [hbm4b:s7+s11], $0x80, s29, s11, $0xb8;
	[tilespmem:$0x1DA80] =	vst v63  }
0x1b9: {  	_ =	swait.ge [sflag:s16], $0x2000  }
0x1ba: {  	[sflag:s16] =	ssyncset.done $0x0  }
0x1bb: {  	[sflag:s16] =	ssyncadd.s32 $0xFFFFE000  }
0x1bc: {  	[spmem:s3] =	stream.indirect.scatter.add.f32 [tilespmem:s15], [sflag:$0x7], $0x80, s21, s11, $0xb8;
	[tilespmem:$0x1DA80] =	vst v63  }
0x1bd: {  	_ = 	snop  }
0x1be: {  	[spmem:s4] =	stream.indirect.scatter.add.f32 [tilespmem:s19], [sflag:$0x7], $0x1, s21, s11, $0xb8;
	[tilespmem:$0x1DA80] =	vst v63  }
0x1bf: {  	_ =	swait.ge [sflag:s5], $0x2000  }
0x1c0: {  	[sflag:s5] =	ssyncset.done $0x0  }
0x1c1: {  	[sflag:s5] =	ssyncadd.s32 $0xFFFFE000  }
0x1c2: {  	_ =	swait.ge [sflag:s5], $0x40  }
0x1c3: {  	[sflag:s5] =	ssyncset.done $0x0  }
0x1c4: {  	[sflag:s5] =	ssyncadd.s32 $0xFFFFFFC0  }
0x1c5: {  	v1 =	vld [tilespmem:$0x580]  }
0x1c6: {  	v2 =	vld [tilespmem:$0x280]  }
0x1c7: {  	v3 =	vld [tilespmem:$0x590]  }
0x1c8: {  	v50 =	vld [tilespmem:$0x290]  }
0x1c9: {  	v51 =	vld [tilespmem:$0x5A0]  }
0x1ca: {  	v52 =	vld [tilespmem:$0x5B0]  }
0x1cb: {  	v53 =	vld [tilespmem:$0x2A0]  }
0x1cc: {  	v54 =	vld [tilespmem:$0x2B0];
	v1 =	vmul.u32 $0x2710, v1  }
0x1cd: {  	v55 =	vld [tilespmem:$0x880];
	v3 =	vmul.u32 $0x2710, v3  }
0x1ce: {  	v56 =	vld [tilespmem:$0x890];
	v1 =	vadd.s32 v2, v1;
	v2 =	vmul.u32 $0x2710, v51  }
0x1cf: {  	[tilespmem:$0xA00] =	vst v1;
	v1 =	vadd.s32 v50, v3;
	v3 =	vmul.u32 $0x2710, v52  }
0x1d0: {  	[tilespmem:$0xA10] =	vst v1;
	v1 =	vadd.s32 v53, v2;
	v2 =	vld [tilespmem:$0x8A0]  }
0x1d1: {  	[tilespmem:$0xA20] =	vst v1;
	v1 =	vadd.s32 v54, v3;
	v3 =	vld [tilespmem:$0x8B0]  }
0x1d2: {  	[tilespmem:$0xC00] =	vst v55  }
0x1d3: {  	[tilespmem:$0xC10] =	vst v56  }
0x1d4: {  	[tilespmem:$0xA30] =	vst v1  }
0x1d5: {  	[tilespmem:$0xC20] =	vst v2  }
0x1d6: {  	s28 =	simm.s32 $0xA00;
	[tilespmem:$0xC30] =	vst v3  }
0x1d7: {  	[tilespmem:s23], [sflag:$0x5] =	stream.indirect.gather [hbm4b:s7+s11], $0x80, s28, s11, $0xb8;
	[tilespmem:$0x1DA80] =	vst v63  }
0x1d8: {  	_ =	swait.ge [sflag:s22], $0x2000  }
0x1d9: {  	[sflag:s22] =	ssyncset.done $0x0  }
0x1da: {  	[sflag:s22] =	ssyncadd.s32 $0xFFFFE000  }
0x1db: {  	[spmem:s3] =	stream.indirect.scatter.add.f32 [tilespmem:s18], [sflag:$0x8], $0x80, s25, s11, $0xb8;
	[tilespmem:$0x1DA80] =	vst v63  }
0x1dc: {  	_ = 	snop  }
0x1dd: {  	[spmem:s4] =	stream.indirect.scatter.add.f32 [tilespmem:s19], [sflag:$0x8], $0x1, s25, s11, $0xb8;
	[tilespmem:$0x1DA80] =	vst v63  }
0x1de: {  	_ =	swait.ge [sflag:s0], $0x2000  }
0x1df: {  	[sflag:s0] =	ssyncset.done $0x0  }
0x1e0: {  	[sflag:s0] =	ssyncadd.s32 $0xFFFFE000  }
0x1e1: {  	_ =	swait.ge [sflag:s0], $0x40  }
0x1e2: {  	[sflag:s0] =	ssyncset.done $0x0  }
0x1e3: {  	[sflag:s0] =	ssyncadd.s32 $0xFFFFFFC0  }
0x1e4: {  	v1 =	vld [tilespmem:$0x5C0]  }
0x1e5: {  	v2 =	vld [tilespmem:$0x2C0]  }
0x1e6: {  	v3 =	vld [tilespmem:$0x5D0]  }
0x1e7: {  	v57 =	vld [tilespmem:$0x2D0]  }
0x1e8: {  	v58 =	vld [tilespmem:$0x5E0]  }
0x1e9: {  	v59 =	vld [tilespmem:$0x5F0]  }
0x1ea: {  	v60 =	vld [tilespmem:$0x2E0]  }
0x1eb: {  	v61 =	vld [tilespmem:$0x2F0];
	v1 =	vmul.u32 $0x2710, v1  }
0x1ec: {  	v62 =	vld [tilespmem:$0x8C0];
	v3 =	vmul.u32 $0x2710, v3  }
0x1ed: {  	v63 =	vld [tilespmem:$0x8D0];
	v1 =	vadd.s32 v2, v1;
	v2 =	vmul.u32 $0x2710, v58  }
0x1ee: {  	[tilespmem:$0xA80] =	vst v1;
	v1 =	vadd.s32 v57, v3;
	v3 =	vmul.u32 $0x2710, v59  }
0x1ef: {  	[tilespmem:$0xA90] =	vst v1;
	v1 =	vadd.s32 v60, v2;
	v2 =	vld [tilespmem:$0x8E0]  }
0x1f0: {  	[tilespmem:$0xAA0] =	vst v1;
	v1 =	vadd.s32 v61, v3;
	v3 =	vld [tilespmem:$0x8F0]  }
0x1f1: {  	[tilespmem:$0xC80] =	vst v62  }
0x1f2: {  	[tilespmem:$0xC90] =	vst v63  }
0x1f3: {  	[tilespmem:$0xAB0] =	vst v1  }
0x1f4: {  	[tilespmem:$0xCA0] =	vst v2  }
0x1f5: {  	[tilespmem:$0xCB0] =	vst v3  }
0x1f6: {  	[tilespmem:s17], [sflag:$0x6] =	stream.indirect.gather [hbm4b:s7+s11], $0x80, s13, s11, $0xb8;
	[tilespmem:$0x1DA80] =	vst v63  }
0x1f7: {  	_ =	swait.ge [sflag:s30], $0x2000  }
0x1f8: {  	[sflag:s30] =	ssyncset.done $0x0  }
0x1f9: {  	[sflag:s30] =	ssyncadd.s32 $0xFFFFE000  }
0x1fa: {  	[spmem:s3] =	stream.indirect.scatter.add.f32 [tilespmem:s23], [sflag:$0x9], $0x80, s1, s11, $0xb8;
	[tilespmem:$0x1DA80] =	vst v63  }
0x1fb: {  	_ = 	snop  }
0x1fc: {  	[spmem:s4] =	stream.indirect.scatter.add.f32 [tilespmem:s19], [sflag:$0x9], $0x1, s1, s11, $0xb8;
	[tilespmem:$0x1DA80] =	vst v63  }
0x1fd: {  	_ =	swait.ge [sflag:s10], $0x2000  }
0x1fe: {  	[sflag:s10] =	ssyncset.done $0x0  }
0x1ff: {  	[sflag:s10] =	ssyncadd.s32 $0xFFFFE000  }
0x200: {  	_ =	swait.ge [sflag:s10], $0x40  }
0x201: {  	[sflag:s10] =	ssyncset.done $0x0  }
0x202: {  	s6 =	simm.s32 @!p0 $0x1;
	[sflag:s10] =	ssyncadd.s32 $0xFFFFFFC0  }
0x203: {  	_ =	swait.ge @!p0 [sflag:s6], $0x180  }
0x204: {  	[sflag:s6] =	ssyncset.done @!p0 $0x0  }
0x205: {  	[sflag:s6] =	ssyncadd.s32 @!p0 $0xFFFFFE80  }
0x206: {  	_ =	swait.ge @!p0 [sflag:s6], $0x180  }
0x207: {  	[sflag:s6] =	ssyncset.done @!p0 $0x0  }
0x208: {  	[sflag:s6] =	ssyncadd.s32 @!p0 $0xFFFFFE80  }
0x209: {  	_ =	swait.ge @!p0 [sflag:s6], $0x180  }
0x20a: {  	[sflag:s6] =	ssyncset.done @!p0 $0x0  }
0x20b: {  	[sflag:s6] =	ssyncadd.s32 @!p0 $0xFFFFFE80  }
0x20c: {  	v1 =	vld @!p0 [tilespmem:$0x300]  }
0x20d: {  	v2 =	vld @!p0 [tilespmem:$0x0]  }
0x20e: {  	v3 =	vld @!p0 [tilespmem:$0x310]  }
0x20f: {  	v4 =	vld @!p0 [tilespmem:$0x10]  }
0x210: {  	v5 =	vld @!p0 [tilespmem:$0x320]  }
0x211: {  	v6 =	vld @!p0 [tilespmem:$0x330]  }
0x212: {  	v7 =	vld @!p0 [tilespmem:$0x20]  }
0x213: {  	v8 =	vld @!p0 [tilespmem:$0x30];
	v1 =	vmul.u32 @!p0 $0x2710, v1  }
0x214: {  	v3 =	vmul.u32 @!p0 $0x2710, v3  }
0x215: {  	v1 =	vadd.s32 @!p0 v2, v1;
	v2 =	vmul.u32 @!p0 $0x2710, v5;
	v5 =	vld @!p0 [tilespmem:$0x600]  }
0x216: {  	[tilespmem:$0x900] =	vst @!p0 v1;
	v1 =	vadd.s32 @!p0 v4, v3;
	v3 =	vmul.u32 @!p0 $0x2710, v6;
	v4 =	vld @!p0 [tilespmem:$0x610]  }
0x217: {  	[tilespmem:$0x910] =	vst @!p0 v1;
	v1 =	vadd.s32 @!p0 v7, v2;
	v2 =	vld @!p0 [tilespmem:$0x620]  }
0x218: {  	[tilespmem:$0x920] =	vst @!p0 v1;
	v1 =	vadd.s32 @!p0 v8, v3;
	v3 =	vld @!p0 [tilespmem:$0x630]  }
0x219: {  	[tilespmem:$0x930] =	vst @!p0 v1  }
0x21a: {  	[tilespmem:$0xB00] =	vst @!p0 v5  }
0x21b: {  	[tilespmem:$0xB10] =	vst @!p0 v4  }
0x21c: {  	[tilespmem:$0xB20] =	vst @!p0 v2  }
0x21d: {  	s12 =	simm.s32 @!p0 $0x900;
	s28 =	simm.s32 @!p0 $0xD00;
	s6 =	simm.s32 @!p0 $0x40;
	[tilespmem:$0xB30] =	vst @!p0 v3  }
0x21e: {  	[tilespmem:s28], [sflag:$0x3] =	stream.indirect.gather @!p0 [hbm4b:s7+s6], $0x80, s12, s6, $0xb8;
	[tilespmem:$0x1DA80] =	vst v63  }
0x21f: {  	_ =	swait.ge [sflag:s9], $0x2000  }
0x220: {  	[sflag:s9] =	ssyncset.done $0x0  }
0x221: {  	[sflag:s9] =	ssyncadd.s32 $0xFFFFE000  }
0x222: {  	[spmem:s3] =	stream.indirect.scatter.add.f32 [tilespmem:s17], [sflag:$0xA], $0x80, s8, s11, $0xb8;
	[tilespmem:$0x1DA80] =	vst v63  }
0x223: {  	_ = 	snop  }
0x224: {  	[spmem:s4] =	stream.indirect.scatter.add.f32 [tilespmem:s19], [sflag:$0xA], $0x1, s8, s11, $0xb8;
	[tilespmem:$0x1DA80] =	vst v63  }
0x225: {  	_ =	swait.ge [sflag:s2], $0x2000  }
.Ltmp2:
0x226: {  	[sflag:s2] =	ssyncset.done $0x0;
	(pc) =	sbr.rel @p0 .LBB2_4-.Ltmp2, $4  }
0x227: {  	[sflag:s2] =	ssyncadd.s32 $0xFFFFE000  }
0x228: {  	_ =	swait.ge [sflag:s2], $0x40  }
0x229: {  	[sflag:s2] =	ssyncset.done $0x0  }
0x22a: {  	s14 =	simm.s32 $0x900;
	s20 =	simm.s32 $0xD00;
	[sflag:s2] =	ssyncadd.s32 $0xFFFFFFC0  }
0x22b: {  	v1 =	vld [tilespmem:$0x340]  }
0x22c: {  	v2 =	vld [tilespmem:$0x40]  }
0x22d: {  	v3 =	vld [tilespmem:$0x350]  }
0x22e: {  	v4 =	vld [tilespmem:$0x50]  }
0x22f: {  	v5 =	vld [tilespmem:$0x360]  }
0x230: {  	v6 =	vld [tilespmem:$0x370]  }
0x231: {  	v7 =	vld [tilespmem:$0x60]  }
0x232: {  	v8 =	vld [tilespmem:$0x70];
	v1 =	vmul.u32 $0x2710, v1  }
0x233: {  	v62 =	vld [tilespmem:$0x640];
	v3 =	vmul.u32 $0x2710, v3  }
0x234: {  	v63 =	vld [tilespmem:$0x650];
	v1 =	vadd.s32 v2, v1;
	v2 =	vmul.u32 $0x2710, v5  }
0x235: {  	[tilespmem:$0x980] =	vst v1;
	v1 =	vadd.s32 v4, v3;
	v3 =	vmul.u32 $0x2710, v6  }
0x236: {  	[tilespmem:$0x990] =	vst v1;
	v1 =	vadd.s32 v7, v2;
	v2 =	vld [tilespmem:$0x660]  }
0x237: {  	[tilespmem:$0x9A0] =	vst v1;
	v1 =	vadd.s32 v8, v3;
	v3 =	vld [tilespmem:$0x670]  }
0x238: {  	[tilespmem:$0xB80] =	vst v62  }
0x239: {  	[tilespmem:$0xB90] =	vst v63  }
0x23a: {  	[tilespmem:$0x9B0] =	vst v1  }
0x23b: {  	[tilespmem:$0xBA0] =	vst v2  }
0x23c: {  	s6 =	rddreg [dreg:$0x1a];
	s12 =	simm.s32 $0x0;
	s28 =	simm.s32 $0x180;
	[tilespmem:$0xBB0] =	vst v3  }
0x23d: {  	[tilespmem:s18], [sflag:$0x4] =	stream.indirect.gather [hbm4b:s7+s11], $0x80, s29, s11, $0xb8;
	[tilespmem:$0x1DA80] =	vst v63  }
0x23e: {  	s8 =	rddreg [dreg:$0x19];
	s13 =	simm.s32 $0x480;
	s6 =	sadd.s32 s26, s6  }
0x23f: {  	[tilespmem:s28], [sflag:$0x2] =	stream.linear.gather [hbm4b:s6+s12], $0x180, $0x38;
	[tilespmem:$0x1DA80] =	vst v63  }
.Ltmp3:
0x240: {  	s14 =	rddreg [dreg:$0x18];
	s6 =	sadd.s32 s26, s8;
	(pc) =	sbr.rel .LBB2_2-.Ltmp3, $4  }
0x241: {  	[tilespmem:s13], [sflag:$0x2] =	stream.linear.gather [hbm4b:s6+s12], $0x180, $0x38;
	[tilespmem:$0x1DA80] =	vst v63  }
0x242: {  	s20 =	simm.s32 $0x780;
	s6 =	sadd.s32 s26, s14  }
0x243: {  	[tilespmem:s20], [sflag:$0x2] =	stream.linear.gather [hbm4b:s6+s12], $0x180, $0x38;
	[tilespmem:$0x1DA80] =	vst v63  }
0x244: {  	s26 =	sadd.s32 $0x60, s26;
	s13 =	simm.s32 $0x2D00;
	s6 =	sadd.s32 $0x300, s24  }
.LBB2_5:
0x245: {  	_ =	sfence.sel $0x180000  }
0x246: {  	[bflag:$0x0] =	sbarrier.arrive $0xFFFF  }
0x247: {  	_ =	strace $0x90000047  }
0x248: {  	s0 =	stileid.u32;
	[bflag:$0x2] =	sbarrier.arrive $0xFFFF  }
0x249: {  	p0 =	sne.s32 s0, $0x0;
	s0 =	rddreg [dreg:$0x5]  }
0x24a: {  	s0 =	sadd.s32 @!p0 $0x100000, s0  }
0x24b: {  	[sflag:s0] =	ssyncadd.tile.s32 @!p0 $0x1;
	_ =	shalt  }
.Lfunc_end2:
_tile_overlayer_lowered:
.L_overlay_start_2:
0x24c: {  	(tag) =	ssettag $0x2  }
0x24d: {  	s0 =	rddreg [dreg:$0x0];
	s2 =	stileid.u32  }
0x24e: {  	s1 =	rddreg [dreg:$0x1];
	p0 =	sne.s32 s2, $0x0  }
0x24f: {  	s3 =	rddreg [dreg:$0x2];
	[bflag:$0x3] =	sbarrier.arrive $0xFFFF;
	s2 =	simm.s32 @!p0 $0x1C0C  }
0x250: {  	[timem:s3], [sflag:s2] =	dma.local @!p0 [hbm:s0], s1  }
0x251: {  	s0 =	simm.s32 @!p0 $0xC  }
0x252: {  	_ =	swait.ge @!p0 [sflag:s0], s1  }
0x253: {  	s1 =	ssub.s32 @!p0 $0x0, s1;
	[sflag:s0] =	ssyncset.done @!p0 $0x0  }
0x254: {  	[sflag:s0] =	ssyncadd.s32 @!p0 s1  }
0x255: {  	[bflag:$0x3] =	sbarrier.arrive $0xFFFF  }
0x256: {  	_ =	shalt  }

</sc_bundles>
